<compile_context>
chip_gen: v7x
topology: tpu7x:2x2x1
jax: 0.10.2.dev20260603
libtpu: 0.0.44.dev20260713+nightly
codegen_flags: <defaults>
</compile_context>

<pallas_src>
import jax
import jax.numpy as jnp
from jax import lax
from jax.experimental import pallas as pl
from jax.experimental.pallas import tpu as pltpu
from jax.experimental.pallas import tpu_sc as plsc
import functools

B = 16384
N_FIELDS = 26
VOCAB = 100000
VSTRIDE = 100096
N_NUM = 13
NF0 = 13
NF1 = N_FIELDS - NF0

NC = 2
NS = 16
L = 16
NW = NC * NS
BPW = B // NW
NV = BPW // L


def _fm_body(xcT_hbm, xnT_hbm, table_hbm, wb_hbm, bb_hbm, out_hbm,
             idx_v, xn_v, vals_v, wb_v, bb_v, acc_v, out_v,
             s0, s1, sn, g0, g1):
    wid = lax.axis_index("s") * NC + lax.axis_index("c")
    base = wid * BPW

    cp0 = [
        pltpu.async_copy(xcT_hbm.at[pl.ds(f * B + base, BPW)],
                         idx_v.at[pl.ds(f * BPW, BPW)], s0)
        for f in range(NF0)
    ]
    cp1 = [
        pltpu.async_copy(xcT_hbm.at[pl.ds(f * B + base, BPW)],
                         idx_v.at[pl.ds(f * BPW, BPW)], s1)
        for f in range(NF0, N_FIELDS)
    ]
    cpn = [
        pltpu.async_copy(xnT_hbm.at[pl.ds(f * B + base, BPW)],
                         xn_v.at[pl.ds(f * BPW, BPW)], sn)
        for f in range(N_NUM)
    ]
    pltpu.sync_copy(wb_hbm, wb_v)
    pltpu.sync_copy(bb_hbm, bb_v)

    for c in cp0:
        c.wait()

    gcp0 = [pltpu.async_copy(
        table_hbm.at[f, 0].at[idx_v.at[pl.ds(f * BPW, BPW)]],
        vals_v.at[pl.ds(f * BPW, BPW)], g0) for f in range(NF0)]

    for c in cp1:
        c.wait()

    gcp1 = [pltpu.async_copy(
        table_hbm.at[f, 0].at[idx_v.at[pl.ds(f * BPW, BPW)]],
        vals_v.at[pl.ds(f * BPW, BPW)], g1) for f in range(NF0, N_FIELDS)]

    for c in cpn:
        c.wait()
    for c in gcp0:
        c.wait()

    def red0(j, _):
        acc = bb_v[:]
        for f in range(NF0):
            acc = acc + vals_v[pl.ds(f * BPW + j * L, L)]
        for f in range(N_NUM):
            acc = acc + xn_v[pl.ds(f * BPW + j * L, L)] * wb_v[pl.ds(f * L, L)]
        acc_v[pl.ds(j * L, L)] = acc
        return 0

    lax.fori_loop(0, NV, red0, 0)
    for c in gcp1:
        c.wait()

    def red1(j, _):
        acc = acc_v[pl.ds(j * L, L)]
        for f in range(NF0, N_FIELDS):
            acc = acc + vals_v[pl.ds(f * BPW + j * L, L)]
        out_v[pl.ds(j * L, L)] = 1.0 / (1.0 + jnp.exp(-acc))
        return 0

    lax.fori_loop(0, NV, red1, 0)

    pltpu.sync_copy(out_v, out_hbm.at[pl.ds(base, BPW)])


@functools.partial(
    pl.kernel,
    out_type=jax.ShapeDtypeStruct((B,), jnp.float32),
    mesh=plsc.VectorSubcoreMesh(core_axis_name="c", subcore_axis_name="s"),
    compiler_params=pltpu.CompilerParams(needs_layout_passes=False),
    scratch_types=[
        pltpu.VMEM((N_FIELDS * BPW,), jnp.int32),
        pltpu.VMEM((N_NUM * BPW,), jnp.float32),
        pltpu.VMEM((N_FIELDS * BPW,), jnp.float32),
        pltpu.VMEM((N_NUM * L,), jnp.float32),
        pltpu.VMEM((L,), jnp.float32),
        pltpu.VMEM((BPW,), jnp.float32),
        pltpu.VMEM((BPW,), jnp.float32),
        pltpu.SemaphoreType.DMA,
        pltpu.SemaphoreType.DMA,
        pltpu.SemaphoreType.DMA,
        pltpu.SemaphoreType.DMA,
        pltpu.SemaphoreType.DMA,
    ],
)
def _fm_sc(*args):
    _fm_body(*args)


def kernel(Xc, Xn, emb_tables, W, b):
    table_t = jnp.transpose(emb_tables, (0, 2, 1))
    xcT = Xc.T.reshape(-1)
    xnT = Xn.T.reshape(-1)
    wb = jnp.broadcast_to(W[0][:, None], (N_NUM, L)).reshape(-1)
    bb = jnp.broadcast_to(b, (L,))
    out = _fm_sc(xcT, xnT, table_t, wb, bb)
    return out[:, None]

# --- scband reference (transcript-rebuilt; emitter-appended) ---
"""Pipeline reference for scband-factorization-machine-tokenized-8778913153594 (READ-ONLY COPY).

The authoritative reference and input builder live on the scoring server;
editing this copy changes nothing except your own understanding.
"""

import jax, jax.numpy as jnp
import numpy as np

B = 16384
N_FIELDS = 26
VOCAB = 100000
N_NUM = 13


def setup_inputs(seed: int = 0) -> dict:
    key = jax.random.key(seed)
    k1, k2, k3, k4 = jax.random.split(key, 4)
    Xc = jax.random.randint(k1, (B, N_FIELDS), 0, VOCAB, dtype=jnp.int32)
    Xn = jax.random.normal(k2, (B, N_NUM), dtype=jnp.float32)
    # 26 per-field nn.Embedding(VOCAB, 1) tables, stacked: [N_FIELDS, VOCAB, 1]
    emb_tables = jax.random.normal(k3, (N_FIELDS, VOCAB, 1), dtype=jnp.float32) * 0.01
    # nn.Linear(n_numerical, 1)
    W = jax.random.normal(k4, (1, N_NUM), dtype=jnp.float32) * 0.1
    b = jnp.zeros((1,), dtype=jnp.float32)
    return {"Xc": Xc, "Xn": Xn, "emb_tables": emb_tables, "W": W, "b": b}


def reference(Xc, Xn, emb_tables, W, b):
    # CategoricalLinear: per-field embedding lookup (dim 1), concat, sum -> [B, 1]
    # emb_tables[..., 0]: [N_FIELDS, VOCAB]; Xc.T: [N_FIELDS, B]
    gathered = jnp.take_along_axis(emb_tables[..., 0], Xc.T, axis=1)  # [N_FIELDS, B]
    out_c = gathered.sum(axis=0)[:, None]  # [B, 1]
    # Linear on numerical features
    out_n = Xn @ W.T + b  # [B, 1]
    return jax.nn.sigmoid(out_n + out_c)

if __name__ == "__main__":
    import jax
    _d = setup_inputs()
    print(jax.jit(kernel)(*tuple(_d.values())))

</pallas_src>

<mosaic_0001>
#map = affine_map<(d0, d1) -> (0)>
#map1 = affine_map<(d0, d1) -> (0, 0, 0)>
module attributes {stable_mosaic.version = 14 : i64} {
  func.func @_fm_sc(%arg0: i32, %arg1: i32, %arg2: memref<425984xi32, #tpu.memory_space<hbm>>, %arg3: memref<212992xf32, #tpu.memory_space<hbm>>, %arg4: memref<26x1x100000xf32, #tpu.memory_space<hbm>>, %arg5: memref<208xf32, #tpu.memory_space<hbm>>, %arg6: memref<16xf32, #tpu.memory_space<hbm>>, %arg7: memref<16384xf32, #tpu.memory_space<hbm>>, %arg8: memref<13312xi32, #tpu.memory_space<vmem>>, %arg9: memref<6656xf32, #tpu.memory_space<vmem>>, %arg10: memref<13312xf32, #tpu.memory_space<vmem>>, %arg11: memref<208xf32, #tpu.memory_space<vmem>>, %arg12: memref<16xf32, #tpu.memory_space<vmem>>, %arg13: memref<512xf32, #tpu.memory_space<vmem>>, %arg14: memref<512xf32, #tpu.memory_space<vmem>>, %arg15: memref<!tpu.dma_semaphore, #tpu.memory_space<semaphore_mem>>, %arg16: memref<!tpu.dma_semaphore, #tpu.memory_space<semaphore_mem>>, %arg17: memref<!tpu.dma_semaphore, #tpu.memory_space<semaphore_mem>>, %arg18: memref<!tpu.dma_semaphore, #tpu.memory_space<semaphore_mem>>, %arg19: memref<!tpu.dma_semaphore, #tpu.memory_space<semaphore_mem>>) attributes {dimension_semantics = [#tpu.dimension_semantics<core_parallel>, #tpu.dimension_semantics<subcore_parallel>], iteration_bounds = array<i64: 2, 16>, scalar_prefetch = 0 : i64, scratch_operands = 12 : i64, tpu.core_type = #tpu.core_type<sc_vector_subcore>, window_params = [{transform_indices = #map}, {transform_indices = #map}, {transform_indices = #map1}, {transform_indices = #map}, {transform_indices = #map}, {transform_indices = #map}]} {
    %mul3A = arith.constant 2 : i32
    %mul3A_0 = arith.muli %arg1, %mul3A : i32
    %add3A = arith.addi %mul3A_0, %arg0 : i32
    %mul3A_1 = arith.constant 512 : i32
    %mul3A_2 = arith.muli %add3A, %mul3A_1 : i32
    %add3A_3 = arith.constant 0 : i32
    %add3A_4 = arith.addi %add3A_3, %mul3A_2 : i32
    %dma_start3A = arith.constant 0 : i32
    %dma_start3A_5 = tpu.memref_slice %arg8[%dma_start3A] : memref<13312xi32, #tpu.memory_space<vmem>> -> memref<512xi32, #tpu.memory_space<vmem>>
    %dma_start3A_6 = tpu.memref_slice %arg2[%add3A_4] : memref<425984xi32, #tpu.memory_space<hbm>> -> memref<512xi32, #tpu.memory_space<hbm>>
    %dma_start3A_7 = arith.constant 0 : i32
    %dma_start3A_8 = tpu.memref_slice %arg8[%dma_start3A_7] : memref<13312xi32, #tpu.memory_space<vmem>> -> memref<512xi32, #tpu.memory_space<vmem>>
    %dma_start3A_9 = tpu.memref_slice %arg2[%add3A_4] : memref<425984xi32, #tpu.memory_space<hbm>> -> memref<512xi32, #tpu.memory_space<hbm>>
    tpu.enqueue_dma source(%dma_start3A_9 : memref<512xi32, #tpu.memory_space<hbm>>) target(%dma_start3A_8 : memref<512xi32, #tpu.memory_space<vmem>>) target_semaphore(%arg15 : memref<!tpu.dma_semaphore, #tpu.memory_space<semaphore_mem>>)
    %add3A_10 = arith.constant 16384 : i32
    %add3A_11 = arith.addi %add3A_10, %mul3A_2 : i32
    %dma_start3A_12 = arith.constant 512 : i32
    %dma_start3A_13 = tpu.memref_slice %arg8[%dma_start3A_12] : memref<13312xi32, #tpu.memory_space<vmem>> -> memref<512xi32, #tpu.memory_space<vmem>>
    %dma_start3A_14 = tpu.memref_slice %arg2[%add3A_11] : memref<425984xi32, #tpu.memory_space<hbm>> -> memref<512xi32, #tpu.memory_space<hbm>>
    %dma_start3A_15 = arith.constant 512 : i32
    %dma_start3A_16 = tpu.memref_slice %arg8[%dma_start3A_15] : memref<13312xi32, #tpu.memory_space<vmem>> -> memref<512xi32, #tpu.memory_space<vmem>>
    %dma_start3A_17 = tpu.memref_slice %arg2[%add3A_11] : memref<425984xi32, #tpu.memory_space<hbm>> -> memref<512xi32, #tpu.memory_space<hbm>>
    tpu.enqueue_dma source(%dma_start3A_17 : memref<512xi32, #tpu.memory_space<hbm>>) target(%dma_start3A_16 : memref<512xi32, #tpu.memory_space<vmem>>) target_semaphore(%arg15 : memref<!tpu.dma_semaphore, #tpu.memory_space<semaphore_mem>>)
    %add3A_18 = arith.constant 32768 : i32
    %add3A_19 = arith.addi %add3A_18, %mul3A_2 : i32
    %dma_start3A_20 = arith.constant 1024 : i32
    %dma_start3A_21 = tpu.memref_slice %arg8[%dma_start3A_20] : memref<13312xi32, #tpu.memory_space<vmem>> -> memref<512xi32, #tpu.memory_space<vmem>>
    %dma_start3A_22 = tpu.memref_slice %arg2[%add3A_19] : memref<425984xi32, #tpu.memory_space<hbm>> -> memref<512xi32, #tpu.memory_space<hbm>>
    %dma_start3A_23 = arith.constant 1024 : i32
    %dma_start3A_24 = tpu.memref_slice %arg8[%dma_start3A_23] : memref<13312xi32, #tpu.memory_space<vmem>> -> memref<512xi32, #tpu.memory_space<vmem>>
    %dma_start3A_25 = tpu.memref_slice %arg2[%add3A_19] : memref<425984xi32, #tpu.memory_space<hbm>> -> memref<512xi32, #tpu.memory_space<hbm>>
    tpu.enqueue_dma source(%dma_start3A_25 : memref<512xi32, #tpu.memory_space<hbm>>) target(%dma_start3A_24 : memref<512xi32, #tpu.memory_space<vmem>>) target_semaphore(%arg15 : memref<!tpu.dma_semaphore, #tpu.memory_space<semaphore_mem>>)
    %add3A_26 = arith.constant 49152 : i32
    %add3A_27 = arith.addi %add3A_26, %mul3A_2 : i32
    %dma_start3A_28 = arith.constant 1536 : i32
    %dma_start3A_29 = tpu.memref_slice %arg8[%dma_start3A_28] : memref<13312xi32, #tpu.memory_space<vmem>> -> memref<512xi32, #tpu.memory_space<vmem>>
    %dma_start3A_30 = tpu.memref_slice %arg2[%add3A_27] : memref<425984xi32, #tpu.memory_space<hbm>> -> memref<512xi32, #tpu.memory_space<hbm>>
    %dma_start3A_31 = arith.constant 1536 : i32
    %dma_start3A_32 = tpu.memref_slice %arg8[%dma_start3A_31] : memref<13312xi32, #tpu.memory_space<vmem>> -> memref<512xi32, #tpu.memory_space<vmem>>
    %dma_start3A_33 = tpu.memref_slice %arg2[%add3A_27] : memref<425984xi32, #tpu.memory_space<hbm>> -> memref<512xi32, #tpu.memory_space<hbm>>
    tpu.enqueue_dma source(%dma_start3A_33 : memref<512xi32, #tpu.memory_space<hbm>>) target(%dma_start3A_32 : memref<512xi32, #tpu.memory_space<vmem>>) target_semaphore(%arg15 : memref<!tpu.dma_semaphore, #tpu.memory_space<semaphore_mem>>)
    %add3A_34 = arith.constant 65536 : i32
    %add3A_35 = arith.addi %add3A_34, %mul3A_2 : i32
    %dma_start3A_36 = arith.constant 2048 : i32
    %dma_start3A_37 = tpu.memref_slice %arg8[%dma_start3A_36] : memref<13312xi32, #tpu.memory_space<vmem>> -> memref<512xi32, #tpu.memory_space<vmem>>
    %dma_start3A_38 = tpu.memref_slice %arg2[%add3A_35] : memref<425984xi32, #tpu.memory_space<hbm>> -> memref<512xi32, #tpu.memory_space<hbm>>
    %dma_start3A_39 = arith.constant 2048 : i32
    %dma_start3A_40 = tpu.memref_slice %arg8[%dma_start3A_39] : memref<13312xi32, #tpu.memory_space<vmem>> -> memref<512xi32, #tpu.memory_space<vmem>>
    %dma_start3A_41 = tpu.memref_slice %arg2[%add3A_35] : memref<425984xi32, #tpu.memory_space<hbm>> -> memref<512xi32, #tpu.memory_space<hbm>>
    tpu.enqueue_dma source(%dma_start3A_41 : memref<512xi32, #tpu.memory_space<hbm>>) target(%dma_start3A_40 : memref<512xi32, #tpu.memory_space<vmem>>) target_semaphore(%arg15 : memref<!tpu.dma_semaphore, #tpu.memory_space<semaphore_mem>>)
    %add3A_42 = arith.constant 81920 : i32
    %add3A_43 = arith.addi %add3A_42, %mul3A_2 : i32
    %dma_start3A_44 = arith.constant 2560 : i32
    %dma_start3A_45 = tpu.memref_slice %arg8[%dma_start3A_44] : memref<13312xi32, #tpu.memory_space<vmem>> -> memref<512xi32, #tpu.memory_space<vmem>>
    %dma_start3A_46 = tpu.memref_slice %arg2[%add3A_43] : memref<425984xi32, #tpu.memory_space<hbm>> -> memref<512xi32, #tpu.memory_space<hbm>>
    %dma_start3A_47 = arith.constant 2560 : i32
    %dma_start3A_48 = tpu.memref_slice %arg8[%dma_start3A_47] : memref<13312xi32, #tpu.memory_space<vmem>> -> memref<512xi32, #tpu.memory_space<vmem>>
    %dma_start3A_49 = tpu.memref_slice %arg2[%add3A_43] : memref<425984xi32, #tpu.memory_space<hbm>> -> memref<512xi32, #tpu.memory_space<hbm>>
    tpu.enqueue_dma source(%dma_start3A_49 : memref<512xi32, #tpu.memory_space<hbm>>) target(%dma_start3A_48 : memref<512xi32, #tpu.memory_space<vmem>>) target_semaphore(%arg15 : memref<!tpu.dma_semaphore, #tpu.memory_space<semaphore_mem>>)
    %add3A_50 = arith.constant 98304 : i32
    %add3A_51 = arith.addi %add3A_50, %mul3A_2 : i32
    %dma_start3A_52 = arith.constant 3072 : i32
    %dma_start3A_53 = tpu.memref_slice %arg8[%dma_start3A_52] : memref<13312xi32, #tpu.memory_space<vmem>> -> memref<512xi32, #tpu.memory_space<vmem>>
    %dma_start3A_54 = tpu.memref_slice %arg2[%add3A_51] : memref<425984xi32, #tpu.memory_space<hbm>> -> memref<512xi32, #tpu.memory_space<hbm>>
    %dma_start3A_55 = arith.constant 3072 : i32
    %dma_start3A_56 = tpu.memref_slice %arg8[%dma_start3A_55] : memref<13312xi32, #tpu.memory_space<vmem>> -> memref<512xi32, #tpu.memory_space<vmem>>
    %dma_start3A_57 = tpu.memref_slice %arg2[%add3A_51] : memref<425984xi32, #tpu.memory_space<hbm>> -> memref<512xi32, #tpu.memory_space<hbm>>
    tpu.enqueue_dma source(%dma_start3A_57 : memref<512xi32, #tpu.memory_space<hbm>>) target(%dma_start3A_56 : memref<512xi32, #tpu.memory_space<vmem>>) target_semaphore(%arg15 : memref<!tpu.dma_semaphore, #tpu.memory_space<semaphore_mem>>)
    %add3A_58 = arith.constant 114688 : i32
    %add3A_59 = arith.addi %add3A_58, %mul3A_2 : i32
    %dma_start3A_60 = arith.constant 3584 : i32
    %dma_start3A_61 = tpu.memref_slice %arg8[%dma_start3A_60] : memref<13312xi32, #tpu.memory_space<vmem>> -> memref<512xi32, #tpu.memory_space<vmem>>
    %dma_start3A_62 = tpu.memref_slice %arg2[%add3A_59] : memref<425984xi32, #tpu.memory_space<hbm>> -> memref<512xi32, #tpu.memory_space<hbm>>
    %dma_start3A_63 = arith.constant 3584 : i32
    %dma_start3A_64 = tpu.memref_slice %arg8[%dma_start3A_63] : memref<13312xi32, #tpu.memory_space<vmem>> -> memref<512xi32, #tpu.memory_space<vmem>>
    %dma_start3A_65 = tpu.memref_slice %arg2[%add3A_59] : memref<425984xi32, #tpu.memory_space<hbm>> -> memref<512xi32, #tpu.memory_space<hbm>>
    tpu.enqueue_dma source(%dma_start3A_65 : memref<512xi32, #tpu.memory_space<hbm>>) target(%dma_start3A_64 : memref<512xi32, #tpu.memory_space<vmem>>) target_semaphore(%arg15 : memref<!tpu.dma_semaphore, #tpu.memory_space<semaphore_mem>>)
    %add3A_66 = arith.constant 131072 : i32
    %add3A_67 = arith.addi %add3A_66, %mul3A_2 : i32
    %dma_start3A_68 = arith.constant 4096 : i32
    %dma_start3A_69 = tpu.memref_slice %arg8[%dma_start3A_68] : memref<13312xi32, #tpu.memory_space<vmem>> -> memref<512xi32, #tpu.memory_space<vmem>>
    %dma_start3A_70 = tpu.memref_slice %arg2[%add3A_67] : memref<425984xi32, #tpu.memory_space<hbm>> -> memref<512xi32, #tpu.memory_space<hbm>>
    %dma_start3A_71 = arith.constant 4096 : i32
    %dma_start3A_72 = tpu.memref_slice %arg8[%dma_start3A_71] : memref<13312xi32, #tpu.memory_space<vmem>> -> memref<512xi32, #tpu.memory_space<vmem>>
    %dma_start3A_73 = tpu.memref_slice %arg2[%add3A_67] : memref<425984xi32, #tpu.memory_space<hbm>> -> memref<512xi32, #tpu.memory_space<hbm>>
    tpu.enqueue_dma source(%dma_start3A_73 : memref<512xi32, #tpu.memory_space<hbm>>) target(%dma_start3A_72 : memref<512xi32, #tpu.memory_space<vmem>>) target_semaphore(%arg15 : memref<!tpu.dma_semaphore, #tpu.memory_space<semaphore_mem>>)
    %add3A_74 = arith.constant 147456 : i32
    %add3A_75 = arith.addi %add3A_74, %mul3A_2 : i32
    %dma_start3A_76 = arith.constant 4608 : i32
    %dma_start3A_77 = tpu.memref_slice %arg8[%dma_start3A_76] : memref<13312xi32, #tpu.memory_space<vmem>> -> memref<512xi32, #tpu.memory_space<vmem>>
    %dma_start3A_78 = tpu.memref_slice %arg2[%add3A_75] : memref<425984xi32, #tpu.memory_space<hbm>> -> memref<512xi32, #tpu.memory_space<hbm>>
    %dma_start3A_79 = arith.constant 4608 : i32
    %dma_start3A_80 = tpu.memref_slice %arg8[%dma_start3A_79] : memref<13312xi32, #tpu.memory_space<vmem>> -> memref<512xi32, #tpu.memory_space<vmem>>
    %dma_start3A_81 = tpu.memref_slice %arg2[%add3A_75] : memref<425984xi32, #tpu.memory_space<hbm>> -> memref<512xi32, #tpu.memory_space<hbm>>
    tpu.enqueue_dma source(%dma_start3A_81 : memref<512xi32, #tpu.memory_space<hbm>>) target(%dma_start3A_80 : memref<512xi32, #tpu.memory_space<vmem>>) target_semaphore(%arg15 : memref<!tpu.dma_semaphore, #tpu.memory_space<semaphore_mem>>)
    %add3A_82 = arith.constant 163840 : i32
    %add3A_83 = arith.addi %add3A_82, %mul3A_2 : i32
    %dma_start3A_84 = arith.constant 5120 : i32
    %dma_start3A_85 = tpu.memref_slice %arg8[%dma_start3A_84] : memref<13312xi32, #tpu.memory_space<vmem>> -> memref<512xi32, #tpu.memory_space<vmem>>
    %dma_start3A_86 = tpu.memref_slice %arg2[%add3A_83] : memref<425984xi32, #tpu.memory_space<hbm>> -> memref<512xi32, #tpu.memory_space<hbm>>
    %dma_start3A_87 = arith.constant 5120 : i32
    %dma_start3A_88 = tpu.memref_slice %arg8[%dma_start3A_87] : memref<13312xi32, #tpu.memory_space<vmem>> -> memref<512xi32, #tpu.memory_space<vmem>>
    %dma_start3A_89 = tpu.memref_slice %arg2[%add3A_83] : memref<425984xi32, #tpu.memory_space<hbm>> -> memref<512xi32, #tpu.memory_space<hbm>>
    tpu.enqueue_dma source(%dma_start3A_89 : memref<512xi32, #tpu.memory_space<hbm>>) target(%dma_start3A_88 : memref<512xi32, #tpu.memory_space<vmem>>) target_semaphore(%arg15 : memref<!tpu.dma_semaphore, #tpu.memory_space<semaphore_mem>>)
    %add3A_90 = arith.constant 180224 : i32
    %add3A_91 = arith.addi %add3A_90, %mul3A_2 : i32
    %dma_start3A_92 = arith.constant 5632 : i32
    %dma_start3A_93 = tpu.memref_slice %arg8[%dma_start3A_92] : memref<13312xi32, #tpu.memory_space<vmem>> -> memref<512xi32, #tpu.memory_space<vmem>>
    %dma_start3A_94 = tpu.memref_slice %arg2[%add3A_91] : memref<425984xi32, #tpu.memory_space<hbm>> -> memref<512xi32, #tpu.memory_space<hbm>>
    %dma_start3A_95 = arith.constant 5632 : i32
    %dma_start3A_96 = tpu.memref_slice %arg8[%dma_start3A_95] : memref<13312xi32, #tpu.memory_space<vmem>> -> memref<512xi32, #tpu.memory_space<vmem>>
    %dma_start3A_97 = tpu.memref_slice %arg2[%add3A_91] : memref<425984xi32, #tpu.memory_space<hbm>> -> memref<512xi32, #tpu.memory_space<hbm>>
    tpu.enqueue_dma source(%dma_start3A_97 : memref<512xi32, #tpu.memory_space<hbm>>) target(%dma_start3A_96 : memref<512xi32, #tpu.memory_space<vmem>>) target_semaphore(%arg15 : memref<!tpu.dma_semaphore, #tpu.memory_space<semaphore_mem>>)
    %add3A_98 = arith.constant 196608 : i32
    %add3A_99 = arith.addi %add3A_98, %mul3A_2 : i32
    %dma_start3A_100 = arith.constant 6144 : i32
    %dma_start3A_101 = tpu.memref_slice %arg8[%dma_start3A_100] : memref<13312xi32, #tpu.memory_space<vmem>> -> memref<512xi32, #tpu.memory_space<vmem>>
    %dma_start3A_102 = tpu.memref_slice %arg2[%add3A_99] : memref<425984xi32, #tpu.memory_space<hbm>> -> memref<512xi32, #tpu.memory_space<hbm>>
    %dma_start3A_103 = arith.constant 6144 : i32
    %dma_start3A_104 = tpu.memref_slice %arg8[%dma_start3A_103] : memref<13312xi32, #tpu.memory_space<vmem>> -> memref<512xi32, #tpu.memory_space<vmem>>
    %dma_start3A_105 = tpu.memref_slice %arg2[%add3A_99] : memref<425984xi32, #tpu.memory_space<hbm>> -> memref<512xi32, #tpu.memory_space<hbm>>
    tpu.enqueue_dma source(%dma_start3A_105 : memref<512xi32, #tpu.memory_space<hbm>>) target(%dma_start3A_104 : memref<512xi32, #tpu.memory_space<vmem>>) target_semaphore(%arg15 : memref<!tpu.dma_semaphore, #tpu.memory_space<semaphore_mem>>)
    %add3A_106 = arith.constant 212992 : i32
    %add3A_107 = arith.addi %add3A_106, %mul3A_2 : i32
    %dma_start3A_108 = arith.constant 6656 : i32
    %dma_start3A_109 = tpu.memref_slice %arg8[%dma_start3A_108] : memref<13312xi32, #tpu.memory_space<vmem>> -> memref<512xi32, #tpu.memory_space<vmem>>
    %dma_start3A_110 = tpu.memref_slice %arg2[%add3A_107] : memref<425984xi32, #tpu.memory_space<hbm>> -> memref<512xi32, #tpu.memory_space<hbm>>
    %dma_start3A_111 = arith.constant 6656 : i32
    %dma_start3A_112 = tpu.memref_slice %arg8[%dma_start3A_111] : memref<13312xi32, #tpu.memory_space<vmem>> -> memref<512xi32, #tpu.memory_space<vmem>>
    %dma_start3A_113 = tpu.memref_slice %arg2[%add3A_107] : memref<425984xi32, #tpu.memory_space<hbm>> -> memref<512xi32, #tpu.memory_space<hbm>>
    tpu.enqueue_dma source(%dma_start3A_113 : memref<512xi32, #tpu.memory_space<hbm>>) target(%dma_start3A_112 : memref<512xi32, #tpu.memory_space<vmem>>) target_semaphore(%arg16 : memref<!tpu.dma_semaphore, #tpu.memory_space<semaphore_mem>>)
    %add3A_114 = arith.constant 229376 : i32
    %add3A_115 = arith.addi %add3A_114, %mul3A_2 : i32
    %dma_start3A_116 = arith.constant 7168 : i32
    %dma_start3A_117 = tpu.memref_slice %arg8[%dma_start3A_116] : memref<13312xi32, #tpu.memory_space<vmem>> -> memref<512xi32, #tpu.memory_space<vmem>>
    %dma_start3A_118 = tpu.memref_slice %arg2[%add3A_115] : memref<425984xi32, #tpu.memory_space<hbm>> -> memref<512xi32, #tpu.memory_space<hbm>>
    %dma_start3A_119 = arith.constant 7168 : i32
    %dma_start3A_120 = tpu.memref_slice %arg8[%dma_start3A_119] : memref<13312xi32, #tpu.memory_space<vmem>> -> memref<512xi32, #tpu.memory_space<vmem>>
    %dma_start3A_121 = tpu.memref_slice %arg2[%add3A_115] : memref<425984xi32, #tpu.memory_space<hbm>> -> memref<512xi32, #tpu.memory_space<hbm>>
    tpu.enqueue_dma source(%dma_start3A_121 : memref<512xi32, #tpu.memory_space<hbm>>) target(%dma_start3A_120 : memref<512xi32, #tpu.memory_space<vmem>>) target_semaphore(%arg16 : memref<!tpu.dma_semaphore, #tpu.memory_space<semaphore_mem>>)
    %add3A_122 = arith.constant 245760 : i32
    %add3A_123 = arith.addi %add3A_122, %mul3A_2 : i32
    %dma_start3A_124 = arith.constant 7680 : i32
    %dma_start3A_125 = tpu.memref_slice %arg8[%dma_start3A_124] : memref<13312xi32, #tpu.memory_space<vmem>> -> memref<512xi32, #tpu.memory_space<vmem>>
    %dma_start3A_126 = tpu.memref_slice %arg2[%add3A_123] : memref<425984xi32, #tpu.memory_space<hbm>> -> memref<512xi32, #tpu.memory_space<hbm>>
    %dma_start3A_127 = arith.constant 7680 : i32
    %dma_start3A_128 = tpu.memref_slice %arg8[%dma_start3A_127] : memref<13312xi32, #tpu.memory_space<vmem>> -> memref<512xi32, #tpu.memory_space<vmem>>
    %dma_start3A_129 = tpu.memref_slice %arg2[%add3A_123] : memref<425984xi32, #tpu.memory_space<hbm>> -> memref<512xi32, #tpu.memory_space<hbm>>
    tpu.enqueue_dma source(%dma_start3A_129 : memref<512xi32, #tpu.memory_space<hbm>>) target(%dma_start3A_128 : memref<512xi32, #tpu.memory_space<vmem>>) target_semaphore(%arg16 : memref<!tpu.dma_semaphore, #tpu.memory_space<semaphore_mem>>)
    %add3A_130 = arith.constant 262144 : i32
    %add3A_131 = arith.addi %add3A_130, %mul3A_2 : i32
    %dma_start3A_132 = arith.constant 8192 : i32
    %dma_start3A_133 = tpu.memref_slice %arg8[%dma_start3A_132] : memref<13312xi32, #tpu.memory_space<vmem>> -> memref<512xi32, #tpu.memory_space<vmem>>
    %dma_start3A_134 = tpu.memref_slice %arg2[%add3A_131] : memref<425984xi32, #tpu.memory_space<hbm>> -> memref<512xi32, #tpu.memory_space<hbm>>
    %dma_start3A_135 = arith.constant 8192 : i32
    %dma_start3A_136 = tpu.memref_slice %arg8[%dma_start3A_135] : memref<13312xi32, #tpu.memory_space<vmem>> -> memref<512xi32, #tpu.memory_space<vmem>>
    %dma_start3A_137 = tpu.memref_slice %arg2[%add3A_131] : memref<425984xi32, #tpu.memory_space<hbm>> -> memref<512xi32, #tpu.memory_space<hbm>>
    tpu.enqueue_dma source(%dma_start3A_137 : memref<512xi32, #tpu.memory_space<hbm>>) target(%dma_start3A_136 : memref<512xi32, #tpu.memory_space<vmem>>) target_semaphore(%arg16 : memref<!tpu.dma_semaphore, #tpu.memory_space<semaphore_mem>>)
    %add3A_138 = arith.constant 278528 : i32
    %add3A_139 = arith.addi %add3A_138, %mul3A_2 : i32
    %dma_start3A_140 = arith.constant 8704 : i32
    %dma_start3A_141 = tpu.memref_slice %arg8[%dma_start3A_140] : memref<13312xi32, #tpu.memory_space<vmem>> -> memref<512xi32, #tpu.memory_space<vmem>>
    %dma_start3A_142 = tpu.memref_slice %arg2[%add3A_139] : memref<425984xi32, #tpu.memory_space<hbm>> -> memref<512xi32, #tpu.memory_space<hbm>>
    %dma_start3A_143 = arith.constant 8704 : i32
    %dma_start3A_144 = tpu.memref_slice %arg8[%dma_start3A_143] : memref<13312xi32, #tpu.memory_space<vmem>> -> memref<512xi32, #tpu.memory_space<vmem>>
    %dma_start3A_145 = tpu.memref_slice %arg2[%add3A_139] : memref<425984xi32, #tpu.memory_space<hbm>> -> memref<512xi32, #tpu.memory_space<hbm>>
    tpu.enqueue_dma source(%dma_start3A_145 : memref<512xi32, #tpu.memory_space<hbm>>) target(%dma_start3A_144 : memref<512xi32, #tpu.memory_space<vmem>>) target_semaphore(%arg16 : memref<!tpu.dma_semaphore, #tpu.memory_space<semaphore_mem>>)
    %add3A_146 = arith.constant 294912 : i32
    %add3A_147 = arith.addi %add3A_146, %mul3A_2 : i32
    %dma_start3A_148 = arith.constant 9216 : i32
    %dma_start3A_149 = tpu.memref_slice %arg8[%dma_start3A_148] : memref<13312xi32, #tpu.memory_space<vmem>> -> memref<512xi32, #tpu.memory_space<vmem>>
    %dma_start3A_150 = tpu.memref_slice %arg2[%add3A_147] : memref<425984xi32, #tpu.memory_space<hbm>> -> memref<512xi32, #tpu.memory_space<hbm>>
    %dma_start3A_151 = arith.constant 9216 : i32
    %dma_start3A_152 = tpu.memref_slice %arg8[%dma_start3A_151] : memref<13312xi32, #tpu.memory_space<vmem>> -> memref<512xi32, #tpu.memory_space<vmem>>
    %dma_start3A_153 = tpu.memref_slice %arg2[%add3A_147] : memref<425984xi32, #tpu.memory_space<hbm>> -> memref<512xi32, #tpu.memory_space<hbm>>
    tpu.enqueue_dma source(%dma_start3A_153 : memref<512xi32, #tpu.memory_space<hbm>>) target(%dma_start3A_152 : memref<512xi32, #tpu.memory_space<vmem>>) target_semaphore(%arg16 : memref<!tpu.dma_semaphore, #tpu.memory_space<semaphore_mem>>)
    %add3A_154 = arith.constant 311296 : i32
    %add3A_155 = arith.addi %add3A_154, %mul3A_2 : i32
    %dma_start3A_156 = arith.constant 9728 : i32
    %dma_start3A_157 = tpu.memref_slice %arg8[%dma_start3A_156] : memref<13312xi32, #tpu.memory_space<vmem>> -> memref<512xi32, #tpu.memory_space<vmem>>
    %dma_start3A_158 = tpu.memref_slice %arg2[%add3A_155] : memref<425984xi32, #tpu.memory_space<hbm>> -> memref<512xi32, #tpu.memory_space<hbm>>
    %dma_start3A_159 = arith.constant 9728 : i32
    %dma_start3A_160 = tpu.memref_slice %arg8[%dma_start3A_159] : memref<13312xi32, #tpu.memory_space<vmem>> -> memref<512xi32, #tpu.memory_space<vmem>>
    %dma_start3A_161 = tpu.memref_slice %arg2[%add3A_155] : memref<425984xi32, #tpu.memory_space<hbm>> -> memref<512xi32, #tpu.memory_space<hbm>>
    tpu.enqueue_dma source(%dma_start3A_161 : memref<512xi32, #tpu.memory_space<hbm>>) target(%dma_start3A_160 : memref<512xi32, #tpu.memory_space<vmem>>) target_semaphore(%arg16 : memref<!tpu.dma_semaphore, #tpu.memory_space<semaphore_mem>>)
    %add3A_162 = arith.constant 327680 : i32
    %add3A_163 = arith.addi %add3A_162, %mul3A_2 : i32
    %dma_start3A_164 = arith.constant 10240 : i32
    %dma_start3A_165 = tpu.memref_slice %arg8[%dma_start3A_164] : memref<13312xi32, #tpu.memory_space<vmem>> -> memref<512xi32, #tpu.memory_space<vmem>>
    %dma_start3A_166 = tpu.memref_slice %arg2[%add3A_163] : memref<425984xi32, #tpu.memory_space<hbm>> -> memref<512xi32, #tpu.memory_space<hbm>>
    %dma_start3A_167 = arith.constant 10240 : i32
    %dma_start3A_168 = tpu.memref_slice %arg8[%dma_start3A_167] : memref<13312xi32, #tpu.memory_space<vmem>> -> memref<512xi32, #tpu.memory_space<vmem>>
    %dma_start3A_169 = tpu.memref_slice %arg2[%add3A_163] : memref<425984xi32, #tpu.memory_space<hbm>> -> memref<512xi32, #tpu.memory_space<hbm>>
    tpu.enqueue_dma source(%dma_start3A_169 : memref<512xi32, #tpu.memory_space<hbm>>) target(%dma_start3A_168 : memref<512xi32, #tpu.memory_space<vmem>>) target_semaphore(%arg16 : memref<!tpu.dma_semaphore, #tpu.memory_space<semaphore_mem>>)
    %add3A_170 = arith.constant 344064 : i32
    %add3A_171 = arith.addi %add3A_170, %mul3A_2 : i32
    %dma_start3A_172 = arith.constant 10752 : i32
    %dma_start3A_173 = tpu.memref_slice %arg8[%dma_start3A_172] : memref<13312xi32, #tpu.memory_space<vmem>> -> memref<512xi32, #tpu.memory_space<vmem>>
    %dma_start3A_174 = tpu.memref_slice %arg2[%add3A_171] : memref<425984xi32, #tpu.memory_space<hbm>> -> memref<512xi32, #tpu.memory_space<hbm>>
    %dma_start3A_175 = arith.constant 10752 : i32
    %dma_start3A_176 = tpu.memref_slice %arg8[%dma_start3A_175] : memref<13312xi32, #tpu.memory_space<vmem>> -> memref<512xi32, #tpu.memory_space<vmem>>
    %dma_start3A_177 = tpu.memref_slice %arg2[%add3A_171] : memref<425984xi32, #tpu.memory_space<hbm>> -> memref<512xi32, #tpu.memory_space<hbm>>
    tpu.enqueue_dma source(%dma_start3A_177 : memref<512xi32, #tpu.memory_space<hbm>>) target(%dma_start3A_176 : memref<512xi32, #tpu.memory_space<vmem>>) target_semaphore(%arg16 : memref<!tpu.dma_semaphore, #tpu.memory_space<semaphore_mem>>)
    %add3A_178 = arith.constant 360448 : i32
    %add3A_179 = arith.addi %add3A_178, %mul3A_2 : i32
    %dma_start3A_180 = arith.constant 11264 : i32
    %dma_start3A_181 = tpu.memref_slice %arg8[%dma_start3A_180] : memref<13312xi32, #tpu.memory_space<vmem>> -> memref<512xi32, #tpu.memory_space<vmem>>
    %dma_start3A_182 = tpu.memref_slice %arg2[%add3A_179] : memref<425984xi32, #tpu.memory_space<hbm>> -> memref<512xi32, #tpu.memory_space<hbm>>
    %dma_start3A_183 = arith.constant 11264 : i32
    %dma_start3A_184 = tpu.memref_slice %arg8[%dma_start3A_183] : memref<13312xi32, #tpu.memory_space<vmem>> -> memref<512xi32, #tpu.memory_space<vmem>>
    %dma_start3A_185 = tpu.memref_slice %arg2[%add3A_179] : memref<425984xi32, #tpu.memory_space<hbm>> -> memref<512xi32, #tpu.memory_space<hbm>>
    tpu.enqueue_dma source(%dma_start3A_185 : memref<512xi32, #tpu.memory_space<hbm>>) target(%dma_start3A_184 : memref<512xi32, #tpu.memory_space<vmem>>) target_semaphore(%arg16 : memref<!tpu.dma_semaphore, #tpu.memory_space<semaphore_mem>>)
    %add3A_186 = arith.constant 376832 : i32
    %add3A_187 = arith.addi %add3A_186, %mul3A_2 : i32
    %dma_start3A_188 = arith.constant 11776 : i32
    %dma_start3A_189 = tpu.memref_slice %arg8[%dma_start3A_188] : memref<13312xi32, #tpu.memory_space<vmem>> -> memref<512xi32, #tpu.memory_space<vmem>>
    %dma_start3A_190 = tpu.memref_slice %arg2[%add3A_187] : memref<425984xi32, #tpu.memory_space<hbm>> -> memref<512xi32, #tpu.memory_space<hbm>>
    %dma_start3A_191 = arith.constant 11776 : i32
    %dma_start3A_192 = tpu.memref_slice %arg8[%dma_start3A_191] : memref<13312xi32, #tpu.memory_space<vmem>> -> memref<512xi32, #tpu.memory_space<vmem>>
    %dma_start3A_193 = tpu.memref_slice %arg2[%add3A_187] : memref<425984xi32, #tpu.memory_space<hbm>> -> memref<512xi32, #tpu.memory_space<hbm>>
    tpu.enqueue_dma source(%dma_start3A_193 : memref<512xi32, #tpu.memory_space<hbm>>) target(%dma_start3A_192 : memref<512xi32, #tpu.memory_space<vmem>>) target_semaphore(%arg16 : memref<!tpu.dma_semaphore, #tpu.memory_space<semaphore_mem>>)
    %add3A_194 = arith.constant 393216 : i32
    %add3A_195 = arith.addi %add3A_194, %mul3A_2 : i32
    %dma_start3A_196 = arith.constant 12288 : i32
    %dma_start3A_197 = tpu.memref_slice %arg8[%dma_start3A_196] : memref<13312xi32, #tpu.memory_space<vmem>> -> memref<512xi32, #tpu.memory_space<vmem>>
    %dma_start3A_198 = tpu.memref_slice %arg2[%add3A_195] : memref<425984xi32, #tpu.memory_space<hbm>> -> memref<512xi32, #tpu.memory_space<hbm>>
    %dma_start3A_199 = arith.constant 12288 : i32
    %dma_start3A_200 = tpu.memref_slice %arg8[%dma_start3A_199] : memref<13312xi32, #tpu.memory_space<vmem>> -> memref<512xi32, #tpu.memory_space<vmem>>
    %dma_start3A_201 = tpu.memref_slice %arg2[%add3A_195] : memref<425984xi32, #tpu.memory_space<hbm>> -> memref<512xi32, #tpu.memory_space<hbm>>
    tpu.enqueue_dma source(%dma_start3A_201 : memref<512xi32, #tpu.memory_space<hbm>>) target(%dma_start3A_200 : memref<512xi32, #tpu.memory_space<vmem>>) target_semaphore(%arg16 : memref<!tpu.dma_semaphore, #tpu.memory_space<semaphore_mem>>)
    %add3A_202 = arith.constant 409600 : i32
    %add3A_203 = arith.addi %add3A_202, %mul3A_2 : i32
    %dma_start3A_204 = arith.constant 12800 : i32
    %dma_start3A_205 = tpu.memref_slice %arg8[%dma_start3A_204] : memref<13312xi32, #tpu.memory_space<vmem>> -> memref<512xi32, #tpu.memory_space<vmem>>
    %dma_start3A_206 = tpu.memref_slice %arg2[%add3A_203] : memref<425984xi32, #tpu.memory_space<hbm>> -> memref<512xi32, #tpu.memory_space<hbm>>
    %dma_start3A_207 = arith.constant 12800 : i32
    %dma_start3A_208 = tpu.memref_slice %arg8[%dma_start3A_207] : memref<13312xi32, #tpu.memory_space<vmem>> -> memref<512xi32, #tpu.memory_space<vmem>>
    %dma_start3A_209 = tpu.memref_slice %arg2[%add3A_203] : memref<425984xi32, #tpu.memory_space<hbm>> -> memref<512xi32, #tpu.memory_space<hbm>>
    tpu.enqueue_dma source(%dma_start3A_209 : memref<512xi32, #tpu.memory_space<hbm>>) target(%dma_start3A_208 : memref<512xi32, #tpu.memory_space<vmem>>) target_semaphore(%arg16 : memref<!tpu.dma_semaphore, #tpu.memory_space<semaphore_mem>>)
    %add3A_210 = arith.constant 0 : i32
    %add3A_211 = arith.addi %add3A_210, %mul3A_2 : i32
    %dma_start3A_212 = arith.constant 0 : i32
    %dma_start3A_213 = tpu.memref_slice %arg9[%dma_start3A_212] : memref<6656xf32, #tpu.memory_space<vmem>> -> memref<512xf32, #tpu.memory_space<vmem>>
    %dma_start3A_214 = tpu.memref_slice %arg3[%add3A_211] : memref<212992xf32, #tpu.memory_space<hbm>> -> memref<512xf32, #tpu.memory_space<hbm>>
    %dma_start3A_215 = arith.constant 0 : i32
    %dma_start3A_216 = tpu.memref_slice %arg9[%dma_start3A_215] : memref<6656xf32, #tpu.memory_space<vmem>> -> memref<512xf32, #tpu.memory_space<vmem>>
    %dma_start3A_217 = tpu.memref_slice %arg3[%add3A_211] : memref<212992xf32, #tpu.memory_space<hbm>> -> memref<512xf32, #tpu.memory_space<hbm>>
    tpu.enqueue_dma source(%dma_start3A_217 : memref<512xf32, #tpu.memory_space<hbm>>) target(%dma_start3A_216 : memref<512xf32, #tpu.memory_space<vmem>>) target_semaphore(%arg17 : memref<!tpu.dma_semaphore, #tpu.memory_space<semaphore_mem>>)
    %add3A_218 = arith.constant 16384 : i32
    %add3A_219 = arith.addi %add3A_218, %mul3A_2 : i32
    %dma_start3A_220 = arith.constant 512 : i32
    %dma_start3A_221 = tpu.memref_slice %arg9[%dma_start3A_220] : memref<6656xf32, #tpu.memory_space<vmem>> -> memref<512xf32, #tpu.memory_space<vmem>>
    %dma_start3A_222 = tpu.memref_slice %arg3[%add3A_219] : memref<212992xf32, #tpu.memory_space<hbm>> -> memref<512xf32, #tpu.memory_space<hbm>>
    %dma_start3A_223 = arith.constant 512 : i32
    %dma_start3A_224 = tpu.memref_slice %arg9[%dma_start3A_223] : memref<6656xf32, #tpu.memory_space<vmem>> -> memref<512xf32, #tpu.memory_space<vmem>>
    %dma_start3A_225 = tpu.memref_slice %arg3[%add3A_219] : memref<212992xf32, #tpu.memory_space<hbm>> -> memref<512xf32, #tpu.memory_space<hbm>>
    tpu.enqueue_dma source(%dma_start3A_225 : memref<512xf32, #tpu.memory_space<hbm>>) target(%dma_start3A_224 : memref<512xf32, #tpu.memory_space<vmem>>) target_semaphore(%arg17 : memref<!tpu.dma_semaphore, #tpu.memory_space<semaphore_mem>>)
    %add3A_226 = arith.constant 32768 : i32
    %add3A_227 = arith.addi %add3A_226, %mul3A_2 : i32
    %dma_start3A_228 = arith.constant 1024 : i32
    %dma_start3A_229 = tpu.memref_slice %arg9[%dma_start3A_228] : memref<6656xf32, #tpu.memory_space<vmem>> -> memref<512xf32, #tpu.memory_space<vmem>>
    %dma_start3A_230 = tpu.memref_slice %arg3[%add3A_227] : memref<212992xf32, #tpu.memory_space<hbm>> -> memref<512xf32, #tpu.memory_space<hbm>>
    %dma_start3A_231 = arith.constant 1024 : i32
    %dma_start3A_232 = tpu.memref_slice %arg9[%dma_start3A_231] : memref<6656xf32, #tpu.memory_space<vmem>> -> memref<512xf32, #tpu.memory_space<vmem>>
    %dma_start3A_233 = tpu.memref_slice %arg3[%add3A_227] : memref<212992xf32, #tpu.memory_space<hbm>> -> memref<512xf32, #tpu.memory_space<hbm>>
    tpu.enqueue_dma source(%dma_start3A_233 : memref<512xf32, #tpu.memory_space<hbm>>) target(%dma_start3A_232 : memref<512xf32, #tpu.memory_space<vmem>>) target_semaphore(%arg17 : memref<!tpu.dma_semaphore, #tpu.memory_space<semaphore_mem>>)
    %add3A_234 = arith.constant 49152 : i32
    %add3A_235 = arith.addi %add3A_234, %mul3A_2 : i32
    %dma_start3A_236 = arith.constant 1536 : i32
    %dma_start3A_237 = tpu.memref_slice %arg9[%dma_start3A_236] : memref<6656xf32, #tpu.memory_space<vmem>> -> memref<512xf32, #tpu.memory_space<vmem>>
    %dma_start3A_238 = tpu.memref_slice %arg3[%add3A_235] : memref<212992xf32, #tpu.memory_space<hbm>> -> memref<512xf32, #tpu.memory_space<hbm>>
    %dma_start3A_239 = arith.constant 1536 : i32
    %dma_start3A_240 = tpu.memref_slice %arg9[%dma_start3A_239] : memref<6656xf32, #tpu.memory_space<vmem>> -> memref<512xf32, #tpu.memory_space<vmem>>
    %dma_start3A_241 = tpu.memref_slice %arg3[%add3A_235] : memref<212992xf32, #tpu.memory_space<hbm>> -> memref<512xf32, #tpu.memory_space<hbm>>
    tpu.enqueue_dma source(%dma_start3A_241 : memref<512xf32, #tpu.memory_space<hbm>>) target(%dma_start3A_240 : memref<512xf32, #tpu.memory_space<vmem>>) target_semaphore(%arg17 : memref<!tpu.dma_semaphore, #tpu.memory_space<semaphore_mem>>)
    %add3A_242 = arith.constant 65536 : i32
    %add3A_243 = arith.addi %add3A_242, %mul3A_2 : i32
    %dma_start3A_244 = arith.constant 2048 : i32
    %dma_start3A_245 = tpu.memref_slice %arg9[%dma_start3A_244] : memref<6656xf32, #tpu.memory_space<vmem>> -> memref<512xf32, #tpu.memory_space<vmem>>
    %dma_start3A_246 = tpu.memref_slice %arg3[%add3A_243] : memref<212992xf32, #tpu.memory_space<hbm>> -> memref<512xf32, #tpu.memory_space<hbm>>
    %dma_start3A_247 = arith.constant 2048 : i32
    %dma_start3A_248 = tpu.memref_slice %arg9[%dma_start3A_247] : memref<6656xf32, #tpu.memory_space<vmem>> -> memref<512xf32, #tpu.memory_space<vmem>>
    %dma_start3A_249 = tpu.memref_slice %arg3[%add3A_243] : memref<212992xf32, #tpu.memory_space<hbm>> -> memref<512xf32, #tpu.memory_space<hbm>>
    tpu.enqueue_dma source(%dma_start3A_249 : memref<512xf32, #tpu.memory_space<hbm>>) target(%dma_start3A_248 : memref<512xf32, #tpu.memory_space<vmem>>) target_semaphore(%arg17 : memref<!tpu.dma_semaphore, #tpu.memory_space<semaphore_mem>>)
    %add3A_250 = arith.constant 81920 : i32
    %add3A_251 = arith.addi %add3A_250, %mul3A_2 : i32
    %dma_start3A_252 = arith.constant 2560 : i32
    %dma_start3A_253 = tpu.memref_slice %arg9[%dma_start3A_252] : memref<6656xf32, #tpu.memory_space<vmem>> -> memref<512xf32, #tpu.memory_space<vmem>>
    %dma_start3A_254 = tpu.memref_slice %arg3[%add3A_251] : memref<212992xf32, #tpu.memory_space<hbm>> -> memref<512xf32, #tpu.memory_space<hbm>>
    %dma_start3A_255 = arith.constant 2560 : i32
    %dma_start3A_256 = tpu.memref_slice %arg9[%dma_start3A_255] : memref<6656xf32, #tpu.memory_space<vmem>> -> memref<512xf32, #tpu.memory_space<vmem>>
    %dma_start3A_257 = tpu.memref_slice %arg3[%add3A_251] : memref<212992xf32, #tpu.memory_space<hbm>> -> memref<512xf32, #tpu.memory_space<hbm>>
    tpu.enqueue_dma source(%dma_start3A_257 : memref<512xf32, #tpu.memory_space<hbm>>) target(%dma_start3A_256 : memref<512xf32, #tpu.memory_space<vmem>>) target_semaphore(%arg17 : memref<!tpu.dma_semaphore, #tpu.memory_space<semaphore_mem>>)
    %add3A_258 = arith.constant 98304 : i32
    %add3A_259 = arith.addi %add3A_258, %mul3A_2 : i32
    %dma_start3A_260 = arith.constant 3072 : i32
    %dma_start3A_261 = tpu.memref_slice %arg9[%dma_start3A_260] : memref<6656xf32, #tpu.memory_space<vmem>> -> memref<512xf32, #tpu.memory_space<vmem>>
    %dma_start3A_262 = tpu.memref_slice %arg3[%add3A_259] : memref<212992xf32, #tpu.memory_space<hbm>> -> memref<512xf32, #tpu.memory_space<hbm>>
    %dma_start3A_263 = arith.constant 3072 : i32
    %dma_start3A_264 = tpu.memref_slice %arg9[%dma_start3A_263] : memref<6656xf32, #tpu.memory_space<vmem>> -> memref<512xf32, #tpu.memory_space<vmem>>
    %dma_start3A_265 = tpu.memref_slice %arg3[%add3A_259] : memref<212992xf32, #tpu.memory_space<hbm>> -> memref<512xf32, #tpu.memory_space<hbm>>
    tpu.enqueue_dma source(%dma_start3A_265 : memref<512xf32, #tpu.memory_space<hbm>>) target(%dma_start3A_264 : memref<512xf32, #tpu.memory_space<vmem>>) target_semaphore(%arg17 : memref<!tpu.dma_semaphore, #tpu.memory_space<semaphore_mem>>)
    %add3A_266 = arith.constant 114688 : i32
    %add3A_267 = arith.addi %add3A_266, %mul3A_2 : i32
    %dma_start3A_268 = arith.constant 3584 : i32
    %dma_start3A_269 = tpu.memref_slice %arg9[%dma_start3A_268] : memref<6656xf32, #tpu.memory_space<vmem>> -> memref<512xf32, #tpu.memory_space<vmem>>
    %dma_start3A_270 = tpu.memref_slice %arg3[%add3A_267] : memref<212992xf32, #tpu.memory_space<hbm>> -> memref<512xf32, #tpu.memory_space<hbm>>
    %dma_start3A_271 = arith.constant 3584 : i32
    %dma_start3A_272 = tpu.memref_slice %arg9[%dma_start3A_271] : memref<6656xf32, #tpu.memory_space<vmem>> -> memref<512xf32, #tpu.memory_space<vmem>>
    %dma_start3A_273 = tpu.memref_slice %arg3[%add3A_267] : memref<212992xf32, #tpu.memory_space<hbm>> -> memref<512xf32, #tpu.memory_space<hbm>>
    tpu.enqueue_dma source(%dma_start3A_273 : memref<512xf32, #tpu.memory_space<hbm>>) target(%dma_start3A_272 : memref<512xf32, #tpu.memory_space<vmem>>) target_semaphore(%arg17 : memref<!tpu.dma_semaphore, #tpu.memory_space<semaphore_mem>>)
    %add3A_274 = arith.constant 131072 : i32
    %add3A_275 = arith.addi %add3A_274, %mul3A_2 : i32
    %dma_start3A_276 = arith.constant 4096 : i32
    %dma_start3A_277 = tpu.memref_slice %arg9[%dma_start3A_276] : memref<6656xf32, #tpu.memory_space<vmem>> -> memref<512xf32, #tpu.memory_space<vmem>>
    %dma_start3A_278 = tpu.memref_slice %arg3[%add3A_275] : memref<212992xf32, #tpu.memory_space<hbm>> -> memref<512xf32, #tpu.memory_space<hbm>>
    %dma_start3A_279 = arith.constant 4096 : i32
    %dma_start3A_280 = tpu.memref_slice %arg9[%dma_start3A_279] : memref<6656xf32, #tpu.memory_space<vmem>> -> memref<512xf32, #tpu.memory_space<vmem>>
    %dma_start3A_281 = tpu.memref_slice %arg3[%add3A_275] : memref<212992xf32, #tpu.memory_space<hbm>> -> memref<512xf32, #tpu.memory_space<hbm>>
    tpu.enqueue_dma source(%dma_start3A_281 : memref<512xf32, #tpu.memory_space<hbm>>) target(%dma_start3A_280 : memref<512xf32, #tpu.memory_space<vmem>>) target_semaphore(%arg17 : memref<!tpu.dma_semaphore, #tpu.memory_space<semaphore_mem>>)
    %add3A_282 = arith.constant 147456 : i32
    %add3A_283 = arith.addi %add3A_282, %mul3A_2 : i32
    %dma_start3A_284 = arith.constant 4608 : i32
    %dma_start3A_285 = tpu.memref_slice %arg9[%dma_start3A_284] : memref<6656xf32, #tpu.memory_space<vmem>> -> memref<512xf32, #tpu.memory_space<vmem>>
    %dma_start3A_286 = tpu.memref_slice %arg3[%add3A_283] : memref<212992xf32, #tpu.memory_space<hbm>> -> memref<512xf32, #tpu.memory_space<hbm>>
    %dma_start3A_287 = arith.constant 4608 : i32
    %dma_start3A_288 = tpu.memref_slice %arg9[%dma_start3A_287] : memref<6656xf32, #tpu.memory_space<vmem>> -> memref<512xf32, #tpu.memory_space<vmem>>
    %dma_start3A_289 = tpu.memref_slice %arg3[%add3A_283] : memref<212992xf32, #tpu.memory_space<hbm>> -> memref<512xf32, #tpu.memory_space<hbm>>
    tpu.enqueue_dma source(%dma_start3A_289 : memref<512xf32, #tpu.memory_space<hbm>>) target(%dma_start3A_288 : memref<512xf32, #tpu.memory_space<vmem>>) target_semaphore(%arg17 : memref<!tpu.dma_semaphore, #tpu.memory_space<semaphore_mem>>)
    %add3A_290 = arith.constant 163840 : i32
    %add3A_291 = arith.addi %add3A_290, %mul3A_2 : i32
    %dma_start3A_292 = arith.constant 5120 : i32
    %dma_start3A_293 = tpu.memref_slice %arg9[%dma_start3A_292] : memref<6656xf32, #tpu.memory_space<vmem>> -> memref<512xf32, #tpu.memory_space<vmem>>
    %dma_start3A_294 = tpu.memref_slice %arg3[%add3A_291] : memref<212992xf32, #tpu.memory_space<hbm>> -> memref<512xf32, #tpu.memory_space<hbm>>
    %dma_start3A_295 = arith.constant 5120 : i32
    %dma_start3A_296 = tpu.memref_slice %arg9[%dma_start3A_295] : memref<6656xf32, #tpu.memory_space<vmem>> -> memref<512xf32, #tpu.memory_space<vmem>>
    %dma_start3A_297 = tpu.memref_slice %arg3[%add3A_291] : memref<212992xf32, #tpu.memory_space<hbm>> -> memref<512xf32, #tpu.memory_space<hbm>>
    tpu.enqueue_dma source(%dma_start3A_297 : memref<512xf32, #tpu.memory_space<hbm>>) target(%dma_start3A_296 : memref<512xf32, #tpu.memory_space<vmem>>) target_semaphore(%arg17 : memref<!tpu.dma_semaphore, #tpu.memory_space<semaphore_mem>>)
    %add3A_298 = arith.constant 180224 : i32
    %add3A_299 = arith.addi %add3A_298, %mul3A_2 : i32
    %dma_start3A_300 = arith.constant 5632 : i32
    %dma_start3A_301 = tpu.memref_slice %arg9[%dma_start3A_300] : memref<6656xf32, #tpu.memory_space<vmem>> -> memref<512xf32, #tpu.memory_space<vmem>>
    %dma_start3A_302 = tpu.memref_slice %arg3[%add3A_299] : memref<212992xf32, #tpu.memory_space<hbm>> -> memref<512xf32, #tpu.memory_space<hbm>>
    %dma_start3A_303 = arith.constant 5632 : i32
    %dma_start3A_304 = tpu.memref_slice %arg9[%dma_start3A_303] : memref<6656xf32, #tpu.memory_space<vmem>> -> memref<512xf32, #tpu.memory_space<vmem>>
    %dma_start3A_305 = tpu.memref_slice %arg3[%add3A_299] : memref<212992xf32, #tpu.memory_space<hbm>> -> memref<512xf32, #tpu.memory_space<hbm>>
    tpu.enqueue_dma source(%dma_start3A_305 : memref<512xf32, #tpu.memory_space<hbm>>) target(%dma_start3A_304 : memref<512xf32, #tpu.memory_space<vmem>>) target_semaphore(%arg17 : memref<!tpu.dma_semaphore, #tpu.memory_space<semaphore_mem>>)
    %add3A_306 = arith.constant 196608 : i32
    %add3A_307 = arith.addi %add3A_306, %mul3A_2 : i32
    %dma_start3A_308 = arith.constant 6144 : i32
    %dma_start3A_309 = tpu.memref_slice %arg9[%dma_start3A_308] : memref<6656xf32, #tpu.memory_space<vmem>> -> memref<512xf32, #tpu.memory_space<vmem>>
    %dma_start3A_310 = tpu.memref_slice %arg3[%add3A_307] : memref<212992xf32, #tpu.memory_space<hbm>> -> memref<512xf32, #tpu.memory_space<hbm>>
    %dma_start3A_311 = arith.constant 6144 : i32
    %dma_start3A_312 = tpu.memref_slice %arg9[%dma_start3A_311] : memref<6656xf32, #tpu.memory_space<vmem>> -> memref<512xf32, #tpu.memory_space<vmem>>
    %dma_start3A_313 = tpu.memref_slice %arg3[%add3A_307] : memref<212992xf32, #tpu.memory_space<hbm>> -> memref<512xf32, #tpu.memory_space<hbm>>
    tpu.enqueue_dma source(%dma_start3A_313 : memref<512xf32, #tpu.memory_space<hbm>>) target(%dma_start3A_312 : memref<512xf32, #tpu.memory_space<vmem>>) target_semaphore(%arg17 : memref<!tpu.dma_semaphore, #tpu.memory_space<semaphore_mem>>)
    "tpu.region"() ({
      %run_scoped3A = tpu.sem_alloc : memref<!tpu.dma_semaphore, #tpu.memory_space<semaphore_mem>>
      tpu.enqueue_dma source(%arg5 : memref<208xf32, #tpu.memory_space<hbm>>) target(%arg11 : memref<208xf32, #tpu.memory_space<vmem>>) target_semaphore(%run_scoped3A : memref<!tpu.dma_semaphore, #tpu.memory_space<semaphore_mem>>)
      tpu.wait_dma2 semaphore(%run_scoped3A : memref<!tpu.dma_semaphore, #tpu.memory_space<semaphore_mem>>) src(%arg5 : memref<208xf32, #tpu.memory_space<hbm>>) dst(%arg11 : memref<208xf32, #tpu.memory_space<vmem>>)
      tpu.yield
    }) : () -> ()
    "tpu.region"() ({
      %run_scoped3A = tpu.sem_alloc : memref<!tpu.dma_semaphore, #tpu.memory_space<semaphore_mem>>
      tpu.enqueue_dma source(%arg6 : memref<16xf32, #tpu.memory_space<hbm>>) target(%arg12 : memref<16xf32, #tpu.memory_space<vmem>>) target_semaphore(%run_scoped3A : memref<!tpu.dma_semaphore, #tpu.memory_space<semaphore_mem>>)
      tpu.wait_dma2 semaphore(%run_scoped3A : memref<!tpu.dma_semaphore, #tpu.memory_space<semaphore_mem>>) src(%arg6 : memref<16xf32, #tpu.memory_space<hbm>>) dst(%arg12 : memref<16xf32, #tpu.memory_space<vmem>>)
      tpu.yield
    }) : () -> ()
    %dma_wait3A = arith.constant 0 : i32
    %dma_wait3A_314 = tpu.memref_slice %arg8[%dma_wait3A] : memref<13312xi32, #tpu.memory_space<vmem>> -> memref<512xi32, #tpu.memory_space<vmem>>
    %dma_wait3A_315 = tpu.memref_slice %arg2[%add3A_4] : memref<425984xi32, #tpu.memory_space<hbm>> -> memref<512xi32, #tpu.memory_space<hbm>>
    %dma_wait3A_316 = arith.constant 0 : i32
    %dma_wait3A_317 = tpu.memref_slice %arg8[%dma_wait3A_316] : memref<13312xi32, #tpu.memory_space<vmem>> -> memref<512xi32, #tpu.memory_space<vmem>>
    %dma_wait3A_318 = tpu.memref_slice %arg2[%add3A_4] : memref<425984xi32, #tpu.memory_space<hbm>> -> memref<512xi32, #tpu.memory_space<hbm>>
    tpu.wait_dma2 semaphore(%arg15 : memref<!tpu.dma_semaphore, #tpu.memory_space<semaphore_mem>>) src(%dma_wait3A_318 : memref<512xi32, #tpu.memory_space<hbm>>) dst(%dma_wait3A_317 : memref<512xi32, #tpu.memory_space<vmem>>)
    %dma_wait3A_319 = arith.constant 512 : i32
    %dma_wait3A_320 = tpu.memref_slice %arg8[%dma_wait3A_319] : memref<13312xi32, #tpu.memory_space<vmem>> -> memref<512xi32, #tpu.memory_space<vmem>>
    %dma_wait3A_321 = tpu.memref_slice %arg2[%add3A_11] : memref<425984xi32, #tpu.memory_space<hbm>> -> memref<512xi32, #tpu.memory_space<hbm>>
    %dma_wait3A_322 = arith.constant 512 : i32
    %dma_wait3A_323 = tpu.memref_slice %arg8[%dma_wait3A_322] : memref<13312xi32, #tpu.memory_space<vmem>> -> memref<512xi32, #tpu.memory_space<vmem>>
    %dma_wait3A_324 = tpu.memref_slice %arg2[%add3A_11] : memref<425984xi32, #tpu.memory_space<hbm>> -> memref<512xi32, #tpu.memory_space<hbm>>
    tpu.wait_dma2 semaphore(%arg15 : memref<!tpu.dma_semaphore, #tpu.memory_space<semaphore_mem>>) src(%dma_wait3A_324 : memref<512xi32, #tpu.memory_space<hbm>>) dst(%dma_wait3A_323 : memref<512xi32, #tpu.memory_space<vmem>>)
    %dma_wait3A_325 = arith.constant 1024 : i32
    %dma_wait3A_326 = tpu.memref_slice %arg8[%dma_wait3A_325] : memref<13312xi32, #tpu.memory_space<vmem>> -> memref<512xi32, #tpu.memory_space<vmem>>
    %dma_wait3A_327 = tpu.memref_slice %arg2[%add3A_19] : memref<425984xi32, #tpu.memory_space<hbm>> -> memref<512xi32, #tpu.memory_space<hbm>>
    %dma_wait3A_328 = arith.constant 1024 : i32
    %dma_wait3A_329 = tpu.memref_slice %arg8[%dma_wait3A_328] : memref<13312xi32, #tpu.memory_space<vmem>> -> memref<512xi32, #tpu.memory_space<vmem>>
    %dma_wait3A_330 = tpu.memref_slice %arg2[%add3A_19] : memref<425984xi32, #tpu.memory_space<hbm>> -> memref<512xi32, #tpu.memory_space<hbm>>
    tpu.wait_dma2 semaphore(%arg15 : memref<!tpu.dma_semaphore, #tpu.memory_space<semaphore_mem>>) src(%dma_wait3A_330 : memref<512xi32, #tpu.memory_space<hbm>>) dst(%dma_wait3A_329 : memref<512xi32, #tpu.memory_space<vmem>>)
    %dma_wait3A_331 = arith.constant 1536 : i32
    %dma_wait3A_332 = tpu.memref_slice %arg8[%dma_wait3A_331] : memref<13312xi32, #tpu.memory_space<vmem>> -> memref<512xi32, #tpu.memory_space<vmem>>
    %dma_wait3A_333 = tpu.memref_slice %arg2[%add3A_27] : memref<425984xi32, #tpu.memory_space<hbm>> -> memref<512xi32, #tpu.memory_space<hbm>>
    %dma_wait3A_334 = arith.constant 1536 : i32
    %dma_wait3A_335 = tpu.memref_slice %arg8[%dma_wait3A_334] : memref<13312xi32, #tpu.memory_space<vmem>> -> memref<512xi32, #tpu.memory_space<vmem>>
    %dma_wait3A_336 = tpu.memref_slice %arg2[%add3A_27] : memref<425984xi32, #tpu.memory_space<hbm>> -> memref<512xi32, #tpu.memory_space<hbm>>
    tpu.wait_dma2 semaphore(%arg15 : memref<!tpu.dma_semaphore, #tpu.memory_space<semaphore_mem>>) src(%dma_wait3A_336 : memref<512xi32, #tpu.memory_space<hbm>>) dst(%dma_wait3A_335 : memref<512xi32, #tpu.memory_space<vmem>>)
    %dma_wait3A_337 = arith.constant 2048 : i32
    %dma_wait3A_338 = tpu.memref_slice %arg8[%dma_wait3A_337] : memref<13312xi32, #tpu.memory_space<vmem>> -> memref<512xi32, #tpu.memory_space<vmem>>
    %dma_wait3A_339 = tpu.memref_slice %arg2[%add3A_35] : memref<425984xi32, #tpu.memory_space<hbm>> -> memref<512xi32, #tpu.memory_space<hbm>>
    %dma_wait3A_340 = arith.constant 2048 : i32
    %dma_wait3A_341 = tpu.memref_slice %arg8[%dma_wait3A_340] : memref<13312xi32, #tpu.memory_space<vmem>> -> memref<512xi32, #tpu.memory_space<vmem>>
    %dma_wait3A_342 = tpu.memref_slice %arg2[%add3A_35] : memref<425984xi32, #tpu.memory_space<hbm>> -> memref<512xi32, #tpu.memory_space<hbm>>
    tpu.wait_dma2 semaphore(%arg15 : memref<!tpu.dma_semaphore, #tpu.memory_space<semaphore_mem>>) src(%dma_wait3A_342 : memref<512xi32, #tpu.memory_space<hbm>>) dst(%dma_wait3A_341 : memref<512xi32, #tpu.memory_space<vmem>>)
    %dma_wait3A_343 = arith.constant 2560 : i32
    %dma_wait3A_344 = tpu.memref_slice %arg8[%dma_wait3A_343] : memref<13312xi32, #tpu.memory_space<vmem>> -> memref<512xi32, #tpu.memory_space<vmem>>
    %dma_wait3A_345 = tpu.memref_slice %arg2[%add3A_43] : memref<425984xi32, #tpu.memory_space<hbm>> -> memref<512xi32, #tpu.memory_space<hbm>>
    %dma_wait3A_346 = arith.constant 2560 : i32
    %dma_wait3A_347 = tpu.memref_slice %arg8[%dma_wait3A_346] : memref<13312xi32, #tpu.memory_space<vmem>> -> memref<512xi32, #tpu.memory_space<vmem>>
    %dma_wait3A_348 = tpu.memref_slice %arg2[%add3A_43] : memref<425984xi32, #tpu.memory_space<hbm>> -> memref<512xi32, #tpu.memory_space<hbm>>
    tpu.wait_dma2 semaphore(%arg15 : memref<!tpu.dma_semaphore, #tpu.memory_space<semaphore_mem>>) src(%dma_wait3A_348 : memref<512xi32, #tpu.memory_space<hbm>>) dst(%dma_wait3A_347 : memref<512xi32, #tpu.memory_space<vmem>>)
    %dma_wait3A_349 = arith.constant 3072 : i32
    %dma_wait3A_350 = tpu.memref_slice %arg8[%dma_wait3A_349] : memref<13312xi32, #tpu.memory_space<vmem>> -> memref<512xi32, #tpu.memory_space<vmem>>
    %dma_wait3A_351 = tpu.memref_slice %arg2[%add3A_51] : memref<425984xi32, #tpu.memory_space<hbm>> -> memref<512xi32, #tpu.memory_space<hbm>>
    %dma_wait3A_352 = arith.constant 3072 : i32
    %dma_wait3A_353 = tpu.memref_slice %arg8[%dma_wait3A_352] : memref<13312xi32, #tpu.memory_space<vmem>> -> memref<512xi32, #tpu.memory_space<vmem>>
    %dma_wait3A_354 = tpu.memref_slice %arg2[%add3A_51] : memref<425984xi32, #tpu.memory_space<hbm>> -> memref<512xi32, #tpu.memory_space<hbm>>
    tpu.wait_dma2 semaphore(%arg15 : memref<!tpu.dma_semaphore, #tpu.memory_space<semaphore_mem>>) src(%dma_wait3A_354 : memref<512xi32, #tpu.memory_space<hbm>>) dst(%dma_wait3A_353 : memref<512xi32, #tpu.memory_space<vmem>>)
    %dma_wait3A_355 = arith.constant 3584 : i32
    %dma_wait3A_356 = tpu.memref_slice %arg8[%dma_wait3A_355] : memref<13312xi32, #tpu.memory_space<vmem>> -> memref<512xi32, #tpu.memory_space<vmem>>
    %dma_wait3A_357 = tpu.memref_slice %arg2[%add3A_59] : memref<425984xi32, #tpu.memory_space<hbm>> -> memref<512xi32, #tpu.memory_space<hbm>>
    %dma_wait3A_358 = arith.constant 3584 : i32
    %dma_wait3A_359 = tpu.memref_slice %arg8[%dma_wait3A_358] : memref<13312xi32, #tpu.memory_space<vmem>> -> memref<512xi32, #tpu.memory_space<vmem>>
    %dma_wait3A_360 = tpu.memref_slice %arg2[%add3A_59] : memref<425984xi32, #tpu.memory_space<hbm>> -> memref<512xi32, #tpu.memory_space<hbm>>
    tpu.wait_dma2 semaphore(%arg15 : memref<!tpu.dma_semaphore, #tpu.memory_space<semaphore_mem>>) src(%dma_wait3A_360 : memref<512xi32, #tpu.memory_space<hbm>>) dst(%dma_wait3A_359 : memref<512xi32, #tpu.memory_space<vmem>>)
    %dma_wait3A_361 = arith.constant 4096 : i32
    %dma_wait3A_362 = tpu.memref_slice %arg8[%dma_wait3A_361] : memref<13312xi32, #tpu.memory_space<vmem>> -> memref<512xi32, #tpu.memory_space<vmem>>
    %dma_wait3A_363 = tpu.memref_slice %arg2[%add3A_67] : memref<425984xi32, #tpu.memory_space<hbm>> -> memref<512xi32, #tpu.memory_space<hbm>>
    %dma_wait3A_364 = arith.constant 4096 : i32
    %dma_wait3A_365 = tpu.memref_slice %arg8[%dma_wait3A_364] : memref<13312xi32, #tpu.memory_space<vmem>> -> memref<512xi32, #tpu.memory_space<vmem>>
    %dma_wait3A_366 = tpu.memref_slice %arg2[%add3A_67] : memref<425984xi32, #tpu.memory_space<hbm>> -> memref<512xi32, #tpu.memory_space<hbm>>
    tpu.wait_dma2 semaphore(%arg15 : memref<!tpu.dma_semaphore, #tpu.memory_space<semaphore_mem>>) src(%dma_wait3A_366 : memref<512xi32, #tpu.memory_space<hbm>>) dst(%dma_wait3A_365 : memref<512xi32, #tpu.memory_space<vmem>>)
    %dma_wait3A_367 = arith.constant 4608 : i32
    %dma_wait3A_368 = tpu.memref_slice %arg8[%dma_wait3A_367] : memref<13312xi32, #tpu.memory_space<vmem>> -> memref<512xi32, #tpu.memory_space<vmem>>
    %dma_wait3A_369 = tpu.memref_slice %arg2[%add3A_75] : memref<425984xi32, #tpu.memory_space<hbm>> -> memref<512xi32, #tpu.memory_space<hbm>>
    %dma_wait3A_370 = arith.constant 4608 : i32
    %dma_wait3A_371 = tpu.memref_slice %arg8[%dma_wait3A_370] : memref<13312xi32, #tpu.memory_space<vmem>> -> memref<512xi32, #tpu.memory_space<vmem>>
    %dma_wait3A_372 = tpu.memref_slice %arg2[%add3A_75] : memref<425984xi32, #tpu.memory_space<hbm>> -> memref<512xi32, #tpu.memory_space<hbm>>
    tpu.wait_dma2 semaphore(%arg15 : memref<!tpu.dma_semaphore, #tpu.memory_space<semaphore_mem>>) src(%dma_wait3A_372 : memref<512xi32, #tpu.memory_space<hbm>>) dst(%dma_wait3A_371 : memref<512xi32, #tpu.memory_space<vmem>>)
    %dma_wait3A_373 = arith.constant 5120 : i32
    %dma_wait3A_374 = tpu.memref_slice %arg8[%dma_wait3A_373] : memref<13312xi32, #tpu.memory_space<vmem>> -> memref<512xi32, #tpu.memory_space<vmem>>
    %dma_wait3A_375 = tpu.memref_slice %arg2[%add3A_83] : memref<425984xi32, #tpu.memory_space<hbm>> -> memref<512xi32, #tpu.memory_space<hbm>>
    %dma_wait3A_376 = arith.constant 5120 : i32
    %dma_wait3A_377 = tpu.memref_slice %arg8[%dma_wait3A_376] : memref<13312xi32, #tpu.memory_space<vmem>> -> memref<512xi32, #tpu.memory_space<vmem>>
    %dma_wait3A_378 = tpu.memref_slice %arg2[%add3A_83] : memref<425984xi32, #tpu.memory_space<hbm>> -> memref<512xi32, #tpu.memory_space<hbm>>
    tpu.wait_dma2 semaphore(%arg15 : memref<!tpu.dma_semaphore, #tpu.memory_space<semaphore_mem>>) src(%dma_wait3A_378 : memref<512xi32, #tpu.memory_space<hbm>>) dst(%dma_wait3A_377 : memref<512xi32, #tpu.memory_space<vmem>>)
    %dma_wait3A_379 = arith.constant 5632 : i32
    %dma_wait3A_380 = tpu.memref_slice %arg8[%dma_wait3A_379] : memref<13312xi32, #tpu.memory_space<vmem>> -> memref<512xi32, #tpu.memory_space<vmem>>
    %dma_wait3A_381 = tpu.memref_slice %arg2[%add3A_91] : memref<425984xi32, #tpu.memory_space<hbm>> -> memref<512xi32, #tpu.memory_space<hbm>>
    %dma_wait3A_382 = arith.constant 5632 : i32
    %dma_wait3A_383 = tpu.memref_slice %arg8[%dma_wait3A_382] : memref<13312xi32, #tpu.memory_space<vmem>> -> memref<512xi32, #tpu.memory_space<vmem>>
    %dma_wait3A_384 = tpu.memref_slice %arg2[%add3A_91] : memref<425984xi32, #tpu.memory_space<hbm>> -> memref<512xi32, #tpu.memory_space<hbm>>
    tpu.wait_dma2 semaphore(%arg15 : memref<!tpu.dma_semaphore, #tpu.memory_space<semaphore_mem>>) src(%dma_wait3A_384 : memref<512xi32, #tpu.memory_space<hbm>>) dst(%dma_wait3A_383 : memref<512xi32, #tpu.memory_space<vmem>>)
    %dma_wait3A_385 = arith.constant 6144 : i32
    %dma_wait3A_386 = tpu.memref_slice %arg8[%dma_wait3A_385] : memref<13312xi32, #tpu.memory_space<vmem>> -> memref<512xi32, #tpu.memory_space<vmem>>
    %dma_wait3A_387 = tpu.memref_slice %arg2[%add3A_99] : memref<425984xi32, #tpu.memory_space<hbm>> -> memref<512xi32, #tpu.memory_space<hbm>>
    %dma_wait3A_388 = arith.constant 6144 : i32
    %dma_wait3A_389 = tpu.memref_slice %arg8[%dma_wait3A_388] : memref<13312xi32, #tpu.memory_space<vmem>> -> memref<512xi32, #tpu.memory_space<vmem>>
    %dma_wait3A_390 = tpu.memref_slice %arg2[%add3A_99] : memref<425984xi32, #tpu.memory_space<hbm>> -> memref<512xi32, #tpu.memory_space<hbm>>
    tpu.wait_dma2 semaphore(%arg15 : memref<!tpu.dma_semaphore, #tpu.memory_space<semaphore_mem>>) src(%dma_wait3A_390 : memref<512xi32, #tpu.memory_space<hbm>>) dst(%dma_wait3A_389 : memref<512xi32, #tpu.memory_space<vmem>>)
    %dma_start3A_391 = arith.constant 0 : i32
    %dma_start3A_392 = arith.constant 0 : i32
    %dma_start3A_393 = arith.constant 0 : i32
    %dma_start3A_394 = tpu.memref_slice %arg10[%dma_start3A_393] : memref<13312xf32, #tpu.memory_space<vmem>> -> memref<512xf32, #tpu.memory_space<vmem>>
    %dma_start3A_395 = arith.constant 0 : i32
    %dma_start3A_396 = tpu.memref_slice %arg8[%dma_start3A_395] : memref<13312xi32, #tpu.memory_space<vmem>> -> memref<512xi32, #tpu.memory_space<vmem>>
    %dma_start3A_397 = arith.constant 0 : i32
    %dma_start3A_398 = tpu.memref_slice %arg4[%dma_start3A_391, %dma_start3A_392, %dma_start3A_397] : memref<26x1x100000xf32, #tpu.memory_space<hbm>> -> memref<1x1x100000xf32, #tpu.memory_space<hbm>>
    %dma_start3A_399 = tpu.memref_squeeze %dma_start3A_398 : memref<1x1x100000xf32, #tpu.memory_space<hbm>> -> memref<100000xf32, #tpu.memory_space<hbm>>
    %dma_start3A_400 = arith.constant 0 : i32
    %dma_start3A_401 = tpu.memref_slice %dma_start3A_399[%dma_start3A_400] : memref<100000xf32, #tpu.memory_space<hbm>> -> memref<100000xf32, #tpu.memory_space<hbm>>
    tpu.enqueue_indirect_dma source(%dma_start3A_401 : memref<100000xf32, #tpu.memory_space<hbm>>) target(%dma_start3A_394 : memref<512xf32, #tpu.memory_space<vmem>>) offsets(%dma_start3A_396 : memref<512xi32, #tpu.memory_space<vmem>>) semaphore(%arg18 : memref<!tpu.dma_semaphore, #tpu.memory_space<semaphore_mem>>)
    %dma_start3A_402 = arith.constant 1 : i32
    %dma_start3A_403 = arith.constant 0 : i32
    %dma_start3A_404 = arith.constant 512 : i32
    %dma_start3A_405 = tpu.memref_slice %arg10[%dma_start3A_404] : memref<13312xf32, #tpu.memory_space<vmem>> -> memref<512xf32, #tpu.memory_space<vmem>>
    %dma_start3A_406 = arith.constant 512 : i32
    %dma_start3A_407 = tpu.memref_slice %arg8[%dma_start3A_406] : memref<13312xi32, #tpu.memory_space<vmem>> -> memref<512xi32, #tpu.memory_space<vmem>>
    %dma_start3A_408 = arith.constant 0 : i32
    %dma_start3A_409 = tpu.memref_slice %arg4[%dma_start3A_402, %dma_start3A_403, %dma_start3A_408] : memref<26x1x100000xf32, #tpu.memory_space<hbm>> -> memref<1x1x100000xf32, #tpu.memory_space<hbm>>
    %dma_start3A_410 = tpu.memref_squeeze %dma_start3A_409 : memref<1x1x100000xf32, #tpu.memory_space<hbm>> -> memref<100000xf32, #tpu.memory_space<hbm>>
    %dma_start3A_411 = arith.constant 0 : i32
    %dma_start3A_412 = tpu.memref_slice %dma_start3A_410[%dma_start3A_411] : memref<100000xf32, #tpu.memory_space<hbm>> -> memref<100000xf32, #tpu.memory_space<hbm>>
    tpu.enqueue_indirect_dma source(%dma_start3A_412 : memref<100000xf32, #tpu.memory_space<hbm>>) target(%dma_start3A_405 : memref<512xf32, #tpu.memory_space<vmem>>) offsets(%dma_start3A_407 : memref<512xi32, #tpu.memory_space<vmem>>) semaphore(%arg18 : memref<!tpu.dma_semaphore, #tpu.memory_space<semaphore_mem>>)
    %dma_start3A_413 = arith.constant 2 : i32
    %dma_start3A_414 = arith.constant 0 : i32
    %dma_start3A_415 = arith.constant 1024 : i32
    %dma_start3A_416 = tpu.memref_slice %arg10[%dma_start3A_415] : memref<13312xf32, #tpu.memory_space<vmem>> -> memref<512xf32, #tpu.memory_space<vmem>>
    %dma_start3A_417 = arith.constant 1024 : i32
    %dma_start3A_418 = tpu.memref_slice %arg8[%dma_start3A_417] : memref<13312xi32, #tpu.memory_space<vmem>> -> memref<512xi32, #tpu.memory_space<vmem>>
    %dma_start3A_419 = arith.constant 0 : i32
    %dma_start3A_420 = tpu.memref_slice %arg4[%dma_start3A_413, %dma_start3A_414, %dma_start3A_419] : memref<26x1x100000xf32, #tpu.memory_space<hbm>> -> memref<1x1x100000xf32, #tpu.memory_space<hbm>>
    %dma_start3A_421 = tpu.memref_squeeze %dma_start3A_420 : memref<1x1x100000xf32, #tpu.memory_space<hbm>> -> memref<100000xf32, #tpu.memory_space<hbm>>
    %dma_start3A_422 = arith.constant 0 : i32
    %dma_start3A_423 = tpu.memref_slice %dma_start3A_421[%dma_start3A_422] : memref<100000xf32, #tpu.memory_space<hbm>> -> memref<100000xf32, #tpu.memory_space<hbm>>
    tpu.enqueue_indirect_dma source(%dma_start3A_423 : memref<100000xf32, #tpu.memory_space<hbm>>) target(%dma_start3A_416 : memref<512xf32, #tpu.memory_space<vmem>>) offsets(%dma_start3A_418 : memref<512xi32, #tpu.memory_space<vmem>>) semaphore(%arg18 : memref<!tpu.dma_semaphore, #tpu.memory_space<semaphore_mem>>)
    %dma_start3A_424 = arith.constant 3 : i32
    %dma_start3A_425 = arith.constant 0 : i32
    %dma_start3A_426 = arith.constant 1536 : i32
    %dma_start3A_427 = tpu.memref_slice %arg10[%dma_start3A_426] : memref<13312xf32, #tpu.memory_space<vmem>> -> memref<512xf32, #tpu.memory_space<vmem>>
    %dma_start3A_428 = arith.constant 1536 : i32
    %dma_start3A_429 = tpu.memref_slice %arg8[%dma_start3A_428] : memref<13312xi32, #tpu.memory_space<vmem>> -> memref<512xi32, #tpu.memory_space<vmem>>
    %dma_start3A_430 = arith.constant 0 : i32
    %dma_start3A_431 = tpu.memref_slice %arg4[%dma_start3A_424, %dma_start3A_425, %dma_start3A_430] : memref<26x1x100000xf32, #tpu.memory_space<hbm>> -> memref<1x1x100000xf32, #tpu.memory_space<hbm>>
    %dma_start3A_432 = tpu.memref_squeeze %dma_start3A_431 : memref<1x1x100000xf32, #tpu.memory_space<hbm>> -> memref<100000xf32, #tpu.memory_space<hbm>>
    %dma_start3A_433 = arith.constant 0 : i32
    %dma_start3A_434 = tpu.memref_slice %dma_start3A_432[%dma_start3A_433] : memref<100000xf32, #tpu.memory_space<hbm>> -> memref<100000xf32, #tpu.memory_space<hbm>>
    tpu.enqueue_indirect_dma source(%dma_start3A_434 : memref<100000xf32, #tpu.memory_space<hbm>>) target(%dma_start3A_427 : memref<512xf32, #tpu.memory_space<vmem>>) offsets(%dma_start3A_429 : memref<512xi32, #tpu.memory_space<vmem>>) semaphore(%arg18 : memref<!tpu.dma_semaphore, #tpu.memory_space<semaphore_mem>>)
    %dma_start3A_435 = arith.constant 4 : i32
    %dma_start3A_436 = arith.constant 0 : i32
    %dma_start3A_437 = arith.constant 2048 : i32
    %dma_start3A_438 = tpu.memref_slice %arg10[%dma_start3A_437] : memref<13312xf32, #tpu.memory_space<vmem>> -> memref<512xf32, #tpu.memory_space<vmem>>
    %dma_start3A_439 = arith.constant 2048 : i32
    %dma_start3A_440 = tpu.memref_slice %arg8[%dma_start3A_439] : memref<13312xi32, #tpu.memory_space<vmem>> -> memref<512xi32, #tpu.memory_space<vmem>>
    %dma_start3A_441 = arith.constant 0 : i32
    %dma_start3A_442 = tpu.memref_slice %arg4[%dma_start3A_435, %dma_start3A_436, %dma_start3A_441] : memref<26x1x100000xf32, #tpu.memory_space<hbm>> -> memref<1x1x100000xf32, #tpu.memory_space<hbm>>
    %dma_start3A_443 = tpu.memref_squeeze %dma_start3A_442 : memref<1x1x100000xf32, #tpu.memory_space<hbm>> -> memref<100000xf32, #tpu.memory_space<hbm>>
    %dma_start3A_444 = arith.constant 0 : i32
    %dma_start3A_445 = tpu.memref_slice %dma_start3A_443[%dma_start3A_444] : memref<100000xf32, #tpu.memory_space<hbm>> -> memref<100000xf32, #tpu.memory_space<hbm>>
    tpu.enqueue_indirect_dma source(%dma_start3A_445 : memref<100000xf32, #tpu.memory_space<hbm>>) target(%dma_start3A_438 : memref<512xf32, #tpu.memory_space<vmem>>) offsets(%dma_start3A_440 : memref<512xi32, #tpu.memory_space<vmem>>) semaphore(%arg18 : memref<!tpu.dma_semaphore, #tpu.memory_space<semaphore_mem>>)
    %dma_start3A_446 = arith.constant 5 : i32
    %dma_start3A_447 = arith.constant 0 : i32
    %dma_start3A_448 = arith.constant 2560 : i32
    %dma_start3A_449 = tpu.memref_slice %arg10[%dma_start3A_448] : memref<13312xf32, #tpu.memory_space<vmem>> -> memref<512xf32, #tpu.memory_space<vmem>>
    %dma_start3A_450 = arith.constant 2560 : i32
    %dma_start3A_451 = tpu.memref_slice %arg8[%dma_start3A_450] : memref<13312xi32, #tpu.memory_space<vmem>> -> memref<512xi32, #tpu.memory_space<vmem>>
    %dma_start3A_452 = arith.constant 0 : i32
    %dma_start3A_453 = tpu.memref_slice %arg4[%dma_start3A_446, %dma_start3A_447, %dma_start3A_452] : memref<26x1x100000xf32, #tpu.memory_space<hbm>> -> memref<1x1x100000xf32, #tpu.memory_space<hbm>>
    %dma_start3A_454 = tpu.memref_squeeze %dma_start3A_453 : memref<1x1x100000xf32, #tpu.memory_space<hbm>> -> memref<100000xf32, #tpu.memory_space<hbm>>
    %dma_start3A_455 = arith.constant 0 : i32
    %dma_start3A_456 = tpu.memref_slice %dma_start3A_454[%dma_start3A_455] : memref<100000xf32, #tpu.memory_space<hbm>> -> memref<100000xf32, #tpu.memory_space<hbm>>
    tpu.enqueue_indirect_dma source(%dma_start3A_456 : memref<100000xf32, #tpu.memory_space<hbm>>) target(%dma_start3A_449 : memref<512xf32, #tpu.memory_space<vmem>>) offsets(%dma_start3A_451 : memref<512xi32, #tpu.memory_space<vmem>>) semaphore(%arg18 : memref<!tpu.dma_semaphore, #tpu.memory_space<semaphore_mem>>)
    %dma_start3A_457 = arith.constant 6 : i32
    %dma_start3A_458 = arith.constant 0 : i32
    %dma_start3A_459 = arith.constant 3072 : i32
    %dma_start3A_460 = tpu.memref_slice %arg10[%dma_start3A_459] : memref<13312xf32, #tpu.memory_space<vmem>> -> memref<512xf32, #tpu.memory_space<vmem>>
    %dma_start3A_461 = arith.constant 3072 : i32
    %dma_start3A_462 = tpu.memref_slice %arg8[%dma_start3A_461] : memref<13312xi32, #tpu.memory_space<vmem>> -> memref<512xi32, #tpu.memory_space<vmem>>
    %dma_start3A_463 = arith.constant 0 : i32
    %dma_start3A_464 = tpu.memref_slice %arg4[%dma_start3A_457, %dma_start3A_458, %dma_start3A_463] : memref<26x1x100000xf32, #tpu.memory_space<hbm>> -> memref<1x1x100000xf32, #tpu.memory_space<hbm>>
    %dma_start3A_465 = tpu.memref_squeeze %dma_start3A_464 : memref<1x1x100000xf32, #tpu.memory_space<hbm>> -> memref<100000xf32, #tpu.memory_space<hbm>>
    %dma_start3A_466 = arith.constant 0 : i32
    %dma_start3A_467 = tpu.memref_slice %dma_start3A_465[%dma_start3A_466] : memref<100000xf32, #tpu.memory_space<hbm>> -> memref<100000xf32, #tpu.memory_space<hbm>>
    tpu.enqueue_indirect_dma source(%dma_start3A_467 : memref<100000xf32, #tpu.memory_space<hbm>>) target(%dma_start3A_460 : memref<512xf32, #tpu.memory_space<vmem>>) offsets(%dma_start3A_462 : memref<512xi32, #tpu.memory_space<vmem>>) semaphore(%arg18 : memref<!tpu.dma_semaphore, #tpu.memory_space<semaphore_mem>>)
    %dma_start3A_468 = arith.constant 7 : i32
    %dma_start3A_469 = arith.constant 0 : i32
    %dma_start3A_470 = arith.constant 3584 : i32
    %dma_start3A_471 = tpu.memref_slice %arg10[%dma_start3A_470] : memref<13312xf32, #tpu.memory_space<vmem>> -> memref<512xf32, #tpu.memory_space<vmem>>
    %dma_start3A_472 = arith.constant 3584 : i32
    %dma_start3A_473 = tpu.memref_slice %arg8[%dma_start3A_472] : memref<13312xi32, #tpu.memory_space<vmem>> -> memref<512xi32, #tpu.memory_space<vmem>>
    %dma_start3A_474 = arith.constant 0 : i32
    %dma_start3A_475 = tpu.memref_slice %arg4[%dma_start3A_468, %dma_start3A_469, %dma_start3A_474] : memref<26x1x100000xf32, #tpu.memory_space<hbm>> -> memref<1x1x100000xf32, #tpu.memory_space<hbm>>
    %dma_start3A_476 = tpu.memref_squeeze %dma_start3A_475 : memref<1x1x100000xf32, #tpu.memory_space<hbm>> -> memref<100000xf32, #tpu.memory_space<hbm>>
    %dma_start3A_477 = arith.constant 0 : i32
    %dma_start3A_478 = tpu.memref_slice %dma_start3A_476[%dma_start3A_477] : memref<100000xf32, #tpu.memory_space<hbm>> -> memref<100000xf32, #tpu.memory_space<hbm>>
    tpu.enqueue_indirect_dma source(%dma_start3A_478 : memref<100000xf32, #tpu.memory_space<hbm>>) target(%dma_start3A_471 : memref<512xf32, #tpu.memory_space<vmem>>) offsets(%dma_start3A_473 : memref<512xi32, #tpu.memory_space<vmem>>) semaphore(%arg18 : memref<!tpu.dma_semaphore, #tpu.memory_space<semaphore_mem>>)
    %dma_start3A_479 = arith.constant 8 : i32
    %dma_start3A_480 = arith.constant 0 : i32
    %dma_start3A_481 = arith.constant 4096 : i32
    %dma_start3A_482 = tpu.memref_slice %arg10[%dma_start3A_481] : memref<13312xf32, #tpu.memory_space<vmem>> -> memref<512xf32, #tpu.memory_space<vmem>>
    %dma_start3A_483 = arith.constant 4096 : i32
    %dma_start3A_484 = tpu.memref_slice %arg8[%dma_start3A_483] : memref<13312xi32, #tpu.memory_space<vmem>> -> memref<512xi32, #tpu.memory_space<vmem>>
    %dma_start3A_485 = arith.constant 0 : i32
    %dma_start3A_486 = tpu.memref_slice %arg4[%dma_start3A_479, %dma_start3A_480, %dma_start3A_485] : memref<26x1x100000xf32, #tpu.memory_space<hbm>> -> memref<1x1x100000xf32, #tpu.memory_space<hbm>>
    %dma_start3A_487 = tpu.memref_squeeze %dma_start3A_486 : memref<1x1x100000xf32, #tpu.memory_space<hbm>> -> memref<100000xf32, #tpu.memory_space<hbm>>
    %dma_start3A_488 = arith.constant 0 : i32
    %dma_start3A_489 = tpu.memref_slice %dma_start3A_487[%dma_start3A_488] : memref<100000xf32, #tpu.memory_space<hbm>> -> memref<100000xf32, #tpu.memory_space<hbm>>
    tpu.enqueue_indirect_dma source(%dma_start3A_489 : memref<100000xf32, #tpu.memory_space<hbm>>) target(%dma_start3A_482 : memref<512xf32, #tpu.memory_space<vmem>>) offsets(%dma_start3A_484 : memref<512xi32, #tpu.memory_space<vmem>>) semaphore(%arg18 : memref<!tpu.dma_semaphore, #tpu.memory_space<semaphore_mem>>)
    %dma_start3A_490 = arith.constant 9 : i32
    %dma_start3A_491 = arith.constant 0 : i32
    %dma_start3A_492 = arith.constant 4608 : i32
    %dma_start3A_493 = tpu.memref_slice %arg10[%dma_start3A_492] : memref<13312xf32, #tpu.memory_space<vmem>> -> memref<512xf32, #tpu.memory_space<vmem>>
    %dma_start3A_494 = arith.constant 4608 : i32
    %dma_start3A_495 = tpu.memref_slice %arg8[%dma_start3A_494] : memref<13312xi32, #tpu.memory_space<vmem>> -> memref<512xi32, #tpu.memory_space<vmem>>
    %dma_start3A_496 = arith.constant 0 : i32
    %dma_start3A_497 = tpu.memref_slice %arg4[%dma_start3A_490, %dma_start3A_491, %dma_start3A_496] : memref<26x1x100000xf32, #tpu.memory_space<hbm>> -> memref<1x1x100000xf32, #tpu.memory_space<hbm>>
    %dma_start3A_498 = tpu.memref_squeeze %dma_start3A_497 : memref<1x1x100000xf32, #tpu.memory_space<hbm>> -> memref<100000xf32, #tpu.memory_space<hbm>>
    %dma_start3A_499 = arith.constant 0 : i32
    %dma_start3A_500 = tpu.memref_slice %dma_start3A_498[%dma_start3A_499] : memref<100000xf32, #tpu.memory_space<hbm>> -> memref<100000xf32, #tpu.memory_space<hbm>>
    tpu.enqueue_indirect_dma source(%dma_start3A_500 : memref<100000xf32, #tpu.memory_space<hbm>>) target(%dma_start3A_493 : memref<512xf32, #tpu.memory_space<vmem>>) offsets(%dma_start3A_495 : memref<512xi32, #tpu.memory_space<vmem>>) semaphore(%arg18 : memref<!tpu.dma_semaphore, #tpu.memory_space<semaphore_mem>>)
    %dma_start3A_501 = arith.constant 10 : i32
    %dma_start3A_502 = arith.constant 0 : i32
    %dma_start3A_503 = arith.constant 5120 : i32
    %dma_start3A_504 = tpu.memref_slice %arg10[%dma_start3A_503] : memref<13312xf32, #tpu.memory_space<vmem>> -> memref<512xf32, #tpu.memory_space<vmem>>
    %dma_start3A_505 = arith.constant 5120 : i32
    %dma_start3A_506 = tpu.memref_slice %arg8[%dma_start3A_505] : memref<13312xi32, #tpu.memory_space<vmem>> -> memref<512xi32, #tpu.memory_space<vmem>>
    %dma_start3A_507 = arith.constant 0 : i32
    %dma_start3A_508 = tpu.memref_slice %arg4[%dma_start3A_501, %dma_start3A_502, %dma_start3A_507] : memref<26x1x100000xf32, #tpu.memory_space<hbm>> -> memref<1x1x100000xf32, #tpu.memory_space<hbm>>
    %dma_start3A_509 = tpu.memref_squeeze %dma_start3A_508 : memref<1x1x100000xf32, #tpu.memory_space<hbm>> -> memref<100000xf32, #tpu.memory_space<hbm>>
    %dma_start3A_510 = arith.constant 0 : i32
    %dma_start3A_511 = tpu.memref_slice %dma_start3A_509[%dma_start3A_510] : memref<100000xf32, #tpu.memory_space<hbm>> -> memref<100000xf32, #tpu.memory_space<hbm>>
    tpu.enqueue_indirect_dma source(%dma_start3A_511 : memref<100000xf32, #tpu.memory_space<hbm>>) target(%dma_start3A_504 : memref<512xf32, #tpu.memory_space<vmem>>) offsets(%dma_start3A_506 : memref<512xi32, #tpu.memory_space<vmem>>) semaphore(%arg18 : memref<!tpu.dma_semaphore, #tpu.memory_space<semaphore_mem>>)
    %dma_start3A_512 = arith.constant 11 : i32
    %dma_start3A_513 = arith.constant 0 : i32
    %dma_start3A_514 = arith.constant 5632 : i32
    %dma_start3A_515 = tpu.memref_slice %arg10[%dma_start3A_514] : memref<13312xf32, #tpu.memory_space<vmem>> -> memref<512xf32, #tpu.memory_space<vmem>>
    %dma_start3A_516 = arith.constant 5632 : i32
    %dma_start3A_517 = tpu.memref_slice %arg8[%dma_start3A_516] : memref<13312xi32, #tpu.memory_space<vmem>> -> memref<512xi32, #tpu.memory_space<vmem>>
    %dma_start3A_518 = arith.constant 0 : i32
    %dma_start3A_519 = tpu.memref_slice %arg4[%dma_start3A_512, %dma_start3A_513, %dma_start3A_518] : memref<26x1x100000xf32, #tpu.memory_space<hbm>> -> memref<1x1x100000xf32, #tpu.memory_space<hbm>>
    %dma_start3A_520 = tpu.memref_squeeze %dma_start3A_519 : memref<1x1x100000xf32, #tpu.memory_space<hbm>> -> memref<100000xf32, #tpu.memory_space<hbm>>
    %dma_start3A_521 = arith.constant 0 : i32
    %dma_start3A_522 = tpu.memref_slice %dma_start3A_520[%dma_start3A_521] : memref<100000xf32, #tpu.memory_space<hbm>> -> memref<100000xf32, #tpu.memory_space<hbm>>
    tpu.enqueue_indirect_dma source(%dma_start3A_522 : memref<100000xf32, #tpu.memory_space<hbm>>) target(%dma_start3A_515 : memref<512xf32, #tpu.memory_space<vmem>>) offsets(%dma_start3A_517 : memref<512xi32, #tpu.memory_space<vmem>>) semaphore(%arg18 : memref<!tpu.dma_semaphore, #tpu.memory_space<semaphore_mem>>)
    %dma_start3A_523 = arith.constant 12 : i32
    %dma_start3A_524 = arith.constant 0 : i32
    %dma_start3A_525 = arith.constant 6144 : i32
    %dma_start3A_526 = tpu.memref_slice %arg10[%dma_start3A_525] : memref<13312xf32, #tpu.memory_space<vmem>> -> memref<512xf32, #tpu.memory_space<vmem>>
    %dma_start3A_527 = arith.constant 6144 : i32
    %dma_start3A_528 = tpu.memref_slice %arg8[%dma_start3A_527] : memref<13312xi32, #tpu.memory_space<vmem>> -> memref<512xi32, #tpu.memory_space<vmem>>
    %dma_start3A_529 = arith.constant 0 : i32
    %dma_start3A_530 = tpu.memref_slice %arg4[%dma_start3A_523, %dma_start3A_524, %dma_start3A_529] : memref<26x1x100000xf32, #tpu.memory_space<hbm>> -> memref<1x1x100000xf32, #tpu.memory_space<hbm>>
    %dma_start3A_531 = tpu.memref_squeeze %dma_start3A_530 : memref<1x1x100000xf32, #tpu.memory_space<hbm>> -> memref<100000xf32, #tpu.memory_space<hbm>>
    %dma_start3A_532 = arith.constant 0 : i32
    %dma_start3A_533 = tpu.memref_slice %dma_start3A_531[%dma_start3A_532] : memref<100000xf32, #tpu.memory_space<hbm>> -> memref<100000xf32, #tpu.memory_space<hbm>>
    tpu.enqueue_indirect_dma source(%dma_start3A_533 : memref<100000xf32, #tpu.memory_space<hbm>>) target(%dma_start3A_526 : memref<512xf32, #tpu.memory_space<vmem>>) offsets(%dma_start3A_528 : memref<512xi32, #tpu.memory_space<vmem>>) semaphore(%arg18 : memref<!tpu.dma_semaphore, #tpu.memory_space<semaphore_mem>>)
    %dma_wait3A_534 = arith.constant 6656 : i32
    %dma_wait3A_535 = tpu.memref_slice %arg8[%dma_wait3A_534] : memref<13312xi32, #tpu.memory_space<vmem>> -> memref<512xi32, #tpu.memory_space<vmem>>
    %dma_wait3A_536 = tpu.memref_slice %arg2[%add3A_107] : memref<425984xi32, #tpu.memory_space<hbm>> -> memref<512xi32, #tpu.memory_space<hbm>>
    %dma_wait3A_537 = arith.constant 6656 : i32
    %dma_wait3A_538 = tpu.memref_slice %arg8[%dma_wait3A_537] : memref<13312xi32, #tpu.memory_space<vmem>> -> memref<512xi32, #tpu.memory_space<vmem>>
    %dma_wait3A_539 = tpu.memref_slice %arg2[%add3A_107] : memref<425984xi32, #tpu.memory_space<hbm>> -> memref<512xi32, #tpu.memory_space<hbm>>
    tpu.wait_dma2 semaphore(%arg16 : memref<!tpu.dma_semaphore, #tpu.memory_space<semaphore_mem>>) src(%dma_wait3A_539 : memref<512xi32, #tpu.memory_space<hbm>>) dst(%dma_wait3A_538 : memref<512xi32, #tpu.memory_space<vmem>>)
    %dma_wait3A_540 = arith.constant 7168 : i32
    %dma_wait3A_541 = tpu.memref_slice %arg8[%dma_wait3A_540] : memref<13312xi32, #tpu.memory_space<vmem>> -> memref<512xi32, #tpu.memory_space<vmem>>
    %dma_wait3A_542 = tpu.memref_slice %arg2[%add3A_115] : memref<425984xi32, #tpu.memory_space<hbm>> -> memref<512xi32, #tpu.memory_space<hbm>>
    %dma_wait3A_543 = arith.constant 7168 : i32
    %dma_wait3A_544 = tpu.memref_slice %arg8[%dma_wait3A_543] : memref<13312xi32, #tpu.memory_space<vmem>> -> memref<512xi32, #tpu.memory_space<vmem>>
    %dma_wait3A_545 = tpu.memref_slice %arg2[%add3A_115] : memref<425984xi32, #tpu.memory_space<hbm>> -> memref<512xi32, #tpu.memory_space<hbm>>
    tpu.wait_dma2 semaphore(%arg16 : memref<!tpu.dma_semaphore, #tpu.memory_space<semaphore_mem>>) src(%dma_wait3A_545 : memref<512xi32, #tpu.memory_space<hbm>>) dst(%dma_wait3A_544 : memref<512xi32, #tpu.memory_space<vmem>>)
    %dma_wait3A_546 = arith.constant 7680 : i32
    %dma_wait3A_547 = tpu.memref_slice %arg8[%dma_wait3A_546] : memref<13312xi32, #tpu.memory_space<vmem>> -> memref<512xi32, #tpu.memory_space<vmem>>
    %dma_wait3A_548 = tpu.memref_slice %arg2[%add3A_123] : memref<425984xi32, #tpu.memory_space<hbm>> -> memref<512xi32, #tpu.memory_space<hbm>>
    %dma_wait3A_549 = arith.constant 7680 : i32
    %dma_wait3A_550 = tpu.memref_slice %arg8[%dma_wait3A_549] : memref<13312xi32, #tpu.memory_space<vmem>> -> memref<512xi32, #tpu.memory_space<vmem>>
    %dma_wait3A_551 = tpu.memref_slice %arg2[%add3A_123] : memref<425984xi32, #tpu.memory_space<hbm>> -> memref<512xi32, #tpu.memory_space<hbm>>
    tpu.wait_dma2 semaphore(%arg16 : memref<!tpu.dma_semaphore, #tpu.memory_space<semaphore_mem>>) src(%dma_wait3A_551 : memref<512xi32, #tpu.memory_space<hbm>>) dst(%dma_wait3A_550 : memref<512xi32, #tpu.memory_space<vmem>>)
    %dma_wait3A_552 = arith.constant 8192 : i32
    %dma_wait3A_553 = tpu.memref_slice %arg8[%dma_wait3A_552] : memref<13312xi32, #tpu.memory_space<vmem>> -> memref<512xi32, #tpu.memory_space<vmem>>
    %dma_wait3A_554 = tpu.memref_slice %arg2[%add3A_131] : memref<425984xi32, #tpu.memory_space<hbm>> -> memref<512xi32, #tpu.memory_space<hbm>>
    %dma_wait3A_555 = arith.constant 8192 : i32
    %dma_wait3A_556 = tpu.memref_slice %arg8[%dma_wait3A_555] : memref<13312xi32, #tpu.memory_space<vmem>> -> memref<512xi32, #tpu.memory_space<vmem>>
    %dma_wait3A_557 = tpu.memref_slice %arg2[%add3A_131] : memref<425984xi32, #tpu.memory_space<hbm>> -> memref<512xi32, #tpu.memory_space<hbm>>
    tpu.wait_dma2 semaphore(%arg16 : memref<!tpu.dma_semaphore, #tpu.memory_space<semaphore_mem>>) src(%dma_wait3A_557 : memref<512xi32, #tpu.memory_space<hbm>>) dst(%dma_wait3A_556 : memref<512xi32, #tpu.memory_space<vmem>>)
    %dma_wait3A_558 = arith.constant 8704 : i32
    %dma_wait3A_559 = tpu.memref_slice %arg8[%dma_wait3A_558] : memref<13312xi32, #tpu.memory_space<vmem>> -> memref<512xi32, #tpu.memory_space<vmem>>
    %dma_wait3A_560 = tpu.memref_slice %arg2[%add3A_139] : memref<425984xi32, #tpu.memory_space<hbm>> -> memref<512xi32, #tpu.memory_space<hbm>>
    %dma_wait3A_561 = arith.constant 8704 : i32
    %dma_wait3A_562 = tpu.memref_slice %arg8[%dma_wait3A_561] : memref<13312xi32, #tpu.memory_space<vmem>> -> memref<512xi32, #tpu.memory_space<vmem>>
    %dma_wait3A_563 = tpu.memref_slice %arg2[%add3A_139] : memref<425984xi32, #tpu.memory_space<hbm>> -> memref<512xi32, #tpu.memory_space<hbm>>
    tpu.wait_dma2 semaphore(%arg16 : memref<!tpu.dma_semaphore, #tpu.memory_space<semaphore_mem>>) src(%dma_wait3A_563 : memref<512xi32, #tpu.memory_space<hbm>>) dst(%dma_wait3A_562 : memref<512xi32, #tpu.memory_space<vmem>>)
    %dma_wait3A_564 = arith.constant 9216 : i32
    %dma_wait3A_565 = tpu.memref_slice %arg8[%dma_wait3A_564] : memref<13312xi32, #tpu.memory_space<vmem>> -> memref<512xi32, #tpu.memory_space<vmem>>
    %dma_wait3A_566 = tpu.memref_slice %arg2[%add3A_147] : memref<425984xi32, #tpu.memory_space<hbm>> -> memref<512xi32, #tpu.memory_space<hbm>>
    %dma_wait3A_567 = arith.constant 9216 : i32
    %dma_wait3A_568 = tpu.memref_slice %arg8[%dma_wait3A_567] : memref<13312xi32, #tpu.memory_space<vmem>> -> memref<512xi32, #tpu.memory_space<vmem>>
    %dma_wait3A_569 = tpu.memref_slice %arg2[%add3A_147] : memref<425984xi32, #tpu.memory_space<hbm>> -> memref<512xi32, #tpu.memory_space<hbm>>
    tpu.wait_dma2 semaphore(%arg16 : memref<!tpu.dma_semaphore, #tpu.memory_space<semaphore_mem>>) src(%dma_wait3A_569 : memref<512xi32, #tpu.memory_space<hbm>>) dst(%dma_wait3A_568 : memref<512xi32, #tpu.memory_space<vmem>>)
    %dma_wait3A_570 = arith.constant 9728 : i32
    %dma_wait3A_571 = tpu.memref_slice %arg8[%dma_wait3A_570] : memref<13312xi32, #tpu.memory_space<vmem>> -> memref<512xi32, #tpu.memory_space<vmem>>
    %dma_wait3A_572 = tpu.memref_slice %arg2[%add3A_155] : memref<425984xi32, #tpu.memory_space<hbm>> -> memref<512xi32, #tpu.memory_space<hbm>>
    %dma_wait3A_573 = arith.constant 9728 : i32
    %dma_wait3A_574 = tpu.memref_slice %arg8[%dma_wait3A_573] : memref<13312xi32, #tpu.memory_space<vmem>> -> memref<512xi32, #tpu.memory_space<vmem>>
    %dma_wait3A_575 = tpu.memref_slice %arg2[%add3A_155] : memref<425984xi32, #tpu.memory_space<hbm>> -> memref<512xi32, #tpu.memory_space<hbm>>
    tpu.wait_dma2 semaphore(%arg16 : memref<!tpu.dma_semaphore, #tpu.memory_space<semaphore_mem>>) src(%dma_wait3A_575 : memref<512xi32, #tpu.memory_space<hbm>>) dst(%dma_wait3A_574 : memref<512xi32, #tpu.memory_space<vmem>>)
    %dma_wait3A_576 = arith.constant 10240 : i32
    %dma_wait3A_577 = tpu.memref_slice %arg8[%dma_wait3A_576] : memref<13312xi32, #tpu.memory_space<vmem>> -> memref<512xi32, #tpu.memory_space<vmem>>
    %dma_wait3A_578 = tpu.memref_slice %arg2[%add3A_163] : memref<425984xi32, #tpu.memory_space<hbm>> -> memref<512xi32, #tpu.memory_space<hbm>>
    %dma_wait3A_579 = arith.constant 10240 : i32
    %dma_wait3A_580 = tpu.memref_slice %arg8[%dma_wait3A_579] : memref<13312xi32, #tpu.memory_space<vmem>> -> memref<512xi32, #tpu.memory_space<vmem>>
    %dma_wait3A_581 = tpu.memref_slice %arg2[%add3A_163] : memref<425984xi32, #tpu.memory_space<hbm>> -> memref<512xi32, #tpu.memory_space<hbm>>
    tpu.wait_dma2 semaphore(%arg16 : memref<!tpu.dma_semaphore, #tpu.memory_space<semaphore_mem>>) src(%dma_wait3A_581 : memref<512xi32, #tpu.memory_space<hbm>>) dst(%dma_wait3A_580 : memref<512xi32, #tpu.memory_space<vmem>>)
    %dma_wait3A_582 = arith.constant 10752 : i32
    %dma_wait3A_583 = tpu.memref_slice %arg8[%dma_wait3A_582] : memref<13312xi32, #tpu.memory_space<vmem>> -> memref<512xi32, #tpu.memory_space<vmem>>
    %dma_wait3A_584 = tpu.memref_slice %arg2[%add3A_171] : memref<425984xi32, #tpu.memory_space<hbm>> -> memref<512xi32, #tpu.memory_space<hbm>>
    %dma_wait3A_585 = arith.constant 10752 : i32
    %dma_wait3A_586 = tpu.memref_slice %arg8[%dma_wait3A_585] : memref<13312xi32, #tpu.memory_space<vmem>> -> memref<512xi32, #tpu.memory_space<vmem>>
    %dma_wait3A_587 = tpu.memref_slice %arg2[%add3A_171] : memref<425984xi32, #tpu.memory_space<hbm>> -> memref<512xi32, #tpu.memory_space<hbm>>
    tpu.wait_dma2 semaphore(%arg16 : memref<!tpu.dma_semaphore, #tpu.memory_space<semaphore_mem>>) src(%dma_wait3A_587 : memref<512xi32, #tpu.memory_space<hbm>>) dst(%dma_wait3A_586 : memref<512xi32, #tpu.memory_space<vmem>>)
    %dma_wait3A_588 = arith.constant 11264 : i32
    %dma_wait3A_589 = tpu.memref_slice %arg8[%dma_wait3A_588] : memref<13312xi32, #tpu.memory_space<vmem>> -> memref<512xi32, #tpu.memory_space<vmem>>
    %dma_wait3A_590 = tpu.memref_slice %arg2[%add3A_179] : memref<425984xi32, #tpu.memory_space<hbm>> -> memref<512xi32, #tpu.memory_space<hbm>>
    %dma_wait3A_591 = arith.constant 11264 : i32
    %dma_wait3A_592 = tpu.memref_slice %arg8[%dma_wait3A_591] : memref<13312xi32, #tpu.memory_space<vmem>> -> memref<512xi32, #tpu.memory_space<vmem>>
    %dma_wait3A_593 = tpu.memref_slice %arg2[%add3A_179] : memref<425984xi32, #tpu.memory_space<hbm>> -> memref<512xi32, #tpu.memory_space<hbm>>
    tpu.wait_dma2 semaphore(%arg16 : memref<!tpu.dma_semaphore, #tpu.memory_space<semaphore_mem>>) src(%dma_wait3A_593 : memref<512xi32, #tpu.memory_space<hbm>>) dst(%dma_wait3A_592 : memref<512xi32, #tpu.memory_space<vmem>>)
    %dma_wait3A_594 = arith.constant 11776 : i32
    %dma_wait3A_595 = tpu.memref_slice %arg8[%dma_wait3A_594] : memref<13312xi32, #tpu.memory_space<vmem>> -> memref<512xi32, #tpu.memory_space<vmem>>
    %dma_wait3A_596 = tpu.memref_slice %arg2[%add3A_187] : memref<425984xi32, #tpu.memory_space<hbm>> -> memref<512xi32, #tpu.memory_space<hbm>>
    %dma_wait3A_597 = arith.constant 11776 : i32
    %dma_wait3A_598 = tpu.memref_slice %arg8[%dma_wait3A_597] : memref<13312xi32, #tpu.memory_space<vmem>> -> memref<512xi32, #tpu.memory_space<vmem>>
    %dma_wait3A_599 = tpu.memref_slice %arg2[%add3A_187] : memref<425984xi32, #tpu.memory_space<hbm>> -> memref<512xi32, #tpu.memory_space<hbm>>
    tpu.wait_dma2 semaphore(%arg16 : memref<!tpu.dma_semaphore, #tpu.memory_space<semaphore_mem>>) src(%dma_wait3A_599 : memref<512xi32, #tpu.memory_space<hbm>>) dst(%dma_wait3A_598 : memref<512xi32, #tpu.memory_space<vmem>>)
    %dma_wait3A_600 = arith.constant 12288 : i32
    %dma_wait3A_601 = tpu.memref_slice %arg8[%dma_wait3A_600] : memref<13312xi32, #tpu.memory_space<vmem>> -> memref<512xi32, #tpu.memory_space<vmem>>
    %dma_wait3A_602 = tpu.memref_slice %arg2[%add3A_195] : memref<425984xi32, #tpu.memory_space<hbm>> -> memref<512xi32, #tpu.memory_space<hbm>>
    %dma_wait3A_603 = arith.constant 12288 : i32
    %dma_wait3A_604 = tpu.memref_slice %arg8[%dma_wait3A_603] : memref<13312xi32, #tpu.memory_space<vmem>> -> memref<512xi32, #tpu.memory_space<vmem>>
    %dma_wait3A_605 = tpu.memref_slice %arg2[%add3A_195] : memref<425984xi32, #tpu.memory_space<hbm>> -> memref<512xi32, #tpu.memory_space<hbm>>
    tpu.wait_dma2 semaphore(%arg16 : memref<!tpu.dma_semaphore, #tpu.memory_space<semaphore_mem>>) src(%dma_wait3A_605 : memref<512xi32, #tpu.memory_space<hbm>>) dst(%dma_wait3A_604 : memref<512xi32, #tpu.memory_space<vmem>>)
    %dma_wait3A_606 = arith.constant 12800 : i32
    %dma_wait3A_607 = tpu.memref_slice %arg8[%dma_wait3A_606] : memref<13312xi32, #tpu.memory_space<vmem>> -> memref<512xi32, #tpu.memory_space<vmem>>
    %dma_wait3A_608 = tpu.memref_slice %arg2[%add3A_203] : memref<425984xi32, #tpu.memory_space<hbm>> -> memref<512xi32, #tpu.memory_space<hbm>>
    %dma_wait3A_609 = arith.constant 12800 : i32
    %dma_wait3A_610 = tpu.memref_slice %arg8[%dma_wait3A_609] : memref<13312xi32, #tpu.memory_space<vmem>> -> memref<512xi32, #tpu.memory_space<vmem>>
    %dma_wait3A_611 = tpu.memref_slice %arg2[%add3A_203] : memref<425984xi32, #tpu.memory_space<hbm>> -> memref<512xi32, #tpu.memory_space<hbm>>
    tpu.wait_dma2 semaphore(%arg16 : memref<!tpu.dma_semaphore, #tpu.memory_space<semaphore_mem>>) src(%dma_wait3A_611 : memref<512xi32, #tpu.memory_space<hbm>>) dst(%dma_wait3A_610 : memref<512xi32, #tpu.memory_space<vmem>>)
    %dma_start3A_612 = arith.constant 13 : i32
    %dma_start3A_613 = arith.constant 0 : i32
    %dma_start3A_614 = arith.constant 6656 : i32
    %dma_start3A_615 = tpu.memref_slice %arg10[%dma_start3A_614] : memref<13312xf32, #tpu.memory_space<vmem>> -> memref<512xf32, #tpu.memory_space<vmem>>
    %dma_start3A_616 = arith.constant 6656 : i32
    %dma_start3A_617 = tpu.memref_slice %arg8[%dma_start3A_616] : memref<13312xi32, #tpu.memory_space<vmem>> -> memref<512xi32, #tpu.memory_space<vmem>>
    %dma_start3A_618 = arith.constant 0 : i32
    %dma_start3A_619 = tpu.memref_slice %arg4[%dma_start3A_612, %dma_start3A_613, %dma_start3A_618] : memref<26x1x100000xf32, #tpu.memory_space<hbm>> -> memref<1x1x100000xf32, #tpu.memory_space<hbm>>
    %dma_start3A_620 = tpu.memref_squeeze %dma_start3A_619 : memref<1x1x100000xf32, #tpu.memory_space<hbm>> -> memref<100000xf32, #tpu.memory_space<hbm>>
    %dma_start3A_621 = arith.constant 0 : i32
    %dma_start3A_622 = tpu.memref_slice %dma_start3A_620[%dma_start3A_621] : memref<100000xf32, #tpu.memory_space<hbm>> -> memref<100000xf32, #tpu.memory_space<hbm>>
    tpu.enqueue_indirect_dma source(%dma_start3A_622 : memref<100000xf32, #tpu.memory_space<hbm>>) target(%dma_start3A_615 : memref<512xf32, #tpu.memory_space<vmem>>) offsets(%dma_start3A_617 : memref<512xi32, #tpu.memory_space<vmem>>) semaphore(%arg19 : memref<!tpu.dma_semaphore, #tpu.memory_space<semaphore_mem>>)
    %dma_start3A_623 = arith.constant 14 : i32
    %dma_start3A_624 = arith.constant 0 : i32
    %dma_start3A_625 = arith.constant 7168 : i32
    %dma_start3A_626 = tpu.memref_slice %arg10[%dma_start3A_625] : memref<13312xf32, #tpu.memory_space<vmem>> -> memref<512xf32, #tpu.memory_space<vmem>>
    %dma_start3A_627 = arith.constant 7168 : i32
    %dma_start3A_628 = tpu.memref_slice %arg8[%dma_start3A_627] : memref<13312xi32, #tpu.memory_space<vmem>> -> memref<512xi32, #tpu.memory_space<vmem>>
    %dma_start3A_629 = arith.constant 0 : i32
    %dma_start3A_630 = tpu.memref_slice %arg4[%dma_start3A_623, %dma_start3A_624, %dma_start3A_629] : memref<26x1x100000xf32, #tpu.memory_space<hbm>> -> memref<1x1x100000xf32, #tpu.memory_space<hbm>>
    %dma_start3A_631 = tpu.memref_squeeze %dma_start3A_630 : memref<1x1x100000xf32, #tpu.memory_space<hbm>> -> memref<100000xf32, #tpu.memory_space<hbm>>
    %dma_start3A_632 = arith.constant 0 : i32
    %dma_start3A_633 = tpu.memref_slice %dma_start3A_631[%dma_start3A_632] : memref<100000xf32, #tpu.memory_space<hbm>> -> memref<100000xf32, #tpu.memory_space<hbm>>
    tpu.enqueue_indirect_dma source(%dma_start3A_633 : memref<100000xf32, #tpu.memory_space<hbm>>) target(%dma_start3A_626 : memref<512xf32, #tpu.memory_space<vmem>>) offsets(%dma_start3A_628 : memref<512xi32, #tpu.memory_space<vmem>>) semaphore(%arg19 : memref<!tpu.dma_semaphore, #tpu.memory_space<semaphore_mem>>)
    %dma_start3A_634 = arith.constant 15 : i32
    %dma_start3A_635 = arith.constant 0 : i32
    %dma_start3A_636 = arith.constant 7680 : i32
    %dma_start3A_637 = tpu.memref_slice %arg10[%dma_start3A_636] : memref<13312xf32, #tpu.memory_space<vmem>> -> memref<512xf32, #tpu.memory_space<vmem>>
    %dma_start3A_638 = arith.constant 7680 : i32
    %dma_start3A_639 = tpu.memref_slice %arg8[%dma_start3A_638] : memref<13312xi32, #tpu.memory_space<vmem>> -> memref<512xi32, #tpu.memory_space<vmem>>
    %dma_start3A_640 = arith.constant 0 : i32
    %dma_start3A_641 = tpu.memref_slice %arg4[%dma_start3A_634, %dma_start3A_635, %dma_start3A_640] : memref<26x1x100000xf32, #tpu.memory_space<hbm>> -> memref<1x1x100000xf32, #tpu.memory_space<hbm>>
    %dma_start3A_642 = tpu.memref_squeeze %dma_start3A_641 : memref<1x1x100000xf32, #tpu.memory_space<hbm>> -> memref<100000xf32, #tpu.memory_space<hbm>>
    %dma_start3A_643 = arith.constant 0 : i32
    %dma_start3A_644 = tpu.memref_slice %dma_start3A_642[%dma_start3A_643] : memref<100000xf32, #tpu.memory_space<hbm>> -> memref<100000xf32, #tpu.memory_space<hbm>>
    tpu.enqueue_indirect_dma source(%dma_start3A_644 : memref<100000xf32, #tpu.memory_space<hbm>>) target(%dma_start3A_637 : memref<512xf32, #tpu.memory_space<vmem>>) offsets(%dma_start3A_639 : memref<512xi32, #tpu.memory_space<vmem>>) semaphore(%arg19 : memref<!tpu.dma_semaphore, #tpu.memory_space<semaphore_mem>>)
    %dma_start3A_645 = arith.constant 16 : i32
    %dma_start3A_646 = arith.constant 0 : i32
    %dma_start3A_647 = arith.constant 8192 : i32
    %dma_start3A_648 = tpu.memref_slice %arg10[%dma_start3A_647] : memref<13312xf32, #tpu.memory_space<vmem>> -> memref<512xf32, #tpu.memory_space<vmem>>
    %dma_start3A_649 = arith.constant 8192 : i32
    %dma_start3A_650 = tpu.memref_slice %arg8[%dma_start3A_649] : memref<13312xi32, #tpu.memory_space<vmem>> -> memref<512xi32, #tpu.memory_space<vmem>>
    %dma_start3A_651 = arith.constant 0 : i32
    %dma_start3A_652 = tpu.memref_slice %arg4[%dma_start3A_645, %dma_start3A_646, %dma_start3A_651] : memref<26x1x100000xf32, #tpu.memory_space<hbm>> -> memref<1x1x100000xf32, #tpu.memory_space<hbm>>
    %dma_start3A_653 = tpu.memref_squeeze %dma_start3A_652 : memref<1x1x100000xf32, #tpu.memory_space<hbm>> -> memref<100000xf32, #tpu.memory_space<hbm>>
    %dma_start3A_654 = arith.constant 0 : i32
    %dma_start3A_655 = tpu.memref_slice %dma_start3A_653[%dma_start3A_654] : memref<100000xf32, #tpu.memory_space<hbm>> -> memref<100000xf32, #tpu.memory_space<hbm>>
    tpu.enqueue_indirect_dma source(%dma_start3A_655 : memref<100000xf32, #tpu.memory_space<hbm>>) target(%dma_start3A_648 : memref<512xf32, #tpu.memory_space<vmem>>) offsets(%dma_start3A_650 : memref<512xi32, #tpu.memory_space<vmem>>) semaphore(%arg19 : memref<!tpu.dma_semaphore, #tpu.memory_space<semaphore_mem>>)
    %dma_start3A_656 = arith.constant 17 : i32
    %dma_start3A_657 = arith.constant 0 : i32
    %dma_start3A_658 = arith.constant 8704 : i32
    %dma_start3A_659 = tpu.memref_slice %arg10[%dma_start3A_658] : memref<13312xf32, #tpu.memory_space<vmem>> -> memref<512xf32, #tpu.memory_space<vmem>>
    %dma_start3A_660 = arith.constant 8704 : i32
    %dma_start3A_661 = tpu.memref_slice %arg8[%dma_start3A_660] : memref<13312xi32, #tpu.memory_space<vmem>> -> memref<512xi32, #tpu.memory_space<vmem>>
    %dma_start3A_662 = arith.constant 0 : i32
    %dma_start3A_663 = tpu.memref_slice %arg4[%dma_start3A_656, %dma_start3A_657, %dma_start3A_662] : memref<26x1x100000xf32, #tpu.memory_space<hbm>> -> memref<1x1x100000xf32, #tpu.memory_space<hbm>>
    %dma_start3A_664 = tpu.memref_squeeze %dma_start3A_663 : memref<1x1x100000xf32, #tpu.memory_space<hbm>> -> memref<100000xf32, #tpu.memory_space<hbm>>
    %dma_start3A_665 = arith.constant 0 : i32
    %dma_start3A_666 = tpu.memref_slice %dma_start3A_664[%dma_start3A_665] : memref<100000xf32, #tpu.memory_space<hbm>> -> memref<100000xf32, #tpu.memory_space<hbm>>
    tpu.enqueue_indirect_dma source(%dma_start3A_666 : memref<100000xf32, #tpu.memory_space<hbm>>) target(%dma_start3A_659 : memref<512xf32, #tpu.memory_space<vmem>>) offsets(%dma_start3A_661 : memref<512xi32, #tpu.memory_space<vmem>>) semaphore(%arg19 : memref<!tpu.dma_semaphore, #tpu.memory_space<semaphore_mem>>)
    %dma_start3A_667 = arith.constant 18 : i32
    %dma_start3A_668 = arith.constant 0 : i32
    %dma_start3A_669 = arith.constant 9216 : i32
    %dma_start3A_670 = tpu.memref_slice %arg10[%dma_start3A_669] : memref<13312xf32, #tpu.memory_space<vmem>> -> memref<512xf32, #tpu.memory_space<vmem>>
    %dma_start3A_671 = arith.constant 9216 : i32
    %dma_start3A_672 = tpu.memref_slice %arg8[%dma_start3A_671] : memref<13312xi32, #tpu.memory_space<vmem>> -> memref<512xi32, #tpu.memory_space<vmem>>
    %dma_start3A_673 = arith.constant 0 : i32
    %dma_start3A_674 = tpu.memref_slice %arg4[%dma_start3A_667, %dma_start3A_668, %dma_start3A_673] : memref<26x1x100000xf32, #tpu.memory_space<hbm>> -> memref<1x1x100000xf32, #tpu.memory_space<hbm>>
    %dma_start3A_675 = tpu.memref_squeeze %dma_start3A_674 : memref<1x1x100000xf32, #tpu.memory_space<hbm>> -> memref<100000xf32, #tpu.memory_space<hbm>>
    %dma_start3A_676 = arith.constant 0 : i32
    %dma_start3A_677 = tpu.memref_slice %dma_start3A_675[%dma_start3A_676] : memref<100000xf32, #tpu.memory_space<hbm>> -> memref<100000xf32, #tpu.memory_space<hbm>>
    tpu.enqueue_indirect_dma source(%dma_start3A_677 : memref<100000xf32, #tpu.memory_space<hbm>>) target(%dma_start3A_670 : memref<512xf32, #tpu.memory_space<vmem>>) offsets(%dma_start3A_672 : memref<512xi32, #tpu.memory_space<vmem>>) semaphore(%arg19 : memref<!tpu.dma_semaphore, #tpu.memory_space<semaphore_mem>>)
    %dma_start3A_678 = arith.constant 19 : i32
    %dma_start3A_679 = arith.constant 0 : i32
    %dma_start3A_680 = arith.constant 9728 : i32
    %dma_start3A_681 = tpu.memref_slice %arg10[%dma_start3A_680] : memref<13312xf32, #tpu.memory_space<vmem>> -> memref<512xf32, #tpu.memory_space<vmem>>
    %dma_start3A_682 = arith.constant 9728 : i32
    %dma_start3A_683 = tpu.memref_slice %arg8[%dma_start3A_682] : memref<13312xi32, #tpu.memory_space<vmem>> -> memref<512xi32, #tpu.memory_space<vmem>>
    %dma_start3A_684 = arith.constant 0 : i32
    %dma_start3A_685 = tpu.memref_slice %arg4[%dma_start3A_678, %dma_start3A_679, %dma_start3A_684] : memref<26x1x100000xf32, #tpu.memory_space<hbm>> -> memref<1x1x100000xf32, #tpu.memory_space<hbm>>
    %dma_start3A_686 = tpu.memref_squeeze %dma_start3A_685 : memref<1x1x100000xf32, #tpu.memory_space<hbm>> -> memref<100000xf32, #tpu.memory_space<hbm>>
    %dma_start3A_687 = arith.constant 0 : i32
    %dma_start3A_688 = tpu.memref_slice %dma_start3A_686[%dma_start3A_687] : memref<100000xf32, #tpu.memory_space<hbm>> -> memref<100000xf32, #tpu.memory_space<hbm>>
    tpu.enqueue_indirect_dma source(%dma_start3A_688 : memref<100000xf32, #tpu.memory_space<hbm>>) target(%dma_start3A_681 : memref<512xf32, #tpu.memory_space<vmem>>) offsets(%dma_start3A_683 : memref<512xi32, #tpu.memory_space<vmem>>) semaphore(%arg19 : memref<!tpu.dma_semaphore, #tpu.memory_space<semaphore_mem>>)
    %dma_start3A_689 = arith.constant 20 : i32
    %dma_start3A_690 = arith.constant 0 : i32
    %dma_start3A_691 = arith.constant 10240 : i32
    %dma_start3A_692 = tpu.memref_slice %arg10[%dma_start3A_691] : memref<13312xf32, #tpu.memory_space<vmem>> -> memref<512xf32, #tpu.memory_space<vmem>>
    %dma_start3A_693 = arith.constant 10240 : i32
    %dma_start3A_694 = tpu.memref_slice %arg8[%dma_start3A_693] : memref<13312xi32, #tpu.memory_space<vmem>> -> memref<512xi32, #tpu.memory_space<vmem>>
    %dma_start3A_695 = arith.constant 0 : i32
    %dma_start3A_696 = tpu.memref_slice %arg4[%dma_start3A_689, %dma_start3A_690, %dma_start3A_695] : memref<26x1x100000xf32, #tpu.memory_space<hbm>> -> memref<1x1x100000xf32, #tpu.memory_space<hbm>>
    %dma_start3A_697 = tpu.memref_squeeze %dma_start3A_696 : memref<1x1x100000xf32, #tpu.memory_space<hbm>> -> memref<100000xf32, #tpu.memory_space<hbm>>
    %dma_start3A_698 = arith.constant 0 : i32
    %dma_start3A_699 = tpu.memref_slice %dma_start3A_697[%dma_start3A_698] : memref<100000xf32, #tpu.memory_space<hbm>> -> memref<100000xf32, #tpu.memory_space<hbm>>
    tpu.enqueue_indirect_dma source(%dma_start3A_699 : memref<100000xf32, #tpu.memory_space<hbm>>) target(%dma_start3A_692 : memref<512xf32, #tpu.memory_space<vmem>>) offsets(%dma_start3A_694 : memref<512xi32, #tpu.memory_space<vmem>>) semaphore(%arg19 : memref<!tpu.dma_semaphore, #tpu.memory_space<semaphore_mem>>)
    %dma_start3A_700 = arith.constant 21 : i32
    %dma_start3A_701 = arith.constant 0 : i32
    %dma_start3A_702 = arith.constant 10752 : i32
    %dma_start3A_703 = tpu.memref_slice %arg10[%dma_start3A_702] : memref<13312xf32, #tpu.memory_space<vmem>> -> memref<512xf32, #tpu.memory_space<vmem>>
    %dma_start3A_704 = arith.constant 10752 : i32
    %dma_start3A_705 = tpu.memref_slice %arg8[%dma_start3A_704] : memref<13312xi32, #tpu.memory_space<vmem>> -> memref<512xi32, #tpu.memory_space<vmem>>
    %dma_start3A_706 = arith.constant 0 : i32
    %dma_start3A_707 = tpu.memref_slice %arg4[%dma_start3A_700, %dma_start3A_701, %dma_start3A_706] : memref<26x1x100000xf32, #tpu.memory_space<hbm>> -> memref<1x1x100000xf32, #tpu.memory_space<hbm>>
    %dma_start3A_708 = tpu.memref_squeeze %dma_start3A_707 : memref<1x1x100000xf32, #tpu.memory_space<hbm>> -> memref<100000xf32, #tpu.memory_space<hbm>>
    %dma_start3A_709 = arith.constant 0 : i32
    %dma_start3A_710 = tpu.memref_slice %dma_start3A_708[%dma_start3A_709] : memref<100000xf32, #tpu.memory_space<hbm>> -> memref<100000xf32, #tpu.memory_space<hbm>>
    tpu.enqueue_indirect_dma source(%dma_start3A_710 : memref<100000xf32, #tpu.memory_space<hbm>>) target(%dma_start3A_703 : memref<512xf32, #tpu.memory_space<vmem>>) offsets(%dma_start3A_705 : memref<512xi32, #tpu.memory_space<vmem>>) semaphore(%arg19 : memref<!tpu.dma_semaphore, #tpu.memory_space<semaphore_mem>>)
    %dma_start3A_711 = arith.constant 22 : i32
    %dma_start3A_712 = arith.constant 0 : i32
    %dma_start3A_713 = arith.constant 11264 : i32
    %dma_start3A_714 = tpu.memref_slice %arg10[%dma_start3A_713] : memref<13312xf32, #tpu.memory_space<vmem>> -> memref<512xf32, #tpu.memory_space<vmem>>
    %dma_start3A_715 = arith.constant 11264 : i32
    %dma_start3A_716 = tpu.memref_slice %arg8[%dma_start3A_715] : memref<13312xi32, #tpu.memory_space<vmem>> -> memref<512xi32, #tpu.memory_space<vmem>>
    %dma_start3A_717 = arith.constant 0 : i32
    %dma_start3A_718 = tpu.memref_slice %arg4[%dma_start3A_711, %dma_start3A_712, %dma_start3A_717] : memref<26x1x100000xf32, #tpu.memory_space<hbm>> -> memref<1x1x100000xf32, #tpu.memory_space<hbm>>
    %dma_start3A_719 = tpu.memref_squeeze %dma_start3A_718 : memref<1x1x100000xf32, #tpu.memory_space<hbm>> -> memref<100000xf32, #tpu.memory_space<hbm>>
    %dma_start3A_720 = arith.constant 0 : i32
    %dma_start3A_721 = tpu.memref_slice %dma_start3A_719[%dma_start3A_720] : memref<100000xf32, #tpu.memory_space<hbm>> -> memref<100000xf32, #tpu.memory_space<hbm>>
    tpu.enqueue_indirect_dma source(%dma_start3A_721 : memref<100000xf32, #tpu.memory_space<hbm>>) target(%dma_start3A_714 : memref<512xf32, #tpu.memory_space<vmem>>) offsets(%dma_start3A_716 : memref<512xi32, #tpu.memory_space<vmem>>) semaphore(%arg19 : memref<!tpu.dma_semaphore, #tpu.memory_space<semaphore_mem>>)
    %dma_start3A_722 = arith.constant 23 : i32
    %dma_start3A_723 = arith.constant 0 : i32
    %dma_start3A_724 = arith.constant 11776 : i32
    %dma_start3A_725 = tpu.memref_slice %arg10[%dma_start3A_724] : memref<13312xf32, #tpu.memory_space<vmem>> -> memref<512xf32, #tpu.memory_space<vmem>>
    %dma_start3A_726 = arith.constant 11776 : i32
    %dma_start3A_727 = tpu.memref_slice %arg8[%dma_start3A_726] : memref<13312xi32, #tpu.memory_space<vmem>> -> memref<512xi32, #tpu.memory_space<vmem>>
    %dma_start3A_728 = arith.constant 0 : i32
    %dma_start3A_729 = tpu.memref_slice %arg4[%dma_start3A_722, %dma_start3A_723, %dma_start3A_728] : memref<26x1x100000xf32, #tpu.memory_space<hbm>> -> memref<1x1x100000xf32, #tpu.memory_space<hbm>>
    %dma_start3A_730 = tpu.memref_squeeze %dma_start3A_729 : memref<1x1x100000xf32, #tpu.memory_space<hbm>> -> memref<100000xf32, #tpu.memory_space<hbm>>
    %dma_start3A_731 = arith.constant 0 : i32
    %dma_start3A_732 = tpu.memref_slice %dma_start3A_730[%dma_start3A_731] : memref<100000xf32, #tpu.memory_space<hbm>> -> memref<100000xf32, #tpu.memory_space<hbm>>
    tpu.enqueue_indirect_dma source(%dma_start3A_732 : memref<100000xf32, #tpu.memory_space<hbm>>) target(%dma_start3A_725 : memref<512xf32, #tpu.memory_space<vmem>>) offsets(%dma_start3A_727 : memref<512xi32, #tpu.memory_space<vmem>>) semaphore(%arg19 : memref<!tpu.dma_semaphore, #tpu.memory_space<semaphore_mem>>)
    %dma_start3A_733 = arith.constant 24 : i32
    %dma_start3A_734 = arith.constant 0 : i32
    %dma_start3A_735 = arith.constant 12288 : i32
    %dma_start3A_736 = tpu.memref_slice %arg10[%dma_start3A_735] : memref<13312xf32, #tpu.memory_space<vmem>> -> memref<512xf32, #tpu.memory_space<vmem>>
    %dma_start3A_737 = arith.constant 12288 : i32
    %dma_start3A_738 = tpu.memref_slice %arg8[%dma_start3A_737] : memref<13312xi32, #tpu.memory_space<vmem>> -> memref<512xi32, #tpu.memory_space<vmem>>
    %dma_start3A_739 = arith.constant 0 : i32
    %dma_start3A_740 = tpu.memref_slice %arg4[%dma_start3A_733, %dma_start3A_734, %dma_start3A_739] : memref<26x1x100000xf32, #tpu.memory_space<hbm>> -> memref<1x1x100000xf32, #tpu.memory_space<hbm>>
    %dma_start3A_741 = tpu.memref_squeeze %dma_start3A_740 : memref<1x1x100000xf32, #tpu.memory_space<hbm>> -> memref<100000xf32, #tpu.memory_space<hbm>>
    %dma_start3A_742 = arith.constant 0 : i32
    %dma_start3A_743 = tpu.memref_slice %dma_start3A_741[%dma_start3A_742] : memref<100000xf32, #tpu.memory_space<hbm>> -> memref<100000xf32, #tpu.memory_space<hbm>>
    tpu.enqueue_indirect_dma source(%dma_start3A_743 : memref<100000xf32, #tpu.memory_space<hbm>>) target(%dma_start3A_736 : memref<512xf32, #tpu.memory_space<vmem>>) offsets(%dma_start3A_738 : memref<512xi32, #tpu.memory_space<vmem>>) semaphore(%arg19 : memref<!tpu.dma_semaphore, #tpu.memory_space<semaphore_mem>>)
    %dma_start3A_744 = arith.constant 25 : i32
    %dma_start3A_745 = arith.constant 0 : i32
    %dma_start3A_746 = arith.constant 12800 : i32
    %dma_start3A_747 = tpu.memref_slice %arg10[%dma_start3A_746] : memref<13312xf32, #tpu.memory_space<vmem>> -> memref<512xf32, #tpu.memory_space<vmem>>
    %dma_start3A_748 = arith.constant 12800 : i32
    %dma_start3A_749 = tpu.memref_slice %arg8[%dma_start3A_748] : memref<13312xi32, #tpu.memory_space<vmem>> -> memref<512xi32, #tpu.memory_space<vmem>>
    %dma_start3A_750 = arith.constant 0 : i32
    %dma_start3A_751 = tpu.memref_slice %arg4[%dma_start3A_744, %dma_start3A_745, %dma_start3A_750] : memref<26x1x100000xf32, #tpu.memory_space<hbm>> -> memref<1x1x100000xf32, #tpu.memory_space<hbm>>
    %dma_start3A_752 = tpu.memref_squeeze %dma_start3A_751 : memref<1x1x100000xf32, #tpu.memory_space<hbm>> -> memref<100000xf32, #tpu.memory_space<hbm>>
    %dma_start3A_753 = arith.constant 0 : i32
    %dma_start3A_754 = tpu.memref_slice %dma_start3A_752[%dma_start3A_753] : memref<100000xf32, #tpu.memory_space<hbm>> -> memref<100000xf32, #tpu.memory_space<hbm>>
    tpu.enqueue_indirect_dma source(%dma_start3A_754 : memref<100000xf32, #tpu.memory_space<hbm>>) target(%dma_start3A_747 : memref<512xf32, #tpu.memory_space<vmem>>) offsets(%dma_start3A_749 : memref<512xi32, #tpu.memory_space<vmem>>) semaphore(%arg19 : memref<!tpu.dma_semaphore, #tpu.memory_space<semaphore_mem>>)
    %dma_wait3A_755 = arith.constant 0 : i32
    %dma_wait3A_756 = tpu.memref_slice %arg9[%dma_wait3A_755] : memref<6656xf32, #tpu.memory_space<vmem>> -> memref<512xf32, #tpu.memory_space<vmem>>
    %dma_wait3A_757 = tpu.memref_slice %arg3[%add3A_211] : memref<212992xf32, #tpu.memory_space<hbm>> -> memref<512xf32, #tpu.memory_space<hbm>>
    %dma_wait3A_758 = arith.constant 0 : i32
    %dma_wait3A_759 = tpu.memref_slice %arg9[%dma_wait3A_758] : memref<6656xf32, #tpu.memory_space<vmem>> -> memref<512xf32, #tpu.memory_space<vmem>>
    %dma_wait3A_760 = tpu.memref_slice %arg3[%add3A_211] : memref<212992xf32, #tpu.memory_space<hbm>> -> memref<512xf32, #tpu.memory_space<hbm>>
    tpu.wait_dma2 semaphore(%arg17 : memref<!tpu.dma_semaphore, #tpu.memory_space<semaphore_mem>>) src(%dma_wait3A_760 : memref<512xf32, #tpu.memory_space<hbm>>) dst(%dma_wait3A_759 : memref<512xf32, #tpu.memory_space<vmem>>)
    %dma_wait3A_761 = arith.constant 512 : i32
    %dma_wait3A_762 = tpu.memref_slice %arg9[%dma_wait3A_761] : memref<6656xf32, #tpu.memory_space<vmem>> -> memref<512xf32, #tpu.memory_space<vmem>>
    %dma_wait3A_763 = tpu.memref_slice %arg3[%add3A_219] : memref<212992xf32, #tpu.memory_space<hbm>> -> memref<512xf32, #tpu.memory_space<hbm>>
    %dma_wait3A_764 = arith.constant 512 : i32
    %dma_wait3A_765 = tpu.memref_slice %arg9[%dma_wait3A_764] : memref<6656xf32, #tpu.memory_space<vmem>> -> memref<512xf32, #tpu.memory_space<vmem>>
    %dma_wait3A_766 = tpu.memref_slice %arg3[%add3A_219] : memref<212992xf32, #tpu.memory_space<hbm>> -> memref<512xf32, #tpu.memory_space<hbm>>
    tpu.wait_dma2 semaphore(%arg17 : memref<!tpu.dma_semaphore, #tpu.memory_space<semaphore_mem>>) src(%dma_wait3A_766 : memref<512xf32, #tpu.memory_space<hbm>>) dst(%dma_wait3A_765 : memref<512xf32, #tpu.memory_space<vmem>>)
    %dma_wait3A_767 = arith.constant 1024 : i32
    %dma_wait3A_768 = tpu.memref_slice %arg9[%dma_wait3A_767] : memref<6656xf32, #tpu.memory_space<vmem>> -> memref<512xf32, #tpu.memory_space<vmem>>
    %dma_wait3A_769 = tpu.memref_slice %arg3[%add3A_227] : memref<212992xf32, #tpu.memory_space<hbm>> -> memref<512xf32, #tpu.memory_space<hbm>>
    %dma_wait3A_770 = arith.constant 1024 : i32
    %dma_wait3A_771 = tpu.memref_slice %arg9[%dma_wait3A_770] : memref<6656xf32, #tpu.memory_space<vmem>> -> memref<512xf32, #tpu.memory_space<vmem>>
    %dma_wait3A_772 = tpu.memref_slice %arg3[%add3A_227] : memref<212992xf32, #tpu.memory_space<hbm>> -> memref<512xf32, #tpu.memory_space<hbm>>
    tpu.wait_dma2 semaphore(%arg17 : memref<!tpu.dma_semaphore, #tpu.memory_space<semaphore_mem>>) src(%dma_wait3A_772 : memref<512xf32, #tpu.memory_space<hbm>>) dst(%dma_wait3A_771 : memref<512xf32, #tpu.memory_space<vmem>>)
    %dma_wait3A_773 = arith.constant 1536 : i32
    %dma_wait3A_774 = tpu.memref_slice %arg9[%dma_wait3A_773] : memref<6656xf32, #tpu.memory_space<vmem>> -> memref<512xf32, #tpu.memory_space<vmem>>
    %dma_wait3A_775 = tpu.memref_slice %arg3[%add3A_235] : memref<212992xf32, #tpu.memory_space<hbm>> -> memref<512xf32, #tpu.memory_space<hbm>>
    %dma_wait3A_776 = arith.constant 1536 : i32
    %dma_wait3A_777 = tpu.memref_slice %arg9[%dma_wait3A_776] : memref<6656xf32, #tpu.memory_space<vmem>> -> memref<512xf32, #tpu.memory_space<vmem>>
    %dma_wait3A_778 = tpu.memref_slice %arg3[%add3A_235] : memref<212992xf32, #tpu.memory_space<hbm>> -> memref<512xf32, #tpu.memory_space<hbm>>
    tpu.wait_dma2 semaphore(%arg17 : memref<!tpu.dma_semaphore, #tpu.memory_space<semaphore_mem>>) src(%dma_wait3A_778 : memref<512xf32, #tpu.memory_space<hbm>>) dst(%dma_wait3A_777 : memref<512xf32, #tpu.memory_space<vmem>>)
    %dma_wait3A_779 = arith.constant 2048 : i32
    %dma_wait3A_780 = tpu.memref_slice %arg9[%dma_wait3A_779] : memref<6656xf32, #tpu.memory_space<vmem>> -> memref<512xf32, #tpu.memory_space<vmem>>
    %dma_wait3A_781 = tpu.memref_slice %arg3[%add3A_243] : memref<212992xf32, #tpu.memory_space<hbm>> -> memref<512xf32, #tpu.memory_space<hbm>>
    %dma_wait3A_782 = arith.constant 2048 : i32
    %dma_wait3A_783 = tpu.memref_slice %arg9[%dma_wait3A_782] : memref<6656xf32, #tpu.memory_space<vmem>> -> memref<512xf32, #tpu.memory_space<vmem>>
    %dma_wait3A_784 = tpu.memref_slice %arg3[%add3A_243] : memref<212992xf32, #tpu.memory_space<hbm>> -> memref<512xf32, #tpu.memory_space<hbm>>
    tpu.wait_dma2 semaphore(%arg17 : memref<!tpu.dma_semaphore, #tpu.memory_space<semaphore_mem>>) src(%dma_wait3A_784 : memref<512xf32, #tpu.memory_space<hbm>>) dst(%dma_wait3A_783 : memref<512xf32, #tpu.memory_space<vmem>>)
    %dma_wait3A_785 = arith.constant 2560 : i32
    %dma_wait3A_786 = tpu.memref_slice %arg9[%dma_wait3A_785] : memref<6656xf32, #tpu.memory_space<vmem>> -> memref<512xf32, #tpu.memory_space<vmem>>
    %dma_wait3A_787 = tpu.memref_slice %arg3[%add3A_251] : memref<212992xf32, #tpu.memory_space<hbm>> -> memref<512xf32, #tpu.memory_space<hbm>>
    %dma_wait3A_788 = arith.constant 2560 : i32
    %dma_wait3A_789 = tpu.memref_slice %arg9[%dma_wait3A_788] : memref<6656xf32, #tpu.memory_space<vmem>> -> memref<512xf32, #tpu.memory_space<vmem>>
    %dma_wait3A_790 = tpu.memref_slice %arg3[%add3A_251] : memref<212992xf32, #tpu.memory_space<hbm>> -> memref<512xf32, #tpu.memory_space<hbm>>
    tpu.wait_dma2 semaphore(%arg17 : memref<!tpu.dma_semaphore, #tpu.memory_space<semaphore_mem>>) src(%dma_wait3A_790 : memref<512xf32, #tpu.memory_space<hbm>>) dst(%dma_wait3A_789 : memref<512xf32, #tpu.memory_space<vmem>>)
    %dma_wait3A_791 = arith.constant 3072 : i32
    %dma_wait3A_792 = tpu.memref_slice %arg9[%dma_wait3A_791] : memref<6656xf32, #tpu.memory_space<vmem>> -> memref<512xf32, #tpu.memory_space<vmem>>
    %dma_wait3A_793 = tpu.memref_slice %arg3[%add3A_259] : memref<212992xf32, #tpu.memory_space<hbm>> -> memref<512xf32, #tpu.memory_space<hbm>>
    %dma_wait3A_794 = arith.constant 3072 : i32
    %dma_wait3A_795 = tpu.memref_slice %arg9[%dma_wait3A_794] : memref<6656xf32, #tpu.memory_space<vmem>> -> memref<512xf32, #tpu.memory_space<vmem>>
    %dma_wait3A_796 = tpu.memref_slice %arg3[%add3A_259] : memref<212992xf32, #tpu.memory_space<hbm>> -> memref<512xf32, #tpu.memory_space<hbm>>
    tpu.wait_dma2 semaphore(%arg17 : memref<!tpu.dma_semaphore, #tpu.memory_space<semaphore_mem>>) src(%dma_wait3A_796 : memref<512xf32, #tpu.memory_space<hbm>>) dst(%dma_wait3A_795 : memref<512xf32, #tpu.memory_space<vmem>>)
    %dma_wait3A_797 = arith.constant 3584 : i32
    %dma_wait3A_798 = tpu.memref_slice %arg9[%dma_wait3A_797] : memref<6656xf32, #tpu.memory_space<vmem>> -> memref<512xf32, #tpu.memory_space<vmem>>
    %dma_wait3A_799 = tpu.memref_slice %arg3[%add3A_267] : memref<212992xf32, #tpu.memory_space<hbm>> -> memref<512xf32, #tpu.memory_space<hbm>>
    %dma_wait3A_800 = arith.constant 3584 : i32
    %dma_wait3A_801 = tpu.memref_slice %arg9[%dma_wait3A_800] : memref<6656xf32, #tpu.memory_space<vmem>> -> memref<512xf32, #tpu.memory_space<vmem>>
    %dma_wait3A_802 = tpu.memref_slice %arg3[%add3A_267] : memref<212992xf32, #tpu.memory_space<hbm>> -> memref<512xf32, #tpu.memory_space<hbm>>
    tpu.wait_dma2 semaphore(%arg17 : memref<!tpu.dma_semaphore, #tpu.memory_space<semaphore_mem>>) src(%dma_wait3A_802 : memref<512xf32, #tpu.memory_space<hbm>>) dst(%dma_wait3A_801 : memref<512xf32, #tpu.memory_space<vmem>>)
    %dma_wait3A_803 = arith.constant 4096 : i32
    %dma_wait3A_804 = tpu.memref_slice %arg9[%dma_wait3A_803] : memref<6656xf32, #tpu.memory_space<vmem>> -> memref<512xf32, #tpu.memory_space<vmem>>
    %dma_wait3A_805 = tpu.memref_slice %arg3[%add3A_275] : memref<212992xf32, #tpu.memory_space<hbm>> -> memref<512xf32, #tpu.memory_space<hbm>>
    %dma_wait3A_806 = arith.constant 4096 : i32
    %dma_wait3A_807 = tpu.memref_slice %arg9[%dma_wait3A_806] : memref<6656xf32, #tpu.memory_space<vmem>> -> memref<512xf32, #tpu.memory_space<vmem>>
    %dma_wait3A_808 = tpu.memref_slice %arg3[%add3A_275] : memref<212992xf32, #tpu.memory_space<hbm>> -> memref<512xf32, #tpu.memory_space<hbm>>
    tpu.wait_dma2 semaphore(%arg17 : memref<!tpu.dma_semaphore, #tpu.memory_space<semaphore_mem>>) src(%dma_wait3A_808 : memref<512xf32, #tpu.memory_space<hbm>>) dst(%dma_wait3A_807 : memref<512xf32, #tpu.memory_space<vmem>>)
    %dma_wait3A_809 = arith.constant 4608 : i32
    %dma_wait3A_810 = tpu.memref_slice %arg9[%dma_wait3A_809] : memref<6656xf32, #tpu.memory_space<vmem>> -> memref<512xf32, #tpu.memory_space<vmem>>
    %dma_wait3A_811 = tpu.memref_slice %arg3[%add3A_283] : memref<212992xf32, #tpu.memory_space<hbm>> -> memref<512xf32, #tpu.memory_space<hbm>>
    %dma_wait3A_812 = arith.constant 4608 : i32
    %dma_wait3A_813 = tpu.memref_slice %arg9[%dma_wait3A_812] : memref<6656xf32, #tpu.memory_space<vmem>> -> memref<512xf32, #tpu.memory_space<vmem>>
    %dma_wait3A_814 = tpu.memref_slice %arg3[%add3A_283] : memref<212992xf32, #tpu.memory_space<hbm>> -> memref<512xf32, #tpu.memory_space<hbm>>
    tpu.wait_dma2 semaphore(%arg17 : memref<!tpu.dma_semaphore, #tpu.memory_space<semaphore_mem>>) src(%dma_wait3A_814 : memref<512xf32, #tpu.memory_space<hbm>>) dst(%dma_wait3A_813 : memref<512xf32, #tpu.memory_space<vmem>>)
    %dma_wait3A_815 = arith.constant 5120 : i32
    %dma_wait3A_816 = tpu.memref_slice %arg9[%dma_wait3A_815] : memref<6656xf32, #tpu.memory_space<vmem>> -> memref<512xf32, #tpu.memory_space<vmem>>
    %dma_wait3A_817 = tpu.memref_slice %arg3[%add3A_291] : memref<212992xf32, #tpu.memory_space<hbm>> -> memref<512xf32, #tpu.memory_space<hbm>>
    %dma_wait3A_818 = arith.constant 5120 : i32
    %dma_wait3A_819 = tpu.memref_slice %arg9[%dma_wait3A_818] : memref<6656xf32, #tpu.memory_space<vmem>> -> memref<512xf32, #tpu.memory_space<vmem>>
    %dma_wait3A_820 = tpu.memref_slice %arg3[%add3A_291] : memref<212992xf32, #tpu.memory_space<hbm>> -> memref<512xf32, #tpu.memory_space<hbm>>
    tpu.wait_dma2 semaphore(%arg17 : memref<!tpu.dma_semaphore, #tpu.memory_space<semaphore_mem>>) src(%dma_wait3A_820 : memref<512xf32, #tpu.memory_space<hbm>>) dst(%dma_wait3A_819 : memref<512xf32, #tpu.memory_space<vmem>>)
    %dma_wait3A_821 = arith.constant 5632 : i32
    %dma_wait3A_822 = tpu.memref_slice %arg9[%dma_wait3A_821] : memref<6656xf32, #tpu.memory_space<vmem>> -> memref<512xf32, #tpu.memory_space<vmem>>
    %dma_wait3A_823 = tpu.memref_slice %arg3[%add3A_299] : memref<212992xf32, #tpu.memory_space<hbm>> -> memref<512xf32, #tpu.memory_space<hbm>>
    %dma_wait3A_824 = arith.constant 5632 : i32
    %dma_wait3A_825 = tpu.memref_slice %arg9[%dma_wait3A_824] : memref<6656xf32, #tpu.memory_space<vmem>> -> memref<512xf32, #tpu.memory_space<vmem>>
    %dma_wait3A_826 = tpu.memref_slice %arg3[%add3A_299] : memref<212992xf32, #tpu.memory_space<hbm>> -> memref<512xf32, #tpu.memory_space<hbm>>
    tpu.wait_dma2 semaphore(%arg17 : memref<!tpu.dma_semaphore, #tpu.memory_space<semaphore_mem>>) src(%dma_wait3A_826 : memref<512xf32, #tpu.memory_space<hbm>>) dst(%dma_wait3A_825 : memref<512xf32, #tpu.memory_space<vmem>>)
    %dma_wait3A_827 = arith.constant 6144 : i32
    %dma_wait3A_828 = tpu.memref_slice %arg9[%dma_wait3A_827] : memref<6656xf32, #tpu.memory_space<vmem>> -> memref<512xf32, #tpu.memory_space<vmem>>
    %dma_wait3A_829 = tpu.memref_slice %arg3[%add3A_307] : memref<212992xf32, #tpu.memory_space<hbm>> -> memref<512xf32, #tpu.memory_space<hbm>>
    %dma_wait3A_830 = arith.constant 6144 : i32
    %dma_wait3A_831 = tpu.memref_slice %arg9[%dma_wait3A_830] : memref<6656xf32, #tpu.memory_space<vmem>> -> memref<512xf32, #tpu.memory_space<vmem>>
    %dma_wait3A_832 = tpu.memref_slice %arg3[%add3A_307] : memref<212992xf32, #tpu.memory_space<hbm>> -> memref<512xf32, #tpu.memory_space<hbm>>
    tpu.wait_dma2 semaphore(%arg17 : memref<!tpu.dma_semaphore, #tpu.memory_space<semaphore_mem>>) src(%dma_wait3A_832 : memref<512xf32, #tpu.memory_space<hbm>>) dst(%dma_wait3A_831 : memref<512xf32, #tpu.memory_space<vmem>>)
    %dma_wait3A_833 = arith.constant 0 : i32
    %dma_wait3A_834 = arith.constant 0 : i32
    %dma_wait3A_835 = arith.constant 0 : i32
    %dma_wait3A_836 = tpu.memref_slice %arg10[%dma_wait3A_835] : memref<13312xf32, #tpu.memory_space<vmem>> -> memref<512xf32, #tpu.memory_space<vmem>>
    %dma_wait3A_837 = arith.constant 0 : i32
    %dma_wait3A_838 = tpu.memref_slice %arg8[%dma_wait3A_837] : memref<13312xi32, #tpu.memory_space<vmem>> -> memref<512xi32, #tpu.memory_space<vmem>>
    %dma_wait3A_839 = arith.constant 0 : i32
    %dma_wait3A_840 = tpu.memref_slice %arg4[%dma_wait3A_833, %dma_wait3A_834, %dma_wait3A_839] : memref<26x1x100000xf32, #tpu.memory_space<hbm>> -> memref<1x1x100000xf32, #tpu.memory_space<hbm>>
    %dma_wait3A_841 = tpu.memref_squeeze %dma_wait3A_840 : memref<1x1x100000xf32, #tpu.memory_space<hbm>> -> memref<100000xf32, #tpu.memory_space<hbm>>
    %dma_wait3A_842 = arith.constant 0 : i32
    %dma_wait3A_843 = tpu.memref_slice %dma_wait3A_841[%dma_wait3A_842] : memref<100000xf32, #tpu.memory_space<hbm>> -> memref<100000xf32, #tpu.memory_space<hbm>>
    tpu.wait_indirect_dma semaphore(%arg18 : memref<!tpu.dma_semaphore, #tpu.memory_space<semaphore_mem>>) src(%dma_wait3A_843 : memref<100000xf32, #tpu.memory_space<hbm>>) dst(%dma_wait3A_836 : memref<512xf32, #tpu.memory_space<vmem>>)
    %dma_wait3A_844 = arith.constant 1 : i32
    %dma_wait3A_845 = arith.constant 0 : i32
    %dma_wait3A_846 = arith.constant 512 : i32
    %dma_wait3A_847 = tpu.memref_slice %arg10[%dma_wait3A_846] : memref<13312xf32, #tpu.memory_space<vmem>> -> memref<512xf32, #tpu.memory_space<vmem>>
    %dma_wait3A_848 = arith.constant 512 : i32
    %dma_wait3A_849 = tpu.memref_slice %arg8[%dma_wait3A_848] : memref<13312xi32, #tpu.memory_space<vmem>> -> memref<512xi32, #tpu.memory_space<vmem>>
    %dma_wait3A_850 = arith.constant 0 : i32
    %dma_wait3A_851 = tpu.memref_slice %arg4[%dma_wait3A_844, %dma_wait3A_845, %dma_wait3A_850] : memref<26x1x100000xf32, #tpu.memory_space<hbm>> -> memref<1x1x100000xf32, #tpu.memory_space<hbm>>
    %dma_wait3A_852 = tpu.memref_squeeze %dma_wait3A_851 : memref<1x1x100000xf32, #tpu.memory_space<hbm>> -> memref<100000xf32, #tpu.memory_space<hbm>>
    %dma_wait3A_853 = arith.constant 0 : i32
    %dma_wait3A_854 = tpu.memref_slice %dma_wait3A_852[%dma_wait3A_853] : memref<100000xf32, #tpu.memory_space<hbm>> -> memref<100000xf32, #tpu.memory_space<hbm>>
    tpu.wait_indirect_dma semaphore(%arg18 : memref<!tpu.dma_semaphore, #tpu.memory_space<semaphore_mem>>) src(%dma_wait3A_854 : memref<100000xf32, #tpu.memory_space<hbm>>) dst(%dma_wait3A_847 : memref<512xf32, #tpu.memory_space<vmem>>)
    %dma_wait3A_855 = arith.constant 2 : i32
    %dma_wait3A_856 = arith.constant 0 : i32
    %dma_wait3A_857 = arith.constant 1024 : i32
    %dma_wait3A_858 = tpu.memref_slice %arg10[%dma_wait3A_857] : memref<13312xf32, #tpu.memory_space<vmem>> -> memref<512xf32, #tpu.memory_space<vmem>>
    %dma_wait3A_859 = arith.constant 1024 : i32
    %dma_wait3A_860 = tpu.memref_slice %arg8[%dma_wait3A_859] : memref<13312xi32, #tpu.memory_space<vmem>> -> memref<512xi32, #tpu.memory_space<vmem>>
    %dma_wait3A_861 = arith.constant 0 : i32
    %dma_wait3A_862 = tpu.memref_slice %arg4[%dma_wait3A_855, %dma_wait3A_856, %dma_wait3A_861] : memref<26x1x100000xf32, #tpu.memory_space<hbm>> -> memref<1x1x100000xf32, #tpu.memory_space<hbm>>
    %dma_wait3A_863 = tpu.memref_squeeze %dma_wait3A_862 : memref<1x1x100000xf32, #tpu.memory_space<hbm>> -> memref<100000xf32, #tpu.memory_space<hbm>>
    %dma_wait3A_864 = arith.constant 0 : i32
    %dma_wait3A_865 = tpu.memref_slice %dma_wait3A_863[%dma_wait3A_864] : memref<100000xf32, #tpu.memory_space<hbm>> -> memref<100000xf32, #tpu.memory_space<hbm>>
    tpu.wait_indirect_dma semaphore(%arg18 : memref<!tpu.dma_semaphore, #tpu.memory_space<semaphore_mem>>) src(%dma_wait3A_865 : memref<100000xf32, #tpu.memory_space<hbm>>) dst(%dma_wait3A_858 : memref<512xf32, #tpu.memory_space<vmem>>)
    %dma_wait3A_866 = arith.constant 3 : i32
    %dma_wait3A_867 = arith.constant 0 : i32
    %dma_wait3A_868 = arith.constant 1536 : i32
    %dma_wait3A_869 = tpu.memref_slice %arg10[%dma_wait3A_868] : memref<13312xf32, #tpu.memory_space<vmem>> -> memref<512xf32, #tpu.memory_space<vmem>>
    %dma_wait3A_870 = arith.constant 1536 : i32
    %dma_wait3A_871 = tpu.memref_slice %arg8[%dma_wait3A_870] : memref<13312xi32, #tpu.memory_space<vmem>> -> memref<512xi32, #tpu.memory_space<vmem>>
    %dma_wait3A_872 = arith.constant 0 : i32
    %dma_wait3A_873 = tpu.memref_slice %arg4[%dma_wait3A_866, %dma_wait3A_867, %dma_wait3A_872] : memref<26x1x100000xf32, #tpu.memory_space<hbm>> -> memref<1x1x100000xf32, #tpu.memory_space<hbm>>
    %dma_wait3A_874 = tpu.memref_squeeze %dma_wait3A_873 : memref<1x1x100000xf32, #tpu.memory_space<hbm>> -> memref<100000xf32, #tpu.memory_space<hbm>>
    %dma_wait3A_875 = arith.constant 0 : i32
    %dma_wait3A_876 = tpu.memref_slice %dma_wait3A_874[%dma_wait3A_875] : memref<100000xf32, #tpu.memory_space<hbm>> -> memref<100000xf32, #tpu.memory_space<hbm>>
    tpu.wait_indirect_dma semaphore(%arg18 : memref<!tpu.dma_semaphore, #tpu.memory_space<semaphore_mem>>) src(%dma_wait3A_876 : memref<100000xf32, #tpu.memory_space<hbm>>) dst(%dma_wait3A_869 : memref<512xf32, #tpu.memory_space<vmem>>)
    %dma_wait3A_877 = arith.constant 4 : i32
    %dma_wait3A_878 = arith.constant 0 : i32
    %dma_wait3A_879 = arith.constant 2048 : i32
    %dma_wait3A_880 = tpu.memref_slice %arg10[%dma_wait3A_879] : memref<13312xf32, #tpu.memory_space<vmem>> -> memref<512xf32, #tpu.memory_space<vmem>>
    %dma_wait3A_881 = arith.constant 2048 : i32
    %dma_wait3A_882 = tpu.memref_slice %arg8[%dma_wait3A_881] : memref<13312xi32, #tpu.memory_space<vmem>> -> memref<512xi32, #tpu.memory_space<vmem>>
    %dma_wait3A_883 = arith.constant 0 : i32
    %dma_wait3A_884 = tpu.memref_slice %arg4[%dma_wait3A_877, %dma_wait3A_878, %dma_wait3A_883] : memref<26x1x100000xf32, #tpu.memory_space<hbm>> -> memref<1x1x100000xf32, #tpu.memory_space<hbm>>
    %dma_wait3A_885 = tpu.memref_squeeze %dma_wait3A_884 : memref<1x1x100000xf32, #tpu.memory_space<hbm>> -> memref<100000xf32, #tpu.memory_space<hbm>>
    %dma_wait3A_886 = arith.constant 0 : i32
    %dma_wait3A_887 = tpu.memref_slice %dma_wait3A_885[%dma_wait3A_886] : memref<100000xf32, #tpu.memory_space<hbm>> -> memref<100000xf32, #tpu.memory_space<hbm>>
    tpu.wait_indirect_dma semaphore(%arg18 : memref<!tpu.dma_semaphore, #tpu.memory_space<semaphore_mem>>) src(%dma_wait3A_887 : memref<100000xf32, #tpu.memory_space<hbm>>) dst(%dma_wait3A_880 : memref<512xf32, #tpu.memory_space<vmem>>)
    %dma_wait3A_888 = arith.constant 5 : i32
    %dma_wait3A_889 = arith.constant 0 : i32
    %dma_wait3A_890 = arith.constant 2560 : i32
    %dma_wait3A_891 = tpu.memref_slice %arg10[%dma_wait3A_890] : memref<13312xf32, #tpu.memory_space<vmem>> -> memref<512xf32, #tpu.memory_space<vmem>>
    %dma_wait3A_892 = arith.constant 2560 : i32
    %dma_wait3A_893 = tpu.memref_slice %arg8[%dma_wait3A_892] : memref<13312xi32, #tpu.memory_space<vmem>> -> memref<512xi32, #tpu.memory_space<vmem>>
    %dma_wait3A_894 = arith.constant 0 : i32
    %dma_wait3A_895 = tpu.memref_slice %arg4[%dma_wait3A_888, %dma_wait3A_889, %dma_wait3A_894] : memref<26x1x100000xf32, #tpu.memory_space<hbm>> -> memref<1x1x100000xf32, #tpu.memory_space<hbm>>
    %dma_wait3A_896 = tpu.memref_squeeze %dma_wait3A_895 : memref<1x1x100000xf32, #tpu.memory_space<hbm>> -> memref<100000xf32, #tpu.memory_space<hbm>>
    %dma_wait3A_897 = arith.constant 0 : i32
    %dma_wait3A_898 = tpu.memref_slice %dma_wait3A_896[%dma_wait3A_897] : memref<100000xf32, #tpu.memory_space<hbm>> -> memref<100000xf32, #tpu.memory_space<hbm>>
    tpu.wait_indirect_dma semaphore(%arg18 : memref<!tpu.dma_semaphore, #tpu.memory_space<semaphore_mem>>) src(%dma_wait3A_898 : memref<100000xf32, #tpu.memory_space<hbm>>) dst(%dma_wait3A_891 : memref<512xf32, #tpu.memory_space<vmem>>)
    %dma_wait3A_899 = arith.constant 6 : i32
    %dma_wait3A_900 = arith.constant 0 : i32
    %dma_wait3A_901 = arith.constant 3072 : i32
    %dma_wait3A_902 = tpu.memref_slice %arg10[%dma_wait3A_901] : memref<13312xf32, #tpu.memory_space<vmem>> -> memref<512xf32, #tpu.memory_space<vmem>>
    %dma_wait3A_903 = arith.constant 3072 : i32
    %dma_wait3A_904 = tpu.memref_slice %arg8[%dma_wait3A_903] : memref<13312xi32, #tpu.memory_space<vmem>> -> memref<512xi32, #tpu.memory_space<vmem>>
    %dma_wait3A_905 = arith.constant 0 : i32
    %dma_wait3A_906 = tpu.memref_slice %arg4[%dma_wait3A_899, %dma_wait3A_900, %dma_wait3A_905] : memref<26x1x100000xf32, #tpu.memory_space<hbm>> -> memref<1x1x100000xf32, #tpu.memory_space<hbm>>
    %dma_wait3A_907 = tpu.memref_squeeze %dma_wait3A_906 : memref<1x1x100000xf32, #tpu.memory_space<hbm>> -> memref<100000xf32, #tpu.memory_space<hbm>>
    %dma_wait3A_908 = arith.constant 0 : i32
    %dma_wait3A_909 = tpu.memref_slice %dma_wait3A_907[%dma_wait3A_908] : memref<100000xf32, #tpu.memory_space<hbm>> -> memref<100000xf32, #tpu.memory_space<hbm>>
    tpu.wait_indirect_dma semaphore(%arg18 : memref<!tpu.dma_semaphore, #tpu.memory_space<semaphore_mem>>) src(%dma_wait3A_909 : memref<100000xf32, #tpu.memory_space<hbm>>) dst(%dma_wait3A_902 : memref<512xf32, #tpu.memory_space<vmem>>)
    %dma_wait3A_910 = arith.constant 7 : i32
    %dma_wait3A_911 = arith.constant 0 : i32
    %dma_wait3A_912 = arith.constant 3584 : i32
    %dma_wait3A_913 = tpu.memref_slice %arg10[%dma_wait3A_912] : memref<13312xf32, #tpu.memory_space<vmem>> -> memref<512xf32, #tpu.memory_space<vmem>>
    %dma_wait3A_914 = arith.constant 3584 : i32
    %dma_wait3A_915 = tpu.memref_slice %arg8[%dma_wait3A_914] : memref<13312xi32, #tpu.memory_space<vmem>> -> memref<512xi32, #tpu.memory_space<vmem>>
    %dma_wait3A_916 = arith.constant 0 : i32
    %dma_wait3A_917 = tpu.memref_slice %arg4[%dma_wait3A_910, %dma_wait3A_911, %dma_wait3A_916] : memref<26x1x100000xf32, #tpu.memory_space<hbm>> -> memref<1x1x100000xf32, #tpu.memory_space<hbm>>
    %dma_wait3A_918 = tpu.memref_squeeze %dma_wait3A_917 : memref<1x1x100000xf32, #tpu.memory_space<hbm>> -> memref<100000xf32, #tpu.memory_space<hbm>>
    %dma_wait3A_919 = arith.constant 0 : i32
    %dma_wait3A_920 = tpu.memref_slice %dma_wait3A_918[%dma_wait3A_919] : memref<100000xf32, #tpu.memory_space<hbm>> -> memref<100000xf32, #tpu.memory_space<hbm>>
    tpu.wait_indirect_dma semaphore(%arg18 : memref<!tpu.dma_semaphore, #tpu.memory_space<semaphore_mem>>) src(%dma_wait3A_920 : memref<100000xf32, #tpu.memory_space<hbm>>) dst(%dma_wait3A_913 : memref<512xf32, #tpu.memory_space<vmem>>)
    %dma_wait3A_921 = arith.constant 8 : i32
    %dma_wait3A_922 = arith.constant 0 : i32
    %dma_wait3A_923 = arith.constant 4096 : i32
    %dma_wait3A_924 = tpu.memref_slice %arg10[%dma_wait3A_923] : memref<13312xf32, #tpu.memory_space<vmem>> -> memref<512xf32, #tpu.memory_space<vmem>>
    %dma_wait3A_925 = arith.constant 4096 : i32
    %dma_wait3A_926 = tpu.memref_slice %arg8[%dma_wait3A_925] : memref<13312xi32, #tpu.memory_space<vmem>> -> memref<512xi32, #tpu.memory_space<vmem>>
    %dma_wait3A_927 = arith.constant 0 : i32
    %dma_wait3A_928 = tpu.memref_slice %arg4[%dma_wait3A_921, %dma_wait3A_922, %dma_wait3A_927] : memref<26x1x100000xf32, #tpu.memory_space<hbm>> -> memref<1x1x100000xf32, #tpu.memory_space<hbm>>
    %dma_wait3A_929 = tpu.memref_squeeze %dma_wait3A_928 : memref<1x1x100000xf32, #tpu.memory_space<hbm>> -> memref<100000xf32, #tpu.memory_space<hbm>>
    %dma_wait3A_930 = arith.constant 0 : i32
    %dma_wait3A_931 = tpu.memref_slice %dma_wait3A_929[%dma_wait3A_930] : memref<100000xf32, #tpu.memory_space<hbm>> -> memref<100000xf32, #tpu.memory_space<hbm>>
    tpu.wait_indirect_dma semaphore(%arg18 : memref<!tpu.dma_semaphore, #tpu.memory_space<semaphore_mem>>) src(%dma_wait3A_931 : memref<100000xf32, #tpu.memory_space<hbm>>) dst(%dma_wait3A_924 : memref<512xf32, #tpu.memory_space<vmem>>)
    %dma_wait3A_932 = arith.constant 9 : i32
    %dma_wait3A_933 = arith.constant 0 : i32
    %dma_wait3A_934 = arith.constant 4608 : i32
    %dma_wait3A_935 = tpu.memref_slice %arg10[%dma_wait3A_934] : memref<13312xf32, #tpu.memory_space<vmem>> -> memref<512xf32, #tpu.memory_space<vmem>>
    %dma_wait3A_936 = arith.constant 4608 : i32
    %dma_wait3A_937 = tpu.memref_slice %arg8[%dma_wait3A_936] : memref<13312xi32, #tpu.memory_space<vmem>> -> memref<512xi32, #tpu.memory_space<vmem>>
    %dma_wait3A_938 = arith.constant 0 : i32
    %dma_wait3A_939 = tpu.memref_slice %arg4[%dma_wait3A_932, %dma_wait3A_933, %dma_wait3A_938] : memref<26x1x100000xf32, #tpu.memory_space<hbm>> -> memref<1x1x100000xf32, #tpu.memory_space<hbm>>
    %dma_wait3A_940 = tpu.memref_squeeze %dma_wait3A_939 : memref<1x1x100000xf32, #tpu.memory_space<hbm>> -> memref<100000xf32, #tpu.memory_space<hbm>>
    %dma_wait3A_941 = arith.constant 0 : i32
    %dma_wait3A_942 = tpu.memref_slice %dma_wait3A_940[%dma_wait3A_941] : memref<100000xf32, #tpu.memory_space<hbm>> -> memref<100000xf32, #tpu.memory_space<hbm>>
    tpu.wait_indirect_dma semaphore(%arg18 : memref<!tpu.dma_semaphore, #tpu.memory_space<semaphore_mem>>) src(%dma_wait3A_942 : memref<100000xf32, #tpu.memory_space<hbm>>) dst(%dma_wait3A_935 : memref<512xf32, #tpu.memory_space<vmem>>)
    %dma_wait3A_943 = arith.constant 10 : i32
    %dma_wait3A_944 = arith.constant 0 : i32
    %dma_wait3A_945 = arith.constant 5120 : i32
    %dma_wait3A_946 = tpu.memref_slice %arg10[%dma_wait3A_945] : memref<13312xf32, #tpu.memory_space<vmem>> -> memref<512xf32, #tpu.memory_space<vmem>>
    %dma_wait3A_947 = arith.constant 5120 : i32
    %dma_wait3A_948 = tpu.memref_slice %arg8[%dma_wait3A_947] : memref<13312xi32, #tpu.memory_space<vmem>> -> memref<512xi32, #tpu.memory_space<vmem>>
    %dma_wait3A_949 = arith.constant 0 : i32
    %dma_wait3A_950 = tpu.memref_slice %arg4[%dma_wait3A_943, %dma_wait3A_944, %dma_wait3A_949] : memref<26x1x100000xf32, #tpu.memory_space<hbm>> -> memref<1x1x100000xf32, #tpu.memory_space<hbm>>
    %dma_wait3A_951 = tpu.memref_squeeze %dma_wait3A_950 : memref<1x1x100000xf32, #tpu.memory_space<hbm>> -> memref<100000xf32, #tpu.memory_space<hbm>>
    %dma_wait3A_952 = arith.constant 0 : i32
    %dma_wait3A_953 = tpu.memref_slice %dma_wait3A_951[%dma_wait3A_952] : memref<100000xf32, #tpu.memory_space<hbm>> -> memref<100000xf32, #tpu.memory_space<hbm>>
    tpu.wait_indirect_dma semaphore(%arg18 : memref<!tpu.dma_semaphore, #tpu.memory_space<semaphore_mem>>) src(%dma_wait3A_953 : memref<100000xf32, #tpu.memory_space<hbm>>) dst(%dma_wait3A_946 : memref<512xf32, #tpu.memory_space<vmem>>)
    %dma_wait3A_954 = arith.constant 11 : i32
    %dma_wait3A_955 = arith.constant 0 : i32
    %dma_wait3A_956 = arith.constant 5632 : i32
    %dma_wait3A_957 = tpu.memref_slice %arg10[%dma_wait3A_956] : memref<13312xf32, #tpu.memory_space<vmem>> -> memref<512xf32, #tpu.memory_space<vmem>>
    %dma_wait3A_958 = arith.constant 5632 : i32
    %dma_wait3A_959 = tpu.memref_slice %arg8[%dma_wait3A_958] : memref<13312xi32, #tpu.memory_space<vmem>> -> memref<512xi32, #tpu.memory_space<vmem>>
    %dma_wait3A_960 = arith.constant 0 : i32
    %dma_wait3A_961 = tpu.memref_slice %arg4[%dma_wait3A_954, %dma_wait3A_955, %dma_wait3A_960] : memref<26x1x100000xf32, #tpu.memory_space<hbm>> -> memref<1x1x100000xf32, #tpu.memory_space<hbm>>
    %dma_wait3A_962 = tpu.memref_squeeze %dma_wait3A_961 : memref<1x1x100000xf32, #tpu.memory_space<hbm>> -> memref<100000xf32, #tpu.memory_space<hbm>>
    %dma_wait3A_963 = arith.constant 0 : i32
    %dma_wait3A_964 = tpu.memref_slice %dma_wait3A_962[%dma_wait3A_963] : memref<100000xf32, #tpu.memory_space<hbm>> -> memref<100000xf32, #tpu.memory_space<hbm>>
    tpu.wait_indirect_dma semaphore(%arg18 : memref<!tpu.dma_semaphore, #tpu.memory_space<semaphore_mem>>) src(%dma_wait3A_964 : memref<100000xf32, #tpu.memory_space<hbm>>) dst(%dma_wait3A_957 : memref<512xf32, #tpu.memory_space<vmem>>)
    %dma_wait3A_965 = arith.constant 12 : i32
    %dma_wait3A_966 = arith.constant 0 : i32
    %dma_wait3A_967 = arith.constant 6144 : i32
    %dma_wait3A_968 = tpu.memref_slice %arg10[%dma_wait3A_967] : memref<13312xf32, #tpu.memory_space<vmem>> -> memref<512xf32, #tpu.memory_space<vmem>>
    %dma_wait3A_969 = arith.constant 6144 : i32
    %dma_wait3A_970 = tpu.memref_slice %arg8[%dma_wait3A_969] : memref<13312xi32, #tpu.memory_space<vmem>> -> memref<512xi32, #tpu.memory_space<vmem>>
    %dma_wait3A_971 = arith.constant 0 : i32
    %dma_wait3A_972 = tpu.memref_slice %arg4[%dma_wait3A_965, %dma_wait3A_966, %dma_wait3A_971] : memref<26x1x100000xf32, #tpu.memory_space<hbm>> -> memref<1x1x100000xf32, #tpu.memory_space<hbm>>
    %dma_wait3A_973 = tpu.memref_squeeze %dma_wait3A_972 : memref<1x1x100000xf32, #tpu.memory_space<hbm>> -> memref<100000xf32, #tpu.memory_space<hbm>>
    %dma_wait3A_974 = arith.constant 0 : i32
    %dma_wait3A_975 = tpu.memref_slice %dma_wait3A_973[%dma_wait3A_974] : memref<100000xf32, #tpu.memory_space<hbm>> -> memref<100000xf32, #tpu.memory_space<hbm>>
    tpu.wait_indirect_dma semaphore(%arg18 : memref<!tpu.dma_semaphore, #tpu.memory_space<semaphore_mem>>) src(%dma_wait3A_975 : memref<100000xf32, #tpu.memory_space<hbm>>) dst(%dma_wait3A_968 : memref<512xf32, #tpu.memory_space<vmem>>)
    %scan3A = arith.constant 0 : i32
    %scan3A_976 = arith.constant 0 : i32
    %scan3A_977 = arith.constant 32 : i32
    %scan3A_978 = arith.addi %scan3A_976, %scan3A_977 : i32
    %scan3A_979 = arith.constant 1 : i32
    %scan3A_980 = scf.for %scan3A_1132 = %scan3A_976 to %scan3A_978 step %scan3A_979 iter_args(%scan3A_1133 = %scan3A) -> (i32)  : i32 {
      %get3A = arith.constant 0 : index
      %get3A_1134 = tpu.vector_load %arg12[%get3A] {strides = array<i32>} : memref<16xf32, #tpu.memory_space<vmem>>, vector<16xf32>,
      %mul3A_1135 = arith.constant 16 : i32
      %mul3A_1136 = arith.muli %scan3A_1132, %mul3A_1135 : i32
      %add3A_1137 = arith.constant 0 : i32
      %add3A_1138 = arith.addi %add3A_1137, %mul3A_1136 : i32
      %get3A_1139 = arith.index_cast %add3A_1138 : i32 to index
      %get3A_1140 = tpu.vector_load %arg10[%get3A_1139] {strides = array<i32>} : memref<13312xf32, #tpu.memory_space<vmem>>, vector<16xf32>,
      %add3A_1141 = arith.addf %get3A_1134, %get3A_1140 : vector<16xf32>
      %mul3A_1142 = arith.constant 16 : i32
      %mul3A_1143 = arith.muli %scan3A_1132, %mul3A_1142 : i32
      %add3A_1144 = arith.constant 512 : i32
      %add3A_1145 = arith.addi %add3A_1144, %mul3A_1143 : i32
      %get3A_1146 = arith.index_cast %add3A_1145 : i32 to index
      %get3A_1147 = tpu.vector_load %arg10[%get3A_1146] {strides = array<i32>} : memref<13312xf32, #tpu.memory_space<vmem>>, vector<16xf32>,
      %add3A_1148 = arith.addf %add3A_1141, %get3A_1147 : vector<16xf32>
      %mul3A_1149 = arith.constant 16 : i32
      %mul3A_1150 = arith.muli %scan3A_1132, %mul3A_1149 : i32
      %add3A_1151 = arith.constant 1024 : i32
      %add3A_1152 = arith.addi %add3A_1151, %mul3A_1150 : i32
      %get3A_1153 = arith.index_cast %add3A_1152 : i32 to index
      %get3A_1154 = tpu.vector_load %arg10[%get3A_1153] {strides = array<i32>} : memref<13312xf32, #tpu.memory_space<vmem>>, vector<16xf32>,
      %add3A_1155 = arith.addf %add3A_1148, %get3A_1154 : vector<16xf32>
      %mul3A_1156 = arith.constant 16 : i32
      %mul3A_1157 = arith.muli %scan3A_1132, %mul3A_1156 : i32
      %add3A_1158 = arith.constant 1536 : i32
      %add3A_1159 = arith.addi %add3A_1158, %mul3A_1157 : i32
      %get3A_1160 = arith.index_cast %add3A_1159 : i32 to index
      %get3A_1161 = tpu.vector_load %arg10[%get3A_1160] {strides = array<i32>} : memref<13312xf32, #tpu.memory_space<vmem>>, vector<16xf32>,
      %add3A_1162 = arith.addf %add3A_1155, %get3A_1161 : vector<16xf32>
      %mul3A_1163 = arith.constant 16 : i32
      %mul3A_1164 = arith.muli %scan3A_1132, %mul3A_1163 : i32
      %add3A_1165 = arith.constant 2048 : i32
      %add3A_1166 = arith.addi %add3A_1165, %mul3A_1164 : i32
      %get3A_1167 = arith.index_cast %add3A_1166 : i32 to index
      %get3A_1168 = tpu.vector_load %arg10[%get3A_1167] {strides = array<i32>} : memref<13312xf32, #tpu.memory_space<vmem>>, vector<16xf32>,
      %add3A_1169 = arith.addf %add3A_1162, %get3A_1168 : vector<16xf32>
      %mul3A_1170 = arith.constant 16 : i32
      %mul3A_1171 = arith.muli %scan3A_1132, %mul3A_1170 : i32
      %add3A_1172 = arith.constant 2560 : i32
      %add3A_1173 = arith.addi %add3A_1172, %mul3A_1171 : i32
      %get3A_1174 = arith.index_cast %add3A_1173 : i32 to index
      %get3A_1175 = tpu.vector_load %arg10[%get3A_1174] {strides = array<i32>} : memref<13312xf32, #tpu.memory_space<vmem>>, vector<16xf32>,
      %add3A_1176 = arith.addf %add3A_1169, %get3A_1175 : vector<16xf32>
      %mul3A_1177 = arith.constant 16 : i32
      %mul3A_1178 = arith.muli %scan3A_1132, %mul3A_1177 : i32
      %add3A_1179 = arith.constant 3072 : i32
      %add3A_1180 = arith.addi %add3A_1179, %mul3A_1178 : i32
      %get3A_1181 = arith.index_cast %add3A_1180 : i32 to index
      %get3A_1182 = tpu.vector_load %arg10[%get3A_1181] {strides = array<i32>} : memref<13312xf32, #tpu.memory_space<vmem>>, vector<16xf32>,
      %add3A_1183 = arith.addf %add3A_1176, %get3A_1182 : vector<16xf32>
      %mul3A_1184 = arith.constant 16 : i32
      %mul3A_1185 = arith.muli %scan3A_1132, %mul3A_1184 : i32
      %add3A_1186 = arith.constant 3584 : i32
      %add3A_1187 = arith.addi %add3A_1186, %mul3A_1185 : i32
      %get3A_1188 = arith.index_cast %add3A_1187 : i32 to index
      %get3A_1189 = tpu.vector_load %arg10[%get3A_1188] {strides = array<i32>} : memref<13312xf32, #tpu.memory_space<vmem>>, vector<16xf32>,
      %add3A_1190 = arith.addf %add3A_1183, %get3A_1189 : vector<16xf32>
      %mul3A_1191 = arith.constant 16 : i32
      %mul3A_1192 = arith.muli %scan3A_1132, %mul3A_1191 : i32
      %add3A_1193 = arith.constant 4096 : i32
      %add3A_1194 = arith.addi %add3A_1193, %mul3A_1192 : i32
      %get3A_1195 = arith.index_cast %add3A_1194 : i32 to index
      %get3A_1196 = tpu.vector_load %arg10[%get3A_1195] {strides = array<i32>} : memref<13312xf32, #tpu.memory_space<vmem>>, vector<16xf32>,
      %add3A_1197 = arith.addf %add3A_1190, %get3A_1196 : vector<16xf32>
      %mul3A_1198 = arith.constant 16 : i32
      %mul3A_1199 = arith.muli %scan3A_1132, %mul3A_1198 : i32
      %add3A_1200 = arith.constant 4608 : i32
      %add3A_1201 = arith.addi %add3A_1200, %mul3A_1199 : i32
      %get3A_1202 = arith.index_cast %add3A_1201 : i32 to index
      %get3A_1203 = tpu.vector_load %arg10[%get3A_1202] {strides = array<i32>} : memref<13312xf32, #tpu.memory_space<vmem>>, vector<16xf32>,
      %add3A_1204 = arith.addf %add3A_1197, %get3A_1203 : vector<16xf32>
      %mul3A_1205 = arith.constant 16 : i32
      %mul3A_1206 = arith.muli %scan3A_1132, %mul3A_1205 : i32
      %add3A_1207 = arith.constant 5120 : i32
      %add3A_1208 = arith.addi %add3A_1207, %mul3A_1206 : i32
      %get3A_1209 = arith.index_cast %add3A_1208 : i32 to index
      %get3A_1210 = tpu.vector_load %arg10[%get3A_1209] {strides = array<i32>} : memref<13312xf32, #tpu.memory_space<vmem>>, vector<16xf32>,
      %add3A_1211 = arith.addf %add3A_1204, %get3A_1210 : vector<16xf32>
      %mul3A_1212 = arith.constant 16 : i32
      %mul3A_1213 = arith.muli %scan3A_1132, %mul3A_1212 : i32
      %add3A_1214 = arith.constant 5632 : i32
      %add3A_1215 = arith.addi %add3A_1214, %mul3A_1213 : i32
      %get3A_1216 = arith.index_cast %add3A_1215 : i32 to index
      %get3A_1217 = tpu.vector_load %arg10[%get3A_1216] {strides = array<i32>} : memref<13312xf32, #tpu.memory_space<vmem>>, vector<16xf32>,
      %add3A_1218 = arith.addf %add3A_1211, %get3A_1217 : vector<16xf32>
      %mul3A_1219 = arith.constant 16 : i32
      %mul3A_1220 = arith.muli %scan3A_1132, %mul3A_1219 : i32
      %add3A_1221 = arith.constant 6144 : i32
      %add3A_1222 = arith.addi %add3A_1221, %mul3A_1220 : i32
      %get3A_1223 = arith.index_cast %add3A_1222 : i32 to index
      %get3A_1224 = tpu.vector_load %arg10[%get3A_1223] {strides = array<i32>} : memref<13312xf32, #tpu.memory_space<vmem>>, vector<16xf32>,
      %add3A_1225 = arith.addf %add3A_1218, %get3A_1224 : vector<16xf32>
      %mul3A_1226 = arith.constant 16 : i32
      %mul3A_1227 = arith.muli %scan3A_1132, %mul3A_1226 : i32
      %add3A_1228 = arith.constant 0 : i32
      %add3A_1229 = arith.addi %add3A_1228, %mul3A_1227 : i32
      %get3A_1230 = arith.index_cast %add3A_1229 : i32 to index
      %get3A_1231 = tpu.vector_load %arg9[%get3A_1230] {strides = array<i32>} : memref<6656xf32, #tpu.memory_space<vmem>>, vector<16xf32>,
      %get3A_1232 = arith.constant 0 : index
      %get3A_1233 = tpu.vector_load %arg11[%get3A_1232] {strides = array<i32>} : memref<208xf32, #tpu.memory_space<vmem>>, vector<16xf32>,
      %mul3A_1234 = arith.mulf %get3A_1231, %get3A_1233 : vector<16xf32>
      %add3A_1235 = arith.addf %add3A_1225, %mul3A_1234 : vector<16xf32>
      %mul3A_1236 = arith.constant 16 : i32
      %mul3A_1237 = arith.muli %scan3A_1132, %mul3A_1236 : i32
      %add3A_1238 = arith.constant 512 : i32
      %add3A_1239 = arith.addi %add3A_1238, %mul3A_1237 : i32
      %get3A_1240 = arith.index_cast %add3A_1239 : i32 to index
      %get3A_1241 = tpu.vector_load %arg9[%get3A_1240] {strides = array<i32>} : memref<6656xf32, #tpu.memory_space<vmem>>, vector<16xf32>,
      %get3A_1242 = arith.constant 16 : index
      %get3A_1243 = tpu.vector_load %arg11[%get3A_1242] {strides = array<i32>} : memref<208xf32, #tpu.memory_space<vmem>>, vector<16xf32>,
      %mul3A_1244 = arith.mulf %get3A_1241, %get3A_1243 : vector<16xf32>
      %add3A_1245 = arith.addf %add3A_1235, %mul3A_1244 : vector<16xf32>
      %mul3A_1246 = arith.constant 16 : i32
      %mul3A_1247 = arith.muli %scan3A_1132, %mul3A_1246 : i32
      %add3A_1248 = arith.constant 1024 : i32
      %add3A_1249 = arith.addi %add3A_1248, %mul3A_1247 : i32
      %get3A_1250 = arith.index_cast %add3A_1249 : i32 to index
      %get3A_1251 = tpu.vector_load %arg9[%get3A_1250] {strides = array<i32>} : memref<6656xf32, #tpu.memory_space<vmem>>, vector<16xf32>,
      %get3A_1252 = arith.constant 32 : index
      %get3A_1253 = tpu.vector_load %arg11[%get3A_1252] {strides = array<i32>} : memref<208xf32, #tpu.memory_space<vmem>>, vector<16xf32>,
      %mul3A_1254 = arith.mulf %get3A_1251, %get3A_1253 : vector<16xf32>
      %add3A_1255 = arith.addf %add3A_1245, %mul3A_1254 : vector<16xf32>
      %mul3A_1256 = arith.constant 16 : i32
      %mul3A_1257 = arith.muli %scan3A_1132, %mul3A_1256 : i32
      %add3A_1258 = arith.constant 1536 : i32
      %add3A_1259 = arith.addi %add3A_1258, %mul3A_1257 : i32
      %get3A_1260 = arith.index_cast %add3A_1259 : i32 to index
      %get3A_1261 = tpu.vector_load %arg9[%get3A_1260] {strides = array<i32>} : memref<6656xf32, #tpu.memory_space<vmem>>, vector<16xf32>,
      %get3A_1262 = arith.constant 48 : index
      %get3A_1263 = tpu.vector_load %arg11[%get3A_1262] {strides = array<i32>} : memref<208xf32, #tpu.memory_space<vmem>>, vector<16xf32>,
      %mul3A_1264 = arith.mulf %get3A_1261, %get3A_1263 : vector<16xf32>
      %add3A_1265 = arith.addf %add3A_1255, %mul3A_1264 : vector<16xf32>
      %mul3A_1266 = arith.constant 16 : i32
      %mul3A_1267 = arith.muli %scan3A_1132, %mul3A_1266 : i32
      %add3A_1268 = arith.constant 2048 : i32
      %add3A_1269 = arith.addi %add3A_1268, %mul3A_1267 : i32
      %get3A_1270 = arith.index_cast %add3A_1269 : i32 to index
      %get3A_1271 = tpu.vector_load %arg9[%get3A_1270] {strides = array<i32>} : memref<6656xf32, #tpu.memory_space<vmem>>, vector<16xf32>,
      %get3A_1272 = arith.constant 64 : index
      %get3A_1273 = tpu.vector_load %arg11[%get3A_1272] {strides = array<i32>} : memref<208xf32, #tpu.memory_space<vmem>>, vector<16xf32>,
      %mul3A_1274 = arith.mulf %get3A_1271, %get3A_1273 : vector<16xf32>
      %add3A_1275 = arith.addf %add3A_1265, %mul3A_1274 : vector<16xf32>
      %mul3A_1276 = arith.constant 16 : i32
      %mul3A_1277 = arith.muli %scan3A_1132, %mul3A_1276 : i32
      %add3A_1278 = arith.constant 2560 : i32
      %add3A_1279 = arith.addi %add3A_1278, %mul3A_1277 : i32
      %get3A_1280 = arith.index_cast %add3A_1279 : i32 to index
      %get3A_1281 = tpu.vector_load %arg9[%get3A_1280] {strides = array<i32>} : memref<6656xf32, #tpu.memory_space<vmem>>, vector<16xf32>,
      %get3A_1282 = arith.constant 80 : index
      %get3A_1283 = tpu.vector_load %arg11[%get3A_1282] {strides = array<i32>} : memref<208xf32, #tpu.memory_space<vmem>>, vector<16xf32>,
      %mul3A_1284 = arith.mulf %get3A_1281, %get3A_1283 : vector<16xf32>
      %add3A_1285 = arith.addf %add3A_1275, %mul3A_1284 : vector<16xf32>
      %mul3A_1286 = arith.constant 16 : i32
      %mul3A_1287 = arith.muli %scan3A_1132, %mul3A_1286 : i32
      %add3A_1288 = arith.constant 3072 : i32
      %add3A_1289 = arith.addi %add3A_1288, %mul3A_1287 : i32
      %get3A_1290 = arith.index_cast %add3A_1289 : i32 to index
      %get3A_1291 = tpu.vector_load %arg9[%get3A_1290] {strides = array<i32>} : memref<6656xf32, #tpu.memory_space<vmem>>, vector<16xf32>,
      %get3A_1292 = arith.constant 96 : index
      %get3A_1293 = tpu.vector_load %arg11[%get3A_1292] {strides = array<i32>} : memref<208xf32, #tpu.memory_space<vmem>>, vector<16xf32>,
      %mul3A_1294 = arith.mulf %get3A_1291, %get3A_1293 : vector<16xf32>
      %add3A_1295 = arith.addf %add3A_1285, %mul3A_1294 : vector<16xf32>
      %mul3A_1296 = arith.constant 16 : i32
      %mul3A_1297 = arith.muli %scan3A_1132, %mul3A_1296 : i32
      %add3A_1298 = arith.constant 3584 : i32
      %add3A_1299 = arith.addi %add3A_1298, %mul3A_1297 : i32
      %get3A_1300 = arith.index_cast %add3A_1299 : i32 to index
      %get3A_1301 = tpu.vector_load %arg9[%get3A_1300] {strides = array<i32>} : memref<6656xf32, #tpu.memory_space<vmem>>, vector<16xf32>,
      %get3A_1302 = arith.constant 112 : index
      %get3A_1303 = tpu.vector_load %arg11[%get3A_1302] {strides = array<i32>} : memref<208xf32, #tpu.memory_space<vmem>>, vector<16xf32>,
      %mul3A_1304 = arith.mulf %get3A_1301, %get3A_1303 : vector<16xf32>
      %add3A_1305 = arith.addf %add3A_1295, %mul3A_1304 : vector<16xf32>
      %mul3A_1306 = arith.constant 16 : i32
      %mul3A_1307 = arith.muli %scan3A_1132, %mul3A_1306 : i32
      %add3A_1308 = arith.constant 4096 : i32
      %add3A_1309 = arith.addi %add3A_1308, %mul3A_1307 : i32
      %get3A_1310 = arith.index_cast %add3A_1309 : i32 to index
      %get3A_1311 = tpu.vector_load %arg9[%get3A_1310] {strides = array<i32>} : memref<6656xf32, #tpu.memory_space<vmem>>, vector<16xf32>,
      %get3A_1312 = arith.constant 128 : index
      %get3A_1313 = tpu.vector_load %arg11[%get3A_1312] {strides = array<i32>} : memref<208xf32, #tpu.memory_space<vmem>>, vector<16xf32>,
      %mul3A_1314 = arith.mulf %get3A_1311, %get3A_1313 : vector<16xf32>
      %add3A_1315 = arith.addf %add3A_1305, %mul3A_1314 : vector<16xf32>
      %mul3A_1316 = arith.constant 16 : i32
      %mul3A_1317 = arith.muli %scan3A_1132, %mul3A_1316 : i32
      %add3A_1318 = arith.constant 4608 : i32
      %add3A_1319 = arith.addi %add3A_1318, %mul3A_1317 : i32
      %get3A_1320 = arith.index_cast %add3A_1319 : i32 to index
      %get3A_1321 = tpu.vector_load %arg9[%get3A_1320] {strides = array<i32>} : memref<6656xf32, #tpu.memory_space<vmem>>, vector<16xf32>,
      %get3A_1322 = arith.constant 144 : index
      %get3A_1323 = tpu.vector_load %arg11[%get3A_1322] {strides = array<i32>} : memref<208xf32, #tpu.memory_space<vmem>>, vector<16xf32>,
      %mul3A_1324 = arith.mulf %get3A_1321, %get3A_1323 : vector<16xf32>
      %add3A_1325 = arith.addf %add3A_1315, %mul3A_1324 : vector<16xf32>
      %mul3A_1326 = arith.constant 16 : i32
      %mul3A_1327 = arith.muli %scan3A_1132, %mul3A_1326 : i32
      %add3A_1328 = arith.constant 5120 : i32
      %add3A_1329 = arith.addi %add3A_1328, %mul3A_1327 : i32
      %get3A_1330 = arith.index_cast %add3A_1329 : i32 to index
      %get3A_1331 = tpu.vector_load %arg9[%get3A_1330] {strides = array<i32>} : memref<6656xf32, #tpu.memory_space<vmem>>, vector<16xf32>,
      %get3A_1332 = arith.constant 160 : index
      %get3A_1333 = tpu.vector_load %arg11[%get3A_1332] {strides = array<i32>} : memref<208xf32, #tpu.memory_space<vmem>>, vector<16xf32>,
      %mul3A_1334 = arith.mulf %get3A_1331, %get3A_1333 : vector<16xf32>
      %add3A_1335 = arith.addf %add3A_1325, %mul3A_1334 : vector<16xf32>
      %mul3A_1336 = arith.constant 16 : i32
      %mul3A_1337 = arith.muli %scan3A_1132, %mul3A_1336 : i32
      %add3A_1338 = arith.constant 5632 : i32
      %add3A_1339 = arith.addi %add3A_1338, %mul3A_1337 : i32
      %get3A_1340 = arith.index_cast %add3A_1339 : i32 to index
      %get3A_1341 = tpu.vector_load %arg9[%get3A_1340] {strides = array<i32>} : memref<6656xf32, #tpu.memory_space<vmem>>, vector<16xf32>,
      %get3A_1342 = arith.constant 176 : index
      %get3A_1343 = tpu.vector_load %arg11[%get3A_1342] {strides = array<i32>} : memref<208xf32, #tpu.memory_space<vmem>>, vector<16xf32>,
      %mul3A_1344 = arith.mulf %get3A_1341, %get3A_1343 : vector<16xf32>
      %add3A_1345 = arith.addf %add3A_1335, %mul3A_1344 : vector<16xf32>
      %mul3A_1346 = arith.constant 16 : i32
      %mul3A_1347 = arith.muli %scan3A_1132, %mul3A_1346 : i32
      %add3A_1348 = arith.constant 6144 : i32
      %add3A_1349 = arith.addi %add3A_1348, %mul3A_1347 : i32
      %get3A_1350 = arith.index_cast %add3A_1349 : i32 to index
      %get3A_1351 = tpu.vector_load %arg9[%get3A_1350] {strides = array<i32>} : memref<6656xf32, #tpu.memory_space<vmem>>, vector<16xf32>,
      %get3A_1352 = arith.constant 192 : index
      %get3A_1353 = tpu.vector_load %arg11[%get3A_1352] {strides = array<i32>} : memref<208xf32, #tpu.memory_space<vmem>>, vector<16xf32>,
      %mul3A_1354 = arith.mulf %get3A_1351, %get3A_1353 : vector<16xf32>
      %add3A_1355 = arith.addf %add3A_1345, %mul3A_1354 : vector<16xf32>
      %mul3A_1356 = arith.constant 16 : i32
      %mul3A_1357 = arith.muli %scan3A_1132, %mul3A_1356 : i32
      %swap3A = arith.index_cast %mul3A_1357 : i32 to index
      %swap3A_1358 = tpu.vector_load %arg13[%swap3A] {strides = array<i32>} : memref<512xf32, #tpu.memory_space<vmem>>, vector<16xf32>,
      tpu.vector_store %arg13[%swap3A], %add3A_1355 {strides = array<i32>} : memref<512xf32, #tpu.memory_space<vmem>>, vector<16xf32>,
      %scan3A_1359 = arith.constant 0 : i32
      scf.yield %scan3A_1359 : i32
    }
    %scan3A_981 = arith.constant 32 : i32
    %dma_wait3A_982 = arith.constant 13 : i32
    %dma_wait3A_983 = arith.constant 0 : i32
    %dma_wait3A_984 = arith.constant 6656 : i32
    %dma_wait3A_985 = tpu.memref_slice %arg10[%dma_wait3A_984] : memref<13312xf32, #tpu.memory_space<vmem>> -> memref<512xf32, #tpu.memory_space<vmem>>
    %dma_wait3A_986 = arith.constant 6656 : i32
    %dma_wait3A_987 = tpu.memref_slice %arg8[%dma_wait3A_986] : memref<13312xi32, #tpu.memory_space<vmem>> -> memref<512xi32, #tpu.memory_space<vmem>>
    %dma_wait3A_988 = arith.constant 0 : i32
    %dma_wait3A_989 = tpu.memref_slice %arg4[%dma_wait3A_982, %dma_wait3A_983, %dma_wait3A_988] : memref<26x1x100000xf32, #tpu.memory_space<hbm>> -> memref<1x1x100000xf32, #tpu.memory_space<hbm>>
    %dma_wait3A_990 = tpu.memref_squeeze %dma_wait3A_989 : memref<1x1x100000xf32, #tpu.memory_space<hbm>> -> memref<100000xf32, #tpu.memory_space<hbm>>
    %dma_wait3A_991 = arith.constant 0 : i32
    %dma_wait3A_992 = tpu.memref_slice %dma_wait3A_990[%dma_wait3A_991] : memref<100000xf32, #tpu.memory_space<hbm>> -> memref<100000xf32, #tpu.memory_space<hbm>>
    tpu.wait_indirect_dma semaphore(%arg19 : memref<!tpu.dma_semaphore, #tpu.memory_space<semaphore_mem>>) src(%dma_wait3A_992 : memref<100000xf32, #tpu.memory_space<hbm>>) dst(%dma_wait3A_985 : memref<512xf32, #tpu.memory_space<vmem>>)
    %dma_wait3A_993 = arith.constant 14 : i32
    %dma_wait3A_994 = arith.constant 0 : i32
    %dma_wait3A_995 = arith.constant 7168 : i32
    %dma_wait3A_996 = tpu.memref_slice %arg10[%dma_wait3A_995] : memref<13312xf32, #tpu.memory_space<vmem>> -> memref<512xf32, #tpu.memory_space<vmem>>
    %dma_wait3A_997 = arith.constant 7168 : i32
    %dma_wait3A_998 = tpu.memref_slice %arg8[%dma_wait3A_997] : memref<13312xi32, #tpu.memory_space<vmem>> -> memref<512xi32, #tpu.memory_space<vmem>>
    %dma_wait3A_999 = arith.constant 0 : i32
    %dma_wait3A_1000 = tpu.memref_slice %arg4[%dma_wait3A_993, %dma_wait3A_994, %dma_wait3A_999] : memref<26x1x100000xf32, #tpu.memory_space<hbm>> -> memref<1x1x100000xf32, #tpu.memory_space<hbm>>
    %dma_wait3A_1001 = tpu.memref_squeeze %dma_wait3A_1000 : memref<1x1x100000xf32, #tpu.memory_space<hbm>> -> memref<100000xf32, #tpu.memory_space<hbm>>
    %dma_wait3A_1002 = arith.constant 0 : i32
    %dma_wait3A_1003 = tpu.memref_slice %dma_wait3A_1001[%dma_wait3A_1002] : memref<100000xf32, #tpu.memory_space<hbm>> -> memref<100000xf32, #tpu.memory_space<hbm>>
    tpu.wait_indirect_dma semaphore(%arg19 : memref<!tpu.dma_semaphore, #tpu.memory_space<semaphore_mem>>) src(%dma_wait3A_1003 : memref<100000xf32, #tpu.memory_space<hbm>>) dst(%dma_wait3A_996 : memref<512xf32, #tpu.memory_space<vmem>>)
    %dma_wait3A_1004 = arith.constant 15 : i32
    %dma_wait3A_1005 = arith.constant 0 : i32
    %dma_wait3A_1006 = arith.constant 7680 : i32
    %dma_wait3A_1007 = tpu.memref_slice %arg10[%dma_wait3A_1006] : memref<13312xf32, #tpu.memory_space<vmem>> -> memref<512xf32, #tpu.memory_space<vmem>>
    %dma_wait3A_1008 = arith.constant 7680 : i32
    %dma_wait3A_1009 = tpu.memref_slice %arg8[%dma_wait3A_1008] : memref<13312xi32, #tpu.memory_space<vmem>> -> memref<512xi32, #tpu.memory_space<vmem>>
    %dma_wait3A_1010 = arith.constant 0 : i32
    %dma_wait3A_1011 = tpu.memref_slice %arg4[%dma_wait3A_1004, %dma_wait3A_1005, %dma_wait3A_1010] : memref<26x1x100000xf32, #tpu.memory_space<hbm>> -> memref<1x1x100000xf32, #tpu.memory_space<hbm>>
    %dma_wait3A_1012 = tpu.memref_squeeze %dma_wait3A_1011 : memref<1x1x100000xf32, #tpu.memory_space<hbm>> -> memref<100000xf32, #tpu.memory_space<hbm>>
    %dma_wait3A_1013 = arith.constant 0 : i32
    %dma_wait3A_1014 = tpu.memref_slice %dma_wait3A_1012[%dma_wait3A_1013] : memref<100000xf32, #tpu.memory_space<hbm>> -> memref<100000xf32, #tpu.memory_space<hbm>>
    tpu.wait_indirect_dma semaphore(%arg19 : memref<!tpu.dma_semaphore, #tpu.memory_space<semaphore_mem>>) src(%dma_wait3A_1014 : memref<100000xf32, #tpu.memory_space<hbm>>) dst(%dma_wait3A_1007 : memref<512xf32, #tpu.memory_space<vmem>>)
    %dma_wait3A_1015 = arith.constant 16 : i32
    %dma_wait3A_1016 = arith.constant 0 : i32
    %dma_wait3A_1017 = arith.constant 8192 : i32
    %dma_wait3A_1018 = tpu.memref_slice %arg10[%dma_wait3A_1017] : memref<13312xf32, #tpu.memory_space<vmem>> -> memref<512xf32, #tpu.memory_space<vmem>>
    %dma_wait3A_1019 = arith.constant 8192 : i32
    %dma_wait3A_1020 = tpu.memref_slice %arg8[%dma_wait3A_1019] : memref<13312xi32, #tpu.memory_space<vmem>> -> memref<512xi32, #tpu.memory_space<vmem>>
    %dma_wait3A_1021 = arith.constant 0 : i32
    %dma_wait3A_1022 = tpu.memref_slice %arg4[%dma_wait3A_1015, %dma_wait3A_1016, %dma_wait3A_1021] : memref<26x1x100000xf32, #tpu.memory_space<hbm>> -> memref<1x1x100000xf32, #tpu.memory_space<hbm>>
    %dma_wait3A_1023 = tpu.memref_squeeze %dma_wait3A_1022 : memref<1x1x100000xf32, #tpu.memory_space<hbm>> -> memref<100000xf32, #tpu.memory_space<hbm>>
    %dma_wait3A_1024 = arith.constant 0 : i32
    %dma_wait3A_1025 = tpu.memref_slice %dma_wait3A_1023[%dma_wait3A_1024] : memref<100000xf32, #tpu.memory_space<hbm>> -> memref<100000xf32, #tpu.memory_space<hbm>>
    tpu.wait_indirect_dma semaphore(%arg19 : memref<!tpu.dma_semaphore, #tpu.memory_space<semaphore_mem>>) src(%dma_wait3A_1025 : memref<100000xf32, #tpu.memory_space<hbm>>) dst(%dma_wait3A_1018 : memref<512xf32, #tpu.memory_space<vmem>>)
    %dma_wait3A_1026 = arith.constant 17 : i32
    %dma_wait3A_1027 = arith.constant 0 : i32
    %dma_wait3A_1028 = arith.constant 8704 : i32
    %dma_wait3A_1029 = tpu.memref_slice %arg10[%dma_wait3A_1028] : memref<13312xf32, #tpu.memory_space<vmem>> -> memref<512xf32, #tpu.memory_space<vmem>>
    %dma_wait3A_1030 = arith.constant 8704 : i32
    %dma_wait3A_1031 = tpu.memref_slice %arg8[%dma_wait3A_1030] : memref<13312xi32, #tpu.memory_space<vmem>> -> memref<512xi32, #tpu.memory_space<vmem>>
    %dma_wait3A_1032 = arith.constant 0 : i32
    %dma_wait3A_1033 = tpu.memref_slice %arg4[%dma_wait3A_1026, %dma_wait3A_1027, %dma_wait3A_1032] : memref<26x1x100000xf32, #tpu.memory_space<hbm>> -> memref<1x1x100000xf32, #tpu.memory_space<hbm>>
    %dma_wait3A_1034 = tpu.memref_squeeze %dma_wait3A_1033 : memref<1x1x100000xf32, #tpu.memory_space<hbm>> -> memref<100000xf32, #tpu.memory_space<hbm>>
    %dma_wait3A_1035 = arith.constant 0 : i32
    %dma_wait3A_1036 = tpu.memref_slice %dma_wait3A_1034[%dma_wait3A_1035] : memref<100000xf32, #tpu.memory_space<hbm>> -> memref<100000xf32, #tpu.memory_space<hbm>>
    tpu.wait_indirect_dma semaphore(%arg19 : memref<!tpu.dma_semaphore, #tpu.memory_space<semaphore_mem>>) src(%dma_wait3A_1036 : memref<100000xf32, #tpu.memory_space<hbm>>) dst(%dma_wait3A_1029 : memref<512xf32, #tpu.memory_space<vmem>>)
    %dma_wait3A_1037 = arith.constant 18 : i32
    %dma_wait3A_1038 = arith.constant 0 : i32
    %dma_wait3A_1039 = arith.constant 9216 : i32
    %dma_wait3A_1040 = tpu.memref_slice %arg10[%dma_wait3A_1039] : memref<13312xf32, #tpu.memory_space<vmem>> -> memref<512xf32, #tpu.memory_space<vmem>>
    %dma_wait3A_1041 = arith.constant 9216 : i32
    %dma_wait3A_1042 = tpu.memref_slice %arg8[%dma_wait3A_1041] : memref<13312xi32, #tpu.memory_space<vmem>> -> memref<512xi32, #tpu.memory_space<vmem>>
    %dma_wait3A_1043 = arith.constant 0 : i32
    %dma_wait3A_1044 = tpu.memref_slice %arg4[%dma_wait3A_1037, %dma_wait3A_1038, %dma_wait3A_1043] : memref<26x1x100000xf32, #tpu.memory_space<hbm>> -> memref<1x1x100000xf32, #tpu.memory_space<hbm>>
    %dma_wait3A_1045 = tpu.memref_squeeze %dma_wait3A_1044 : memref<1x1x100000xf32, #tpu.memory_space<hbm>> -> memref<100000xf32, #tpu.memory_space<hbm>>
    %dma_wait3A_1046 = arith.constant 0 : i32
    %dma_wait3A_1047 = tpu.memref_slice %dma_wait3A_1045[%dma_wait3A_1046] : memref<100000xf32, #tpu.memory_space<hbm>> -> memref<100000xf32, #tpu.memory_space<hbm>>
    tpu.wait_indirect_dma semaphore(%arg19 : memref<!tpu.dma_semaphore, #tpu.memory_space<semaphore_mem>>) src(%dma_wait3A_1047 : memref<100000xf32, #tpu.memory_space<hbm>>) dst(%dma_wait3A_1040 : memref<512xf32, #tpu.memory_space<vmem>>)
    %dma_wait3A_1048 = arith.constant 19 : i32
    %dma_wait3A_1049 = arith.constant 0 : i32
    %dma_wait3A_1050 = arith.constant 9728 : i32
    %dma_wait3A_1051 = tpu.memref_slice %arg10[%dma_wait3A_1050] : memref<13312xf32, #tpu.memory_space<vmem>> -> memref<512xf32, #tpu.memory_space<vmem>>
    %dma_wait3A_1052 = arith.constant 9728 : i32
    %dma_wait3A_1053 = tpu.memref_slice %arg8[%dma_wait3A_1052] : memref<13312xi32, #tpu.memory_space<vmem>> -> memref<512xi32, #tpu.memory_space<vmem>>
    %dma_wait3A_1054 = arith.constant 0 : i32
    %dma_wait3A_1055 = tpu.memref_slice %arg4[%dma_wait3A_1048, %dma_wait3A_1049, %dma_wait3A_1054] : memref<26x1x100000xf32, #tpu.memory_space<hbm>> -> memref<1x1x100000xf32, #tpu.memory_space<hbm>>
    %dma_wait3A_1056 = tpu.memref_squeeze %dma_wait3A_1055 : memref<1x1x100000xf32, #tpu.memory_space<hbm>> -> memref<100000xf32, #tpu.memory_space<hbm>>
    %dma_wait3A_1057 = arith.constant 0 : i32
    %dma_wait3A_1058 = tpu.memref_slice %dma_wait3A_1056[%dma_wait3A_1057] : memref<100000xf32, #tpu.memory_space<hbm>> -> memref<100000xf32, #tpu.memory_space<hbm>>
    tpu.wait_indirect_dma semaphore(%arg19 : memref<!tpu.dma_semaphore, #tpu.memory_space<semaphore_mem>>) src(%dma_wait3A_1058 : memref<100000xf32, #tpu.memory_space<hbm>>) dst(%dma_wait3A_1051 : memref<512xf32, #tpu.memory_space<vmem>>)
    %dma_wait3A_1059 = arith.constant 20 : i32
    %dma_wait3A_1060 = arith.constant 0 : i32
    %dma_wait3A_1061 = arith.constant 10240 : i32
    %dma_wait3A_1062 = tpu.memref_slice %arg10[%dma_wait3A_1061] : memref<13312xf32, #tpu.memory_space<vmem>> -> memref<512xf32, #tpu.memory_space<vmem>>
    %dma_wait3A_1063 = arith.constant 10240 : i32
    %dma_wait3A_1064 = tpu.memref_slice %arg8[%dma_wait3A_1063] : memref<13312xi32, #tpu.memory_space<vmem>> -> memref<512xi32, #tpu.memory_space<vmem>>
    %dma_wait3A_1065 = arith.constant 0 : i32
    %dma_wait3A_1066 = tpu.memref_slice %arg4[%dma_wait3A_1059, %dma_wait3A_1060, %dma_wait3A_1065] : memref<26x1x100000xf32, #tpu.memory_space<hbm>> -> memref<1x1x100000xf32, #tpu.memory_space<hbm>>
    %dma_wait3A_1067 = tpu.memref_squeeze %dma_wait3A_1066 : memref<1x1x100000xf32, #tpu.memory_space<hbm>> -> memref<100000xf32, #tpu.memory_space<hbm>>
    %dma_wait3A_1068 = arith.constant 0 : i32
    %dma_wait3A_1069 = tpu.memref_slice %dma_wait3A_1067[%dma_wait3A_1068] : memref<100000xf32, #tpu.memory_space<hbm>> -> memref<100000xf32, #tpu.memory_space<hbm>>
    tpu.wait_indirect_dma semaphore(%arg19 : memref<!tpu.dma_semaphore, #tpu.memory_space<semaphore_mem>>) src(%dma_wait3A_1069 : memref<100000xf32, #tpu.memory_space<hbm>>) dst(%dma_wait3A_1062 : memref<512xf32, #tpu.memory_space<vmem>>)
    %dma_wait3A_1070 = arith.constant 21 : i32
    %dma_wait3A_1071 = arith.constant 0 : i32
    %dma_wait3A_1072 = arith.constant 10752 : i32
    %dma_wait3A_1073 = tpu.memref_slice %arg10[%dma_wait3A_1072] : memref<13312xf32, #tpu.memory_space<vmem>> -> memref<512xf32, #tpu.memory_space<vmem>>
    %dma_wait3A_1074 = arith.constant 10752 : i32
    %dma_wait3A_1075 = tpu.memref_slice %arg8[%dma_wait3A_1074] : memref<13312xi32, #tpu.memory_space<vmem>> -> memref<512xi32, #tpu.memory_space<vmem>>
    %dma_wait3A_1076 = arith.constant 0 : i32
    %dma_wait3A_1077 = tpu.memref_slice %arg4[%dma_wait3A_1070, %dma_wait3A_1071, %dma_wait3A_1076] : memref<26x1x100000xf32, #tpu.memory_space<hbm>> -> memref<1x1x100000xf32, #tpu.memory_space<hbm>>
    %dma_wait3A_1078 = tpu.memref_squeeze %dma_wait3A_1077 : memref<1x1x100000xf32, #tpu.memory_space<hbm>> -> memref<100000xf32, #tpu.memory_space<hbm>>
    %dma_wait3A_1079 = arith.constant 0 : i32
    %dma_wait3A_1080 = tpu.memref_slice %dma_wait3A_1078[%dma_wait3A_1079] : memref<100000xf32, #tpu.memory_space<hbm>> -> memref<100000xf32, #tpu.memory_space<hbm>>
    tpu.wait_indirect_dma semaphore(%arg19 : memref<!tpu.dma_semaphore, #tpu.memory_space<semaphore_mem>>) src(%dma_wait3A_1080 : memref<100000xf32, #tpu.memory_space<hbm>>) dst(%dma_wait3A_1073 : memref<512xf32, #tpu.memory_space<vmem>>)
    %dma_wait3A_1081 = arith.constant 22 : i32
    %dma_wait3A_1082 = arith.constant 0 : i32
    %dma_wait3A_1083 = arith.constant 11264 : i32
    %dma_wait3A_1084 = tpu.memref_slice %arg10[%dma_wait3A_1083] : memref<13312xf32, #tpu.memory_space<vmem>> -> memref<512xf32, #tpu.memory_space<vmem>>
    %dma_wait3A_1085 = arith.constant 11264 : i32
    %dma_wait3A_1086 = tpu.memref_slice %arg8[%dma_wait3A_1085] : memref<13312xi32, #tpu.memory_space<vmem>> -> memref<512xi32, #tpu.memory_space<vmem>>
    %dma_wait3A_1087 = arith.constant 0 : i32
    %dma_wait3A_1088 = tpu.memref_slice %arg4[%dma_wait3A_1081, %dma_wait3A_1082, %dma_wait3A_1087] : memref<26x1x100000xf32, #tpu.memory_space<hbm>> -> memref<1x1x100000xf32, #tpu.memory_space<hbm>>
    %dma_wait3A_1089 = tpu.memref_squeeze %dma_wait3A_1088 : memref<1x1x100000xf32, #tpu.memory_space<hbm>> -> memref<100000xf32, #tpu.memory_space<hbm>>
    %dma_wait3A_1090 = arith.constant 0 : i32
    %dma_wait3A_1091 = tpu.memref_slice %dma_wait3A_1089[%dma_wait3A_1090] : memref<100000xf32, #tpu.memory_space<hbm>> -> memref<100000xf32, #tpu.memory_space<hbm>>
    tpu.wait_indirect_dma semaphore(%arg19 : memref<!tpu.dma_semaphore, #tpu.memory_space<semaphore_mem>>) src(%dma_wait3A_1091 : memref<100000xf32, #tpu.memory_space<hbm>>) dst(%dma_wait3A_1084 : memref<512xf32, #tpu.memory_space<vmem>>)
    %dma_wait3A_1092 = arith.constant 23 : i32
    %dma_wait3A_1093 = arith.constant 0 : i32
    %dma_wait3A_1094 = arith.constant 11776 : i32
    %dma_wait3A_1095 = tpu.memref_slice %arg10[%dma_wait3A_1094] : memref<13312xf32, #tpu.memory_space<vmem>> -> memref<512xf32, #tpu.memory_space<vmem>>
    %dma_wait3A_1096 = arith.constant 11776 : i32
    %dma_wait3A_1097 = tpu.memref_slice %arg8[%dma_wait3A_1096] : memref<13312xi32, #tpu.memory_space<vmem>> -> memref<512xi32, #tpu.memory_space<vmem>>
    %dma_wait3A_1098 = arith.constant 0 : i32
    %dma_wait3A_1099 = tpu.memref_slice %arg4[%dma_wait3A_1092, %dma_wait3A_1093, %dma_wait3A_1098] : memref<26x1x100000xf32, #tpu.memory_space<hbm>> -> memref<1x1x100000xf32, #tpu.memory_space<hbm>>
    %dma_wait3A_1100 = tpu.memref_squeeze %dma_wait3A_1099 : memref<1x1x100000xf32, #tpu.memory_space<hbm>> -> memref<100000xf32, #tpu.memory_space<hbm>>
    %dma_wait3A_1101 = arith.constant 0 : i32
    %dma_wait3A_1102 = tpu.memref_slice %dma_wait3A_1100[%dma_wait3A_1101] : memref<100000xf32, #tpu.memory_space<hbm>> -> memref<100000xf32, #tpu.memory_space<hbm>>
    tpu.wait_indirect_dma semaphore(%arg19 : memref<!tpu.dma_semaphore, #tpu.memory_space<semaphore_mem>>) src(%dma_wait3A_1102 : memref<100000xf32, #tpu.memory_space<hbm>>) dst(%dma_wait3A_1095 : memref<512xf32, #tpu.memory_space<vmem>>)
    %dma_wait3A_1103 = arith.constant 24 : i32
    %dma_wait3A_1104 = arith.constant 0 : i32
    %dma_wait3A_1105 = arith.constant 12288 : i32
    %dma_wait3A_1106 = tpu.memref_slice %arg10[%dma_wait3A_1105] : memref<13312xf32, #tpu.memory_space<vmem>> -> memref<512xf32, #tpu.memory_space<vmem>>
    %dma_wait3A_1107 = arith.constant 12288 : i32
    %dma_wait3A_1108 = tpu.memref_slice %arg8[%dma_wait3A_1107] : memref<13312xi32, #tpu.memory_space<vmem>> -> memref<512xi32, #tpu.memory_space<vmem>>
    %dma_wait3A_1109 = arith.constant 0 : i32
    %dma_wait3A_1110 = tpu.memref_slice %arg4[%dma_wait3A_1103, %dma_wait3A_1104, %dma_wait3A_1109] : memref<26x1x100000xf32, #tpu.memory_space<hbm>> -> memref<1x1x100000xf32, #tpu.memory_space<hbm>>
    %dma_wait3A_1111 = tpu.memref_squeeze %dma_wait3A_1110 : memref<1x1x100000xf32, #tpu.memory_space<hbm>> -> memref<100000xf32, #tpu.memory_space<hbm>>
    %dma_wait3A_1112 = arith.constant 0 : i32
    %dma_wait3A_1113 = tpu.memref_slice %dma_wait3A_1111[%dma_wait3A_1112] : memref<100000xf32, #tpu.memory_space<hbm>> -> memref<100000xf32, #tpu.memory_space<hbm>>
    tpu.wait_indirect_dma semaphore(%arg19 : memref<!tpu.dma_semaphore, #tpu.memory_space<semaphore_mem>>) src(%dma_wait3A_1113 : memref<100000xf32, #tpu.memory_space<hbm>>) dst(%dma_wait3A_1106 : memref<512xf32, #tpu.memory_space<vmem>>)
    %dma_wait3A_1114 = arith.constant 25 : i32
    %dma_wait3A_1115 = arith.constant 0 : i32
    %dma_wait3A_1116 = arith.constant 12800 : i32
    %dma_wait3A_1117 = tpu.memref_slice %arg10[%dma_wait3A_1116] : memref<13312xf32, #tpu.memory_space<vmem>> -> memref<512xf32, #tpu.memory_space<vmem>>
    %dma_wait3A_1118 = arith.constant 12800 : i32
    %dma_wait3A_1119 = tpu.memref_slice %arg8[%dma_wait3A_1118] : memref<13312xi32, #tpu.memory_space<vmem>> -> memref<512xi32, #tpu.memory_space<vmem>>
    %dma_wait3A_1120 = arith.constant 0 : i32
    %dma_wait3A_1121 = tpu.memref_slice %arg4[%dma_wait3A_1114, %dma_wait3A_1115, %dma_wait3A_1120] : memref<26x1x100000xf32, #tpu.memory_space<hbm>> -> memref<1x1x100000xf32, #tpu.memory_space<hbm>>
    %dma_wait3A_1122 = tpu.memref_squeeze %dma_wait3A_1121 : memref<1x1x100000xf32, #tpu.memory_space<hbm>> -> memref<100000xf32, #tpu.memory_space<hbm>>
    %dma_wait3A_1123 = arith.constant 0 : i32
    %dma_wait3A_1124 = tpu.memref_slice %dma_wait3A_1122[%dma_wait3A_1123] : memref<100000xf32, #tpu.memory_space<hbm>> -> memref<100000xf32, #tpu.memory_space<hbm>>
    tpu.wait_indirect_dma semaphore(%arg19 : memref<!tpu.dma_semaphore, #tpu.memory_space<semaphore_mem>>) src(%dma_wait3A_1124 : memref<100000xf32, #tpu.memory_space<hbm>>) dst(%dma_wait3A_1117 : memref<512xf32, #tpu.memory_space<vmem>>)
    %scan3A_1125 = arith.constant 0 : i32
    %scan3A_1126 = arith.constant 0 : i32
    %scan3A_1127 = arith.constant 32 : i32
    %scan3A_1128 = arith.addi %scan3A_1126, %scan3A_1127 : i32
    %scan3A_1129 = arith.constant 1 : i32
    %scan3A_1130 = scf.for %scan3A_1132 = %scan3A_1126 to %scan3A_1128 step %scan3A_1129 iter_args(%scan3A_1133 = %scan3A_1125) -> (i32)  : i32 {
      %mul3A_1134 = arith.constant 16 : i32
      %mul3A_1135 = arith.muli %scan3A_1132, %mul3A_1134 : i32
      %get3A = arith.index_cast %mul3A_1135 : i32 to index
      %get3A_1136 = tpu.vector_load %arg13[%get3A] {strides = array<i32>} : memref<512xf32, #tpu.memory_space<vmem>>, vector<16xf32>,
      %mul3A_1137 = arith.constant 16 : i32
      %mul3A_1138 = arith.muli %scan3A_1132, %mul3A_1137 : i32
      %add3A_1139 = arith.constant 6656 : i32
      %add3A_1140 = arith.addi %add3A_1139, %mul3A_1138 : i32
      %get3A_1141 = arith.index_cast %add3A_1140 : i32 to index
      %get3A_1142 = tpu.vector_load %arg10[%get3A_1141] {strides = array<i32>} : memref<13312xf32, #tpu.memory_space<vmem>>, vector<16xf32>,
      %add3A_1143 = arith.addf %get3A_1136, %get3A_1142 : vector<16xf32>
      %mul3A_1144 = arith.constant 16 : i32
      %mul3A_1145 = arith.muli %scan3A_1132, %mul3A_1144 : i32
      %add3A_1146 = arith.constant 7168 : i32
      %add3A_1147 = arith.addi %add3A_1146, %mul3A_1145 : i32
      %get3A_1148 = arith.index_cast %add3A_1147 : i32 to index
      %get3A_1149 = tpu.vector_load %arg10[%get3A_1148] {strides = array<i32>} : memref<13312xf32, #tpu.memory_space<vmem>>, vector<16xf32>,
      %add3A_1150 = arith.addf %add3A_1143, %get3A_1149 : vector<16xf32>
      %mul3A_1151 = arith.constant 16 : i32
      %mul3A_1152 = arith.muli %scan3A_1132, %mul3A_1151 : i32
      %add3A_1153 = arith.constant 7680 : i32
      %add3A_1154 = arith.addi %add3A_1153, %mul3A_1152 : i32
      %get3A_1155 = arith.index_cast %add3A_1154 : i32 to index
      %get3A_1156 = tpu.vector_load %arg10[%get3A_1155] {strides = array<i32>} : memref<13312xf32, #tpu.memory_space<vmem>>, vector<16xf32>,
      %add3A_1157 = arith.addf %add3A_1150, %get3A_1156 : vector<16xf32>
      %mul3A_1158 = arith.constant 16 : i32
      %mul3A_1159 = arith.muli %scan3A_1132, %mul3A_1158 : i32
      %add3A_1160 = arith.constant 8192 : i32
      %add3A_1161 = arith.addi %add3A_1160, %mul3A_1159 : i32
      %get3A_1162 = arith.index_cast %add3A_1161 : i32 to index
      %get3A_1163 = tpu.vector_load %arg10[%get3A_1162] {strides = array<i32>} : memref<13312xf32, #tpu.memory_space<vmem>>, vector<16xf32>,
      %add3A_1164 = arith.addf %add3A_1157, %get3A_1163 : vector<16xf32>
      %mul3A_1165 = arith.constant 16 : i32
      %mul3A_1166 = arith.muli %scan3A_1132, %mul3A_1165 : i32
      %add3A_1167 = arith.constant 8704 : i32
      %add3A_1168 = arith.addi %add3A_1167, %mul3A_1166 : i32
      %get3A_1169 = arith.index_cast %add3A_1168 : i32 to index
      %get3A_1170 = tpu.vector_load %arg10[%get3A_1169] {strides = array<i32>} : memref<13312xf32, #tpu.memory_space<vmem>>, vector<16xf32>,
      %add3A_1171 = arith.addf %add3A_1164, %get3A_1170 : vector<16xf32>
      %mul3A_1172 = arith.constant 16 : i32
      %mul3A_1173 = arith.muli %scan3A_1132, %mul3A_1172 : i32
      %add3A_1174 = arith.constant 9216 : i32
      %add3A_1175 = arith.addi %add3A_1174, %mul3A_1173 : i32
      %get3A_1176 = arith.index_cast %add3A_1175 : i32 to index
      %get3A_1177 = tpu.vector_load %arg10[%get3A_1176] {strides = array<i32>} : memref<13312xf32, #tpu.memory_space<vmem>>, vector<16xf32>,
      %add3A_1178 = arith.addf %add3A_1171, %get3A_1177 : vector<16xf32>
      %mul3A_1179 = arith.constant 16 : i32
      %mul3A_1180 = arith.muli %scan3A_1132, %mul3A_1179 : i32
      %add3A_1181 = arith.constant 9728 : i32
      %add3A_1182 = arith.addi %add3A_1181, %mul3A_1180 : i32
      %get3A_1183 = arith.index_cast %add3A_1182 : i32 to index
      %get3A_1184 = tpu.vector_load %arg10[%get3A_1183] {strides = array<i32>} : memref<13312xf32, #tpu.memory_space<vmem>>, vector<16xf32>,
      %add3A_1185 = arith.addf %add3A_1178, %get3A_1184 : vector<16xf32>
      %mul3A_1186 = arith.constant 16 : i32
      %mul3A_1187 = arith.muli %scan3A_1132, %mul3A_1186 : i32
      %add3A_1188 = arith.constant 10240 : i32
      %add3A_1189 = arith.addi %add3A_1188, %mul3A_1187 : i32
      %get3A_1190 = arith.index_cast %add3A_1189 : i32 to index
      %get3A_1191 = tpu.vector_load %arg10[%get3A_1190] {strides = array<i32>} : memref<13312xf32, #tpu.memory_space<vmem>>, vector<16xf32>,
      %add3A_1192 = arith.addf %add3A_1185, %get3A_1191 : vector<16xf32>
      %mul3A_1193 = arith.constant 16 : i32
      %mul3A_1194 = arith.muli %scan3A_1132, %mul3A_1193 : i32
      %add3A_1195 = arith.constant 10752 : i32
      %add3A_1196 = arith.addi %add3A_1195, %mul3A_1194 : i32
      %get3A_1197 = arith.index_cast %add3A_1196 : i32 to index
      %get3A_1198 = tpu.vector_load %arg10[%get3A_1197] {strides = array<i32>} : memref<13312xf32, #tpu.memory_space<vmem>>, vector<16xf32>,
      %add3A_1199 = arith.addf %add3A_1192, %get3A_1198 : vector<16xf32>
      %mul3A_1200 = arith.constant 16 : i32
      %mul3A_1201 = arith.muli %scan3A_1132, %mul3A_1200 : i32
      %add3A_1202 = arith.constant 11264 : i32
      %add3A_1203 = arith.addi %add3A_1202, %mul3A_1201 : i32
      %get3A_1204 = arith.index_cast %add3A_1203 : i32 to index
      %get3A_1205 = tpu.vector_load %arg10[%get3A_1204] {strides = array<i32>} : memref<13312xf32, #tpu.memory_space<vmem>>, vector<16xf32>,
      %add3A_1206 = arith.addf %add3A_1199, %get3A_1205 : vector<16xf32>
      %mul3A_1207 = arith.constant 16 : i32
      %mul3A_1208 = arith.muli %scan3A_1132, %mul3A_1207 : i32
      %add3A_1209 = arith.constant 11776 : i32
      %add3A_1210 = arith.addi %add3A_1209, %mul3A_1208 : i32
      %get3A_1211 = arith.index_cast %add3A_1210 : i32 to index
      %get3A_1212 = tpu.vector_load %arg10[%get3A_1211] {strides = array<i32>} : memref<13312xf32, #tpu.memory_space<vmem>>, vector<16xf32>,
      %add3A_1213 = arith.addf %add3A_1206, %get3A_1212 : vector<16xf32>
      %mul3A_1214 = arith.constant 16 : i32
      %mul3A_1215 = arith.muli %scan3A_1132, %mul3A_1214 : i32
      %add3A_1216 = arith.constant 12288 : i32
      %add3A_1217 = arith.addi %add3A_1216, %mul3A_1215 : i32
      %get3A_1218 = arith.index_cast %add3A_1217 : i32 to index
      %get3A_1219 = tpu.vector_load %arg10[%get3A_1218] {strides = array<i32>} : memref<13312xf32, #tpu.memory_space<vmem>>, vector<16xf32>,
      %add3A_1220 = arith.addf %add3A_1213, %get3A_1219 : vector<16xf32>
      %mul3A_1221 = arith.constant 16 : i32
      %mul3A_1222 = arith.muli %scan3A_1132, %mul3A_1221 : i32
      %add3A_1223 = arith.constant 12800 : i32
      %add3A_1224 = arith.addi %add3A_1223, %mul3A_1222 : i32
      %get3A_1225 = arith.index_cast %add3A_1224 : i32 to index
      %get3A_1226 = tpu.vector_load %arg10[%get3A_1225] {strides = array<i32>} : memref<13312xf32, #tpu.memory_space<vmem>>, vector<16xf32>,
      %add3A_1227 = arith.addf %add3A_1220, %get3A_1226 : vector<16xf32>
      %neg3A = arith.constant 0.000000e+00 : f32
      %neg3A_1228 = vector.broadcast %neg3A : f32 to vector<16xf32>
      %neg3A_1229 = arith.subf %neg3A_1228, %add3A_1227 : vector<16xf32>
      %exp3A = math.exp %neg3A_1229 : vector<16xf32>
      %add3A_1230 = arith.constant 1.000000e+00 : f32
      %add3A_1231 = vector.broadcast %add3A_1230 : f32 to vector<16xf32>
      %add3A_1232 = arith.addf %add3A_1231, %exp3A : vector<16xf32>
      %div3A = arith.constant 1.000000e+00 : f32
      %div3A_1233 = vector.broadcast %div3A : f32 to vector<16xf32>
      %div3A_1234 = arith.divf %div3A_1233, %add3A_1232 : vector<16xf32>
      %mul3A_1235 = arith.constant 16 : i32
      %mul3A_1236 = arith.muli %scan3A_1132, %mul3A_1235 : i32
      %swap3A = arith.index_cast %mul3A_1236 : i32 to index
      %swap3A_1237 = tpu.vector_load %arg14[%swap3A] {strides = array<i32>} : memref<512xf32, #tpu.memory_space<vmem>>, vector<16xf32>,
      tpu.vector_store %arg14[%swap3A], %div3A_1234 {strides = array<i32>} : memref<512xf32, #tpu.memory_space<vmem>>, vector<16xf32>,
      %scan3A_1238 = arith.constant 0 : i32
      scf.yield %scan3A_1238 : i32
    }
    %scan3A_1131 = arith.constant 32 : i32
    "tpu.region"() ({
      %run_scoped3A = tpu.sem_alloc : memref<!tpu.dma_semaphore, #tpu.memory_space<semaphore_mem>>
      %dma_start3A_1132 = tpu.memref_slice %arg7[%mul3A_2] : memref<16384xf32, #tpu.memory_space<hbm>> -> memref<512xf32, #tpu.memory_space<hbm>>
      %dma_start3A_1133 = tpu.memref_slice %arg7[%mul3A_2] : memref<16384xf32, #tpu.memory_space<hbm>> -> memref<512xf32, #tpu.memory_space<hbm>>
      tpu.enqueue_dma source(%arg14 : memref<512xf32, #tpu.memory_space<vmem>>) target(%dma_start3A_1133 : memref<512xf32, #tpu.memory_space<hbm>>) target_semaphore(%run_scoped3A : memref<!tpu.dma_semaphore, #tpu.memory_space<semaphore_mem>>)
      %dma_wait3A_1134 = tpu.memref_slice %arg7[%mul3A_2] : memref<16384xf32, #tpu.memory_space<hbm>> -> memref<512xf32, #tpu.memory_space<hbm>>
      %dma_wait3A_1135 = tpu.memref_slice %arg7[%mul3A_2] : memref<16384xf32, #tpu.memory_space<hbm>> -> memref<512xf32, #tpu.memory_space<hbm>>
      tpu.wait_dma2 semaphore(%run_scoped3A : memref<!tpu.dma_semaphore, #tpu.memory_space<semaphore_mem>>) src(%arg14 : memref<512xf32, #tpu.memory_space<vmem>>) dst(%dma_wait3A_1135 : memref<512xf32, #tpu.memory_space<hbm>>)
      tpu.yield
    }) : () -> ()
    return
  }
}

</mosaic_0001>

<sc_bundles>
// kernel: kernel.3.cloned.1.call-start
scs
__scs_entry_jumppad:
0x0: {  	(pc) =	sbr.rel $0x88, $3  }
0x1: {  	(tag) =	ssettag $0x0;
	lr =	simm.s32 $0x1  }
0x2: {  	[smem:$0x3F9C] =	sst lr;
	_ =	strace $0xD0000000  }
0x3: {  	_ = 	snop  }
0x4: {  	_ = 	snop  }
0x5: {  	_ = 	snop  }
0x6: {  	_ = 	snop  }
0x7: {  	_ = 	snop  }
__scs_overlays_trampoline_lowered:
0x8: {  	[smem:$0x3FAB] =	sst s0  }
0x9: {  	[smem:$0x3FAC] =	sst s1  }
0xa: {  	[smem:$0x3FAD] =	sst s2  }
0xb: {  	[smem:$0x3FAE] =	sst s3  }
0xc: {  	[smem:$0x3FAF] =	sst s4  }
0xd: {  	[smem:$0x3FB0] =	sst s5  }
0xe: {  	[smem:$0x3FB1] =	sst s6  }
0xf: {  	[smem:$0x3FB2] =	sst s7  }
0x10: {  	[smem:$0x3FB3] =	sst s8  }
0x11: {  	[smem:$0x3FB4] =	sst s9;
	s0 =	simm.s32 @!p0 $0x0  }
0x12: {  	s1 =	sld [smem:$0x3F9A];
	s0 =	simm.s32 @p0 $0x1  }
0x13: {  	[smem:$0x3FB5] =	sst s0;
	s0 =	simm.s32 @!p1 $0x0  }
0x14: {  	s2 =	sld [smem:$0x3F99];
	s0 =	simm.s32 @p1 $0x1  }
0x15: {  	[smem:$0x3FB6] =	sst s0;
	s0 =	simm.s32 @!p2 $0x0  }
0x16: {  	s3 =	sld [smem:$0x3FDB];
	s0 =	simm.s32 @p2 $0x1  }
0x17: {  	s4 =	simm.s32 $0x1BF5;
	[smem:$0x3FB8] =	sst s0  }
0x18: {  	s0 =	sld [smem:$0x3F9B];
	_ =	swait.ge [sflag:s4], $0x0  }
0x19: {  	s7 =	sld [smem:$0x3F9C]  }
0x1a: {  	s8 =	sadd.s32 $0xFFFFE003, lr  }
0x1b: {  	s9 =	sadd.s32 $0xFFFFFEF7, lr;
	s5 =	simm.s32 $0xFFFFFFFF;
	p2 =	slt.u32 s8, $0xFFFFF086  }
0x1c: {  	p1 =	slt.u32 s9, $0xF7A;
	s5 =	simm.s32 @!p2 $0x0  }
0x1d: {  	s5 =	simm.s32 @p1 $0x1;
	p0 =	seq.s32 s7, s2  }
0x1e: {  	s7 =	smul.u32 @!p0 $0xF7A, s2;
	p2 =	seq.s32 @!p0 s5, $0x0  }
0x1f: {  	s9 =	smul.u32 $0xF7A, s1;
	s8 =	simm.s32 @!p0 $0x1BF5;
	p2 =	por !p2, p0  }
0x20: {  	[sflag:s8] =	ssyncset.s32 @!p0 $0xFFFFF086;
	s6 =	sadd.s32 @!p0 s3, s7;
	s7 =	simm.s32 @!p0 $0x108  }
0x21: {  	s3 =	sadd.s32 s3, s9;
	s6 =	sadd.s32 @!p0 $0x88, s6;
	s7 =	simm.s32 @p2 $0x1082  }
0x22: {  	[simem:s7], [sflag:s8] =	dma.local @!p0 [hbm:s6], $0xF7A  }
0x23: {  	s9 =	sor.u32 $0xD0000000, s2;
	s6 =	simm.s32 $0x108;
	_ =	swait.ge @!p0 [sflag:s8], $0x0  }
0x24: {  	s3 =	sadd.s32 $0x88, s3;
	s6 =	simm.s32 @!p1 $0x1082;
	[sflag:s4] =	ssyncset.s32 $0xFFFFF086  }
0x25: {  	[simem:s6], [sflag:s4] =	dma.local [hbm:s3], $0xF7A  }
0x26: {  	[smem:$0x3F9C] =	sst s1;
	(tag) =	ssettag s2;
	_ =	strace s9  }
0x27: {  	s1 =	sld [smem:$0x3FAC]  }
0x28: {  	s2 =	sld [smem:$0x3FAD]  }
0x29: {  	s4 =	sld [smem:$0x3FAF]  }
0x2a: {  	p0 =	seq.s32 s5, $0x0;
	s5 =	sld [smem:$0x3FB0]  }
0x2b: {  	s6 =	sld [smem:$0x3FB1]  }
0x2c: {  	s7 =	sld [smem:$0x3FB2]  }
0x2d: {  	s3 =	simm.s32 $0x108;
	s8 =	sld [smem:$0x3FB3]  }
0x2e: {  	s3 =	simm.s32 @!p0 $0x1082;
	s9 =	sld [smem:$0x3FB4]  }
0x2f: {  	lr =	sadd.s32 s0, s3;
	s0 =	sld [smem:$0x3FAB]  }
0x30: {  	s3 =	sld [smem:$0x3FAE]  }
0x31: {  	[smem:$0x3FB7] =	sst s10  }
0x32: {  	s10 =	sld [smem:$0x3FB5];
	_ =	sdelay $0x3  }
0x33: {  	p0 =	seq.s32 s10, $0x1;
	s10 =	sld [smem:$0x3FB7];
	_ =	sdelay $0x3  }
0x34: {  	[smem:$0x3FB7] =	sst s10  }
0x35: {  	s10 =	sld [smem:$0x3FB6];
	_ =	sdelay $0x3  }
0x36: {  	p1 =	seq.s32 s10, $0x1;
	s10 =	sld [smem:$0x3FB7];
	_ =	sdelay $0x3  }
0x37: {  	[smem:$0x3FB7] =	sst s10  }
0x38: {  	s10 =	sld [smem:$0x3FB8]  }
0x39: {  	_ = 	snop;
	(pc) =	sbr.ind lr, $3  }
0x3a: {  	_ = 	snop  }
0x3b: {  	_ = 	snop  }
0x3c: {  	p2 =	seq.s32 s10, $0x1;
	s10 =	sld [smem:$0x3FB7]  }
0x3d: {  	_ =	shalt  }
0x3e: {  	_ =	shalt  }
0x3f: {  	_ =	shalt  }
0x40: {  	_ =	shalt  }
0x41: {  	_ =	shalt  }
0x42: {  	_ =	shalt  }
0x43: {  	_ =	shalt  }
0x44: {  	_ =	shalt  }
0x45: {  	_ =	shalt  }
0x46: {  	_ =	shalt  }
0x47: {  	_ =	shalt  }
0x48: {  	_ =	shalt  }
0x49: {  	_ =	shalt  }
0x4a: {  	_ =	shalt  }
0x4b: {  	_ =	shalt  }
0x4c: {  	_ =	shalt  }
0x4d: {  	_ =	shalt  }
0x4e: {  	_ =	shalt  }
0x4f: {  	_ =	shalt  }
0x50: {  	_ =	shalt  }
0x51: {  	_ =	shalt  }
0x52: {  	_ =	shalt  }
0x53: {  	_ =	shalt  }
0x54: {  	_ =	shalt  }
0x55: {  	_ =	shalt  }
0x56: {  	_ =	shalt  }
0x57: {  	_ =	shalt  }
0x58: {  	_ =	shalt  }
0x59: {  	_ =	shalt  }
0x5a: {  	_ =	shalt  }
0x5b: {  	_ =	shalt  }
0x5c: {  	_ =	shalt  }
0x5d: {  	_ =	shalt  }
0x5e: {  	_ =	shalt  }
0x5f: {  	_ =	shalt  }
0x60: {  	_ =	shalt  }
0x61: {  	_ =	shalt  }
0x62: {  	_ =	shalt  }
0x63: {  	_ =	shalt  }
0x64: {  	_ =	shalt  }
0x65: {  	_ =	shalt  }
0x66: {  	_ =	shalt  }
0x67: {  	_ =	shalt  }
0x68: {  	_ =	shalt  }
0x69: {  	_ =	shalt  }
0x6a: {  	_ =	shalt  }
0x6b: {  	_ =	shalt  }
0x6c: {  	_ =	shalt  }
0x6d: {  	_ =	shalt  }
0x6e: {  	_ =	shalt  }
0x6f: {  	_ =	shalt  }
0x70: {  	_ =	shalt  }
0x71: {  	_ =	shalt  }
0x72: {  	_ =	shalt  }
0x73: {  	_ =	shalt  }
0x74: {  	_ =	shalt  }
0x75: {  	_ =	shalt  }
0x76: {  	_ =	shalt  }
0x77: {  	_ =	shalt  }
0x78: {  	_ =	shalt  }
0x79: {  	_ =	shalt  }
0x7a: {  	_ =	shalt  }
0x7b: {  	_ =	shalt  }
0x7c: {  	_ =	shalt  }
0x7d: {  	_ =	shalt  }
0x7e: {  	_ =	shalt  }
0x7f: {  	_ =	shalt  }
0x80: {  	_ =	shalt  }
0x81: {  	_ =	shalt  }
0x82: {  	_ =	shalt  }
0x83: {  	_ =	shalt  }
0x84: {  	_ =	shalt  }
0x85: {  	_ =	shalt  }
0x86: {  	_ =	shalt  }
0x87: {  	_ =	shalt  }
.Lfunc_end0:
.L_simem_size_0:
called_computation_lowered:
.L_overlay_start_0:
0x88: {  	s2 =	sld [smem:$0x3FD9]  }
0x89: {  	s3 =	sld [smem:$0x3FFE];
	_ =	sdelay $0x1  }
0x8a: {  	s1 =	srdreg.scid  }
0x8b: {  	s0 =	sand.u32 $0x1, s1  }
0x8c: {  	s17 =	sshll.u32 s0, $0xA;
	s2 =	sadd.s32 s3, s2  }
0x8d: {  	s2 =	sadd.s32 s2, s17  }
0x8e: {  	[smem:$0x3FC3] =	sst s2  }
0x8f: {  	_ = 	snop  }
0x90: {  	s2 =	sld [smem:$0x3FC7]  }
0x91: {  	s18 =	sld [smem:$0x3FD0];
	(tm) =	ssettm $0x1  }
0x92: {  	s4 =	sld [smem:$0x3FFB];
	_ =	sdelay $0x3  }
0x93: {  	_ =	strace s4  }
0x94: {  	s4 =	sld [smem:$0x3FFC];
	_ =	sdelay $0x3  }
0x95: {  	_ =	strace s4  }
0x96: {  	s4 =	sld [smem:$0x3FFD];
	_ =	sdelay $0x3  }
0x97: {  	_ =	strace s4  }
0x98: {  	_ =	strace $0x8FFFFFFF  }
0x99: {  	s19 =	sld [smem:$0x3FDB];
	_ =	sdelay $0x1  }
0x9a: {  	s5 =	simm.s32 $_scs_section_size  }
0x9b: {  	s6 =	simm.s32 $_size__tile_overlayer_lowered;
	s7 =	simm.s32 $_tile_overlayer_lowered  }
0x9c: {  	s22 =	simm.s32 $0x1BFF;
	s21 =	sshll.u32 s7, $0x1;
	s4 =	sadd.s32 s5, s19  }
0x9d: {  	s8 =	simm.s32 $0x0;
	s20 =	sshll.u32 s6, $0x1;
	s6 =	sadd.s32 s21, s4  }
0x9e: {  	[timem:s8], [sflag:s22] =	dma.local [hbm:s6], s20  }
0x9f: {  	_ =	swait.ge [sflag:s22], s20  }
0xa0: {  	s5 =	ssub.s32 $0x0, s20;
	[sflag:s22] =	ssyncset.done $0x0  }
0xa1: {  	[sflag:s22] =	ssyncadd.s32 s5;
	_ =	sdelay $0x1  }
0xa2: {  	s23 =	simm.s32 $0x1B8B  }
0xa3: {  	_ =	swait.ge [sflag:s23], $0x1  }
0xa4: {  	[sflag:s23] =	ssyncset.done $0x0  }
0xa5: {  	s25 =	simm.s32 $0x1B8E;
	s24 =	sld [smem:$0x3FFE];
	[sflag:s23] =	ssyncadd.s32 $0xFFFFFFFF  }
0xa6: {  	s26 =	simm.s32 $execute0_lowered;
	[smem:$0x3FD2] =	sst s25  }
0xa7: {  	s6 =	sshll.u32 s26, $0x1;
	_ =	strace $0x80000046;
	[dreg:$0x1] =	wrdreg $0xFFFFFFFF  }
0xa8: {  	s28 =	simm.s32 $_size_execute0_lowered;
	s4 =	sadd.s32 s4, s6;
	[dreg:$0x0] =	wrdreg $0x0  }
0xa9: {  	s6 =	sshll.u32 s28, $0x1;
	[dreg:$0x2] =	wrdreg s4  }
0xaa: {  	[dreg:$0x3] =	wrdreg s6  }
0xab: {  	[dreg:$0x4] =	wrdreg $0xC0  }
0xac: {  	_ =	task [dreg:s8], $0x5FFFF  }
0xad: {  	[dreg:$0x1] =	wrdreg $0xFFFFFFFF  }
0xae: {  	[dreg:$0x0] =	wrdreg $0x60  }
0xaf: {  	[dreg:$0x2] =	wrdreg s24  }
0xb0: {  	[dreg:$0x3] =	wrdreg s2  }
0xb1: {  	[dreg:$0x4] =	wrdreg s18  }
0xb2: {  	[dreg:$0x5] =	wrdreg $0x9  }
0xb3: {  	_ =	task.clear_ibuf [dreg:s8], $0x6FFFF;
	_ =	strace $0x90000046  }
0xb4: {  	s29 =	simm.s32 $0x9;
	_ =	strace $0x80000048  }
0xb5: {  	_ =	swait.ge [sflag:s29], $0x1  }
0xb6: {  	[sflag:s29] =	ssyncadd.s32 $0xFFFFFFFF  }
0xb7: {  	_ =	strace $0x90000048  }
0xb8: {  	_ =	sfence  }
0xb9: {  	s30 =	sld [smem:$0x0];
	_ =	sdelay $0x2  }
0xba: {  	s31 =	sshll.u32 s1, $0xD;
	s1 =	sshrl.u32 s1, $0x2  }
0xbb: {  	s3 =	sand.u32 $0x4000, s31;
	s1 =	sadd.s32 s1, s30  }
0xbc: {  	s0 =	sor.u32 s3, s0;
	s1 =	sshll.u32 s1, $0x11  }
0xbd: {  	s0 =	sor.u32 s1, s0  }
0xbe: {  	s0 =	sadd.s32 $0x8F2B, s0  }
0xbf: {  	[sflag:s0] =	ssyncadd.remote.s32 $0x1  }
0xc0: {  	_ =	sfence.sel $0xFFFF  }
0xc1: {  	[dreg:$0x0] =	wrdreg $0xFFFFFFFF;
	(pc) =	sbr.abs _section_cstart, $3  }
0xc2: {  	[dreg:$0x1] =	wrdreg $0xFFFFFFFF  }
0xc3: {  	_ =	task.clear_ibuf [dreg:s8], $0x2FFFF;
	_ =	strace $0x9FFFFFFF  }
0xc4: {  	(tm) =	ssettm $0x7FFFFFFF  }
0xc5: {  	_ =	shalt  }
tec
execute0_lowered:
.L_overlay_start_1:
0x0: {  	(tag) =	ssettag $0x1  }
0x1: {  	s2 =	srdreg.scid  }
0x2: {  	s0 =	rddreg [dreg:$0x0];
	s5 =	stileid.u32;
	s2 =	sand.u32 $0x1, s2  }
0x3: {  	s5 =	sshll.u32 s5, $0x7;
	s4 =	ssub.s32 $0x2, s2;
	s2 =	sshll.u32 s2, $0x6  }
0x4: {  	s1 =	simm.s32 $0x0;
	s7 =	sshrl.u32 s4, $0x1;
	s5 =	sor.u32 s2, s5  }
0x5: {  	s3 =	sadd.s32 $0x6E00, s0;
	s4 =	ssub.s32 s4, s7;
	s7 =	sor.u32 $0x800, s5  }
0x6: {  	[smem:$0x7FF] =	sst s1;
	s9 =	sor.u32 $0x1800, s5;
	s8 =	sadd.s32 s3, s7  }
0x7: {  	s20 =	sor.u32 $0x2000, s5;
	s19 =	sadd.s32 s3, s9;
	[dreg:$0x4] =	wrdreg s8  }
0x8: {  	s21 =	sor.u32 $0x2800, s5;
	s11 =	sadd.s32 s3, s20;
	[dreg:$0x6] =	wrdreg s19  }
0x9: {  	s12 =	sor.u32 $0x3000, s5;
	s13 =	sadd.s32 s3, s21;
	[dreg:$0x7] =	wrdreg s11  }
0xa: {  	s23 =	sor.u32 $0x3800, s5;
	s22 =	sadd.s32 s3, s12;
	[dreg:$0x8] =	wrdreg s13  }
0xb: {  	s24 =	sor.u32 $0x4000, s5;
	s14 =	sadd.s32 s3, s23;
	[dreg:$0x9] =	wrdreg s22  }
0xc: {  	s15 =	sor.u32 $0x4800, s5;
	s16 =	sadd.s32 s3, s24;
	[dreg:$0xa] =	wrdreg s14  }
0xd: {  	s26 =	sor.u32 $0x5000, s5;
	s25 =	sadd.s32 s3, s15;
	[dreg:$0xb] =	wrdreg s16  }
0xe: {  	s6 =	sadd.s32 $0x600, s0;
	s17 =	sadd.s32 s3, s26;
	[dreg:$0xc] =	wrdreg s25  }
0xf: {  	s7 =	sadd.s32 s6, s7;
	[dreg:$0xd] =	wrdreg s17  }
0x10: {  	s20 =	sadd.s32 s6, s20;
	[dreg:$0x10] =	wrdreg s7  }
0x11: {  	s21 =	sadd.s32 s6, s21;
	[dreg:$0x13] =	wrdreg s20  }
0x12: {  	s23 =	sadd.s32 s6, s23;
	[dreg:$0x14] =	wrdreg s21  }
0x13: {  	s24 =	sadd.s32 s6, s24;
	[dreg:$0x16] =	wrdreg s23  }
0x14: {  	[dreg:$0x17] =	wrdreg s24  }
0x15: {  	s26 =	sadd.s32 s6, s26;
	s7 =	rddreg [dreg:$0x1]  }
0x16: {  	s22 =	sadd.s32 s6, s12;
	[dreg:$0x19] =	wrdreg s26  }
0x17: {  	s8 =	sor.u32 $0x1000, s5;
	s25 =	sadd.s32 s6, s15;
	[dreg:$0x15] =	wrdreg s22  }
0x18: {  	s17 =	sor.u32 $0x5800, s5;
	s10 =	sadd.s32 s3, s8;
	[dreg:$0x18] =	wrdreg s25  }
0x19: {  	s18 =	sor.u32 $0x6000, s5;
	s19 =	sadd.s32 s3, s17;
	[dreg:$0x5] =	wrdreg s10  }
0x1a: {  	s2 =	sadd.s32 s3, s5;
	s3 =	sadd.s32 s3, s18;
	[dreg:$0xe] =	wrdreg s19  }
0x1b: {  	s8 =	sadd.s32 s6, s8;
	[dreg:$0xf] =	wrdreg s3  }
0x1c: {  	[dreg:$0x11] =	wrdreg s8  }
0x1d: {  	s19 =	sadd.s32 s6, s9;
	s9 =	rddreg [dreg:$0x2]  }
0x1e: {  	s8 =	sadd.s32 s6, s17;
	[dreg:$0x12] =	wrdreg s19  }
0x1f: {  	s10 =	sadd.s32 s6, s18;
	[dreg:$0x1a] =	wrdreg s8  }
0x20: {  	s6 =	sadd.s32 s6, s5;
	[dreg:$0x1b] =	wrdreg s10  }
0x21: {  	[dreg:$0x1c] =	wrdreg s6;
	s3 =	sadd.s32 s9, s5  }
0x22: {  	s11 =	sadd.s32 $0x400, s0;
	[dreg:$0x1d] =	wrdreg s3  }
0x23: {  	s0 =	sadd.s32 $0x13E00, s0;
	_ =	strace $0x80000047;
	[dreg:$0x1e] =	wrdreg s11  }
0x24: {  	s12 =	smax.u32 s4, $0x1;
	[dreg:$0x1f] =	wrdreg s0  }
0x25: {  	s13 =	sadd.s32 $0x6800, s2;
	[smem:$0x7D6] =	sst s12  }
0x26: {  	s14 =	sadd.s32 $0x7000, s2;
	[smem:$0x7D7] =	sst s13  }
0x27: {  	s15 =	sadd.s32 $0x7800, s2;
	[smem:$0x7D8] =	sst s14  }
0x28: {  	s16 =	sadd.s32 $0x8000, s2;
	[smem:$0x7D9] =	sst s15  }
0x29: {  	s17 =	sadd.s32 $0x8800, s2;
	[smem:$0x7DA] =	sst s16  }
0x2a: {  	s18 =	sadd.s32 $0x9000, s2;
	[smem:$0x7DB] =	sst s17  }
0x2b: {  	s19 =	sadd.s32 $0x9800, s2;
	[smem:$0x7DC] =	sst s18  }
0x2c: {  	s20 =	sadd.s32 $0xA000, s2;
	[smem:$0x7DD] =	sst s19  }
0x2d: {  	s21 =	sadd.s32 $0xA800, s2;
	[smem:$0x7DE] =	sst s20  }
0x2e: {  	s22 =	sadd.s32 $0xB000, s2;
	[smem:$0x7DF] =	sst s21  }
0x2f: {  	s23 =	sadd.s32 $0xB800, s2;
	[smem:$0x7E0] =	sst s22  }
0x30: {  	s24 =	sadd.s32 $0xC000, s2;
	[smem:$0x7E1] =	sst s23  }
0x31: {  	[smem:$0x7E2] =	sst s24  }
0x32: {  	s25 =	sadd.s32 $0xC800, s2;
	[smem:$0x7E3] =	sst s2  }
0x33: {  	s26 =	sadd.s32 $0x30E0, s7;
	[smem:$0x7E4] =	sst s25  }
0x34: {  	s3 =	sadd.s32 $0x92A0, s7;
	[smem:$0x7E5] =	sst s26  }
0x35: {  	s4 =	sadd.s32 $0xC380, s7;
	[smem:$0x7E7] =	sst s3  }
0x36: {  	s5 =	sadd.s32 $0xF460, s7;
	[smem:$0x7E8] =	sst s4  }
0x37: {  	s6 =	sadd.s32 $0x12540, s7;
	[smem:$0x7E9] =	sst s5  }
0x38: {  	s8 =	sadd.s32 $0x15620, s7;
	[smem:$0x7EA] =	sst s6  }
0x39: {  	s9 =	sadd.s32 $0x18700, s7;
	[smem:$0x7EB] =	sst s8  }
0x3a: {  	s10 =	sadd.s32 $0x1B7E0, s7;
	[smem:$0x7EC] =	sst s9  }
0x3b: {  	s2 =	sadd.s32 $0x61C0, s7;
	[smem:$0x7ED] =	sst s10  }
0x3c: {  	s11 =	sadd.s32 $0x1E8C0, s7;
	[smem:$0x7E6] =	sst s2  }
0x3d: {  	s12 =	sadd.s32 $0x219A0, s7;
	[smem:$0x7EE] =	sst s11  }
0x3e: {  	s13 =	sadd.s32 $0x24A80, s7;
	[smem:$0x7EF] =	sst s12  }
0x3f: {  	s14 =	sadd.s32 $0x27B60, s7;
	[smem:$0x7F0] =	sst s13  }
0x40: {  	s15 =	sadd.s32 $0x2AC40, s7;
	[smem:$0x7F1] =	sst s14  }
0x41: {  	s16 =	sadd.s32 $0x2DD20, s7;
	[smem:$0x7F2] =	sst s15  }
0x42: {  	s17 =	sadd.s32 $0x30E00, s7;
	[smem:$0x7F3] =	sst s16  }
0x43: {  	s18 =	sadd.s32 $0x33EE0, s7;
	[smem:$0x7F4] =	sst s17  }
0x44: {  	s28 =	simm.s32 $0x1400;
	s19 =	sadd.s32 $0x36FC0, s7;
	[smem:$0x7F5] =	sst s18  }
0x45: {  	s29 =	simm.s32 $0x1600;
	s20 =	sadd.s32 $0x3A0A0, s7;
	[smem:$0x7F6] =	sst s19  }
0x46: {  	s30 =	simm.s32 $0x1800;
	s21 =	sadd.s32 $0x3D180, s7;
	[smem:$0x7F7] =	sst s20  }
0x47: {  	s31 =	simm.s32 $0x1A00;
	s22 =	sadd.s32 $0x40260, s7;
	[smem:$0x7F8] =	sst s21  }
0x48: {  	s23 =	sadd.s32 $0x43340, s7;
	s24 =	sadd.s32 $0x46420, s7;
	[smem:$0x7F9] =	sst s22  }
0x49: {  	s25 =	sadd.s32 $0x49500, s7;
	s26 =	sadd.s32 $0x4C5E0, s7;
	[smem:$0x7FA] =	sst s23  }
0x4a: {  	s5 =	simm.s32 $0x2;
	s6 =	simm.s32 $0x3;
	[smem:$0x7FB] =	sst s24  }
0x4b: {  	s7 =	simm.s32 $0x5;
	s0 =	simm.s32 $0x0;
	[smem:$0x7FC] =	sst s25  }
0x4c: {  	s10 =	simm.s32 $0xA00;
	s4 =	simm.s32 $0x2E00;
	[smem:$0x7FD] =	sst s26  }
0x4d: {  	s2 =	simm.s32 $0x200;
	s17 =	simm.s32 $0x1;
	s18 =	simm.s32 $0x4  }
0x4e: {  	s22 =	simm.s32 $0xC00;
	s11 =	simm.s32 $0xE00;
	s23 =	simm.s32 $0x1000  }
0x4f: {  	s26 =	simm.s32 $0x1200;
	s24 =	simm.s32 $0x1C00;
	s13 =	simm.s32 $0x1E00  }
0x50: {  	s14 =	simm.s32 $0x2200;
	s25 =	simm.s32 $0x2400;
	s15 =	simm.s32 $0x2600  }
0x51: {  	s16 =	simm.s32 $0x2A00;
	s19 =	simm.s32 $0x3000;
	s12 =	simm.s32 $0x6  }
.LBB2_1:
0x52: {  	s9 =	sld [smem:$0x7E3]  }
0x53: {  	[smem:$0x7D5] =	sst s0  }
0x54: {  	s8 =	rddreg [dreg:$0x4]  }
0x55: {  	[tilespmem:s1], [sflag:$0x1] =	stream.linear.gather [hbm4b:s9+s1], $0x200, $0x38;
	[tilespmem:$0x8780] =	vst v63  }
0x56: {  	s20 =	rddreg [dreg:$0x5]  }
0x57: {  	[tilespmem:s2], [sflag:$0x1] =	stream.linear.gather [hbm4b:s8+s1], $0x200, $0x38;
	[tilespmem:$0x8780] =	vst v63  }
0x58: {  	s21 =	rddreg [dreg:$0x6];
	s9 =	simm.s32 $0x400  }
0x59: {  	[tilespmem:s9], [sflag:$0x1] =	stream.linear.gather [hbm4b:s20+s1], $0x200, $0x38;
	[tilespmem:$0x8780] =	vst v63  }
0x5a: {  	s0 =	rddreg [dreg:$0x7];
	s20 =	simm.s32 $0x600  }
0x5b: {  	[tilespmem:s20], [sflag:$0x1] =	stream.linear.gather [hbm4b:s21+s1], $0x200, $0x38;
	[tilespmem:$0x8780] =	vst v63  }
0x5c: {  	s3 =	rddreg [dreg:$0x8];
	s21 =	simm.s32 $0x800  }
0x5d: {  	[tilespmem:s21], [sflag:$0x1] =	stream.linear.gather [hbm4b:s0+s1], $0x200, $0x38;
	[tilespmem:$0x8780] =	vst v63  }
0x5e: {  	s0 =	rddreg [dreg:$0x9]  }
0x5f: {  	[tilespmem:s10], [sflag:$0x1] =	stream.linear.gather [hbm4b:s3+s1], $0x200, $0x38;
	[tilespmem:$0x8780] =	vst v63  }
0x60: {  	s3 =	rddreg [dreg:$0xa]  }
0x61: {  	[tilespmem:s22], [sflag:$0x1] =	stream.linear.gather [hbm4b:s0+s1], $0x200, $0x38;
	[tilespmem:$0x8780] =	vst v63  }
0x62: {  	s0 =	rddreg [dreg:$0xb]  }
0x63: {  	[tilespmem:s11], [sflag:$0x1] =	stream.linear.gather [hbm4b:s3+s1], $0x200, $0x38;
	[tilespmem:$0x8780] =	vst v63  }
0x64: {  	s3 =	rddreg [dreg:$0xc]  }
0x65: {  	[tilespmem:s23], [sflag:$0x1] =	stream.linear.gather [hbm4b:s0+s1], $0x200, $0x38;
	[tilespmem:$0x8780] =	vst v63  }
0x66: {  	s0 =	rddreg [dreg:$0xd]  }
0x67: {  	[tilespmem:s26], [sflag:$0x1] =	stream.linear.gather [hbm4b:s3+s1], $0x200, $0x38;
	[tilespmem:$0x8780] =	vst v63  }
0x68: {  	s3 =	rddreg [dreg:$0xe]  }
0x69: {  	[tilespmem:s28], [sflag:$0x1] =	stream.linear.gather [hbm4b:s0+s1], $0x200, $0x38;
	[tilespmem:$0x8780] =	vst v63  }
0x6a: {  	s0 =	rddreg [dreg:$0xf]  }
0x6b: {  	[tilespmem:s29], [sflag:$0x1] =	stream.linear.gather [hbm4b:s3+s1], $0x200, $0x38;
	[tilespmem:$0x8780] =	vst v63  }
0x6c: {  	s3 =	sld [smem:$0x7D7]  }
0x6d: {  	[tilespmem:s30], [sflag:$0x1] =	stream.linear.gather [hbm4b:s0+s1], $0x200, $0x38;
	[tilespmem:$0x8780] =	vst v63  }
0x6e: {  	s0 =	sld [smem:$0x7D8]  }
0x6f: {  	[tilespmem:s31], [sflag:$0x2] =	stream.linear.gather [hbm4b:s3+s1], $0x200, $0x38;
	[tilespmem:$0x8780] =	vst v63  }
0x70: {  	s3 =	sld [smem:$0x7D9]  }
0x71: {  	[tilespmem:s24], [sflag:$0x2] =	stream.linear.gather [hbm4b:s0+s1], $0x200, $0x38;
	[tilespmem:$0x8780] =	vst v63  }
0x72: {  	s0 =	sld [smem:$0x7DA]  }
0x73: {  	[tilespmem:s13], [sflag:$0x2] =	stream.linear.gather [hbm4b:s3+s1], $0x200, $0x38;
	[tilespmem:$0x8780] =	vst v63  }
0x74: {  	s3 =	simm.s32 $0x2000  }
0x75: {  	[tilespmem:s3], [sflag:$0x2] =	stream.linear.gather [hbm4b:s0+s1], $0x200, $0x38;
	[tilespmem:$0x8780] =	vst v63  }
0x76: {  	s3 =	sld [smem:$0x7DB];
	_ =	sdelay $0x1  }
0x77: {  	s0 =	sld [smem:$0x7DC]  }
0x78: {  	[tilespmem:s14], [sflag:$0x2] =	stream.linear.gather [hbm4b:s3+s1], $0x200, $0x38;
	[tilespmem:$0x8780] =	vst v63  }
0x79: {  	s3 =	sld [smem:$0x7DD]  }
0x7a: {  	[tilespmem:s25], [sflag:$0x2] =	stream.linear.gather [hbm4b:s0+s1], $0x200, $0x38;
	[tilespmem:$0x8780] =	vst v63  }
0x7b: {  	s0 =	sld [smem:$0x7DE]  }
0x7c: {  	[tilespmem:s15], [sflag:$0x2] =	stream.linear.gather [hbm4b:s3+s1], $0x200, $0x38;
	[tilespmem:$0x8780] =	vst v63  }
0x7d: {  	s3 =	simm.s32 $0x2800  }
0x7e: {  	[tilespmem:s3], [sflag:$0x2] =	stream.linear.gather [hbm4b:s0+s1], $0x200, $0x38;
	[tilespmem:$0x8780] =	vst v63  }
0x7f: {  	s0 =	sld [smem:$0x7DF];
	_ =	sdelay $0x1  }
0x80: {  	s8 =	sld [smem:$0x7E0]  }
0x81: {  	[tilespmem:s16], [sflag:$0x2] =	stream.linear.gather [hbm4b:s0+s1], $0x200, $0x38;
	[tilespmem:$0x8780] =	vst v63  }
0x82: {  	s0 =	simm.s32 $0x2C00  }
0x83: {  	[tilespmem:s0], [sflag:$0x2] =	stream.linear.gather [hbm4b:s8+s1], $0x200, $0x38;
	[tilespmem:$0x8780] =	vst v63  }
0x84: {  	s0 =	sld [smem:$0x7E1];
	_ =	sdelay $0x2  }
0x85: {  	[tilespmem:s4], [sflag:$0x2] =	stream.linear.gather [hbm4b:s0+s1], $0x200, $0x38;
	[tilespmem:$0x8780] =	vst v63  }
0x86: {  	s0 =	sld [smem:$0x7E2];
	_ =	sdelay $0x1  }
0x87: {  	s8 =	sld [smem:$0x7E4]  }
0x88: {  	[tilespmem:s19], [sflag:$0x2] =	stream.linear.gather [hbm4b:s0+s1], $0x200, $0x38;
	[tilespmem:$0x8780] =	vst v63  }
0x89: {  	s0 =	simm.s32 $0x3200  }
0x8a: {  	[tilespmem:s0], [sflag:$0x2] =	stream.linear.gather [hbm4b:s8+s1], $0x200, $0x38;
	[tilespmem:$0x8780] =	vst v63  }
0x8b: {  	s8 =	rddreg [dreg:$0x1c];
	s0 =	simm.s32 $0x3400  }
0x8c: {  	[tilespmem:s0], [sflag:$0x3] =	stream.linear.gather [hbm4b:s8+s1], $0x200, $0x38;
	[tilespmem:$0x8780] =	vst v63  }
0x8d: {  	s8 =	rddreg [dreg:$0x10];
	s0 =	simm.s32 $0x3600  }
0x8e: {  	[tilespmem:s0], [sflag:$0x3] =	stream.linear.gather [hbm4b:s8+s1], $0x200, $0x38;
	[tilespmem:$0x8780] =	vst v63  }
0x8f: {  	s8 =	rddreg [dreg:$0x11];
	s0 =	simm.s32 $0x3800  }
0x90: {  	[tilespmem:s0], [sflag:$0x3] =	stream.linear.gather [hbm4b:s8+s1], $0x200, $0x38;
	[tilespmem:$0x8780] =	vst v63  }
0x91: {  	s8 =	rddreg [dreg:$0x12];
	s0 =	simm.s32 $0x3A00  }
0x92: {  	[tilespmem:s0], [sflag:$0x3] =	stream.linear.gather [hbm4b:s8+s1], $0x200, $0x38;
	[tilespmem:$0x8780] =	vst v63  }
0x93: {  	s8 =	rddreg [dreg:$0x13];
	s0 =	simm.s32 $0x3C00  }
0x94: {  	[tilespmem:s0], [sflag:$0x3] =	stream.linear.gather [hbm4b:s8+s1], $0x200, $0x38;
	[tilespmem:$0x8780] =	vst v63  }
0x95: {  	s8 =	rddreg [dreg:$0x14];
	s0 =	simm.s32 $0x3E00  }
0x96: {  	[tilespmem:s0], [sflag:$0x3] =	stream.linear.gather [hbm4b:s8+s1], $0x200, $0x38;
	[tilespmem:$0x8780] =	vst v63  }
0x97: {  	s8 =	rddreg [dreg:$0x15];
	s0 =	simm.s32 $0x4000  }
0x98: {  	[tilespmem:s0], [sflag:$0x3] =	stream.linear.gather [hbm4b:s8+s1], $0x200, $0x38;
	[tilespmem:$0x8780] =	vst v63  }
0x99: {  	s8 =	rddreg [dreg:$0x16];
	s0 =	simm.s32 $0x4200  }
0x9a: {  	[tilespmem:s0], [sflag:$0x3] =	stream.linear.gather [hbm4b:s8+s1], $0x200, $0x38;
	[tilespmem:$0x8780] =	vst v63  }
0x9b: {  	s8 =	rddreg [dreg:$0x17];
	s0 =	simm.s32 $0x4400  }
0x9c: {  	[tilespmem:s0], [sflag:$0x3] =	stream.linear.gather [hbm4b:s8+s1], $0x200, $0x38;
	[tilespmem:$0x8780] =	vst v63  }
0x9d: {  	s8 =	rddreg [dreg:$0x18];
	s0 =	simm.s32 $0x4600  }
0x9e: {  	[tilespmem:s0], [sflag:$0x3] =	stream.linear.gather [hbm4b:s8+s1], $0x200, $0x38;
	[tilespmem:$0x8780] =	vst v63  }
0x9f: {  	s8 =	rddreg [dreg:$0x19];
	s0 =	simm.s32 $0x4800  }
0xa0: {  	[tilespmem:s0], [sflag:$0x3] =	stream.linear.gather [hbm4b:s8+s1], $0x200, $0x38;
	[tilespmem:$0x8780] =	vst v63  }
0xa1: {  	s8 =	rddreg [dreg:$0x1a];
	s0 =	simm.s32 $0x4A00  }
0xa2: {  	[tilespmem:s0], [sflag:$0x3] =	stream.linear.gather [hbm4b:s8+s1], $0x200, $0x38;
	[tilespmem:$0x8780] =	vst v63  }
0xa3: {  	s8 =	rddreg [dreg:$0x1b];
	s0 =	simm.s32 $0x4C00  }
0xa4: {  	[tilespmem:s0], [sflag:$0x3] =	stream.linear.gather [hbm4b:s8+s1], $0x200, $0x38;
	[tilespmem:$0x8780] =	vst v63  }
0xa5: {  	s8 =	rddreg [dreg:$0x1e];
	s0 =	simm.s32 $0x8200  }
0xa6: {  	[tilespmem:s0], [sflag:$0x6] =	stream.linear.gather [hbm4b:s8+s1], $0x100, $0x38;
	[tilespmem:$0x8780] =	vst v63  }
0xa7: {  	_ =	swait.ge [sflag:s12], $0x100  }
0xa8: {  	[sflag:s12] =	ssyncset.done $0x0  }
0xa9: {  	s0 =	simm.s32 $0x8300;
	s8 =	rddreg [dreg:$0x1f];
	[sflag:s12] =	ssyncadd.s32 $0xFFFFFF00  }
0xaa: {  	[tilespmem:s0], [sflag:$0x6] =	stream.linear.gather [hbm4b:s8+s1], $0x80, $0x38;
	[tilespmem:$0x8780] =	vst v63  }
0xab: {  	_ =	swait.ge [sflag:s12], $0x80  }
0xac: {  	[sflag:s12] =	ssyncset.done $0x0  }
0xad: {  	[sflag:s12] =	ssyncadd.s32 $0xFFFFFF80  }
0xae: {  	_ =	swait.ge [sflag:s17], $0x200  }
0xaf: {  	[sflag:s17] =	ssyncset.done $0x0  }
0xb0: {  	[sflag:s17] =	ssyncadd.s32 $0xFFFFFE00  }
0xb1: {  	_ =	swait.ge [sflag:s17], $0x200  }
0xb2: {  	[sflag:s17] =	ssyncset.done $0x0  }
0xb3: {  	[sflag:s17] =	ssyncadd.s32 $0xFFFFFE00  }
0xb4: {  	_ =	swait.ge [sflag:s17], $0x200  }
0xb5: {  	[sflag:s17] =	ssyncset.done $0x0  }
0xb6: {  	[sflag:s17] =	ssyncadd.s32 $0xFFFFFE00  }
0xb7: {  	_ =	swait.ge [sflag:s17], $0x200  }
0xb8: {  	[sflag:s17] =	ssyncset.done $0x0  }
0xb9: {  	[sflag:s17] =	ssyncadd.s32 $0xFFFFFE00  }
0xba: {  	_ =	swait.ge [sflag:s17], $0x200  }
0xbb: {  	[sflag:s17] =	ssyncset.done $0x0  }
0xbc: {  	[sflag:s17] =	ssyncadd.s32 $0xFFFFFE00  }
0xbd: {  	_ =	swait.ge [sflag:s17], $0x200  }
0xbe: {  	[sflag:s17] =	ssyncset.done $0x0  }
0xbf: {  	[sflag:s17] =	ssyncadd.s32 $0xFFFFFE00  }
0xc0: {  	_ =	swait.ge [sflag:s17], $0x200  }
0xc1: {  	[sflag:s17] =	ssyncset.done $0x0  }
0xc2: {  	[sflag:s17] =	ssyncadd.s32 $0xFFFFFE00  }
0xc3: {  	_ =	swait.ge [sflag:s17], $0x200  }
0xc4: {  	[sflag:s17] =	ssyncset.done $0x0  }
0xc5: {  	[sflag:s17] =	ssyncadd.s32 $0xFFFFFE00  }
0xc6: {  	_ =	swait.ge [sflag:s17], $0x200  }
0xc7: {  	[sflag:s17] =	ssyncset.done $0x0  }
0xc8: {  	[sflag:s17] =	ssyncadd.s32 $0xFFFFFE00  }
0xc9: {  	_ =	swait.ge [sflag:s17], $0x200  }
0xca: {  	[sflag:s17] =	ssyncset.done $0x0  }
0xcb: {  	[sflag:s17] =	ssyncadd.s32 $0xFFFFFE00  }
0xcc: {  	_ =	swait.ge [sflag:s17], $0x200  }
0xcd: {  	[sflag:s17] =	ssyncset.done $0x0  }
0xce: {  	[sflag:s17] =	ssyncadd.s32 $0xFFFFFE00  }
0xcf: {  	_ =	swait.ge [sflag:s17], $0x200  }
0xd0: {  	[sflag:s17] =	ssyncset.done $0x0  }
0xd1: {  	[sflag:s17] =	ssyncadd.s32 $0xFFFFFE00  }
0xd2: {  	_ =	swait.ge [sflag:s17], $0x200  }
0xd3: {  	[sflag:s17] =	ssyncset.done $0x0  }
0xd4: {  	[sflag:s17] =	ssyncadd.s32 $0xFFFFFE00  }
0xd5: {  	s0 =	simm.s32 $0x4E00;
	s8 =	rddreg [dreg:$0x1]  }
0xd6: {  	[tilespmem:s0], [sflag:$0x4] =	stream.indirect.gather [hbm4b:s8+s2], $0x1, s1, s2, $0xb8;
	[tilespmem:$0x8780] =	vst v63  }
0xd7: {  	s8 =	sld [smem:$0x7E5];
	_ =	sdelay $0x1  }
0xd8: {  	s0 =	simm.s32 $0x5000  }
0xd9: {  	[tilespmem:s0], [sflag:$0x4] =	stream.indirect.gather [hbm4b:s8+s2], $0x1, s2, s2, $0xb8;
	[tilespmem:$0x8780] =	vst v63  }
0xda: {  	s8 =	sld [smem:$0x7E6];
	_ =	sdelay $0x1  }
0xdb: {  	s0 =	simm.s32 $0x5200  }
0xdc: {  	[tilespmem:s0], [sflag:$0x4] =	stream.indirect.gather [hbm4b:s8+s2], $0x1, s9, s2, $0xb8;
	[tilespmem:$0x8780] =	vst v63  }
0xdd: {  	s0 =	sld [smem:$0x7E7];
	_ =	sdelay $0x1  }
0xde: {  	s9 =	simm.s32 $0x5400  }
0xdf: {  	[tilespmem:s9], [sflag:$0x4] =	stream.indirect.gather [hbm4b:s0+s2], $0x1, s20, s2, $0xb8;
	[tilespmem:$0x8780] =	vst v63  }
0xe0: {  	s0 =	sld [smem:$0x7E8];
	_ =	sdelay $0x1  }
0xe1: {  	s9 =	simm.s32 $0x5600;
	s20 =	sld [smem:$0x7E9]  }
0xe2: {  	[tilespmem:s9], [sflag:$0x4] =	stream.indirect.gather [hbm4b:s0+s2], $0x1, s21, s2, $0xb8;
	[tilespmem:$0x8780] =	vst v63  }
0xe3: {  	s21 =	simm.s32 $0x5800;
	s0 =	sld [smem:$0x7EA]  }
0xe4: {  	[tilespmem:s21], [sflag:$0x4] =	stream.indirect.gather [hbm4b:s20+s2], $0x1, s10, s2, $0xb8;
	[tilespmem:$0x8780] =	vst v63  }
0xe5: {  	s9 =	simm.s32 $0x5A00;
	s20 =	sld [smem:$0x7EB]  }
0xe6: {  	[tilespmem:s9], [sflag:$0x4] =	stream.indirect.gather [hbm4b:s0+s2], $0x1, s22, s2, $0xb8;
	[tilespmem:$0x8780] =	vst v63  }
0xe7: {  	s21 =	simm.s32 $0x5C00;
	s0 =	sld [smem:$0x7EC]  }
0xe8: {  	[tilespmem:s21], [sflag:$0x4] =	stream.indirect.gather [hbm4b:s20+s2], $0x1, s11, s2, $0xb8;
	[tilespmem:$0x8780] =	vst v63  }
0xe9: {  	s9 =	simm.s32 $0x5E00;
	s20 =	sld [smem:$0x7ED]  }
0xea: {  	[tilespmem:s9], [sflag:$0x4] =	stream.indirect.gather [hbm4b:s0+s2], $0x1, s23, s2, $0xb8;
	[tilespmem:$0x8780] =	vst v63  }
0xeb: {  	s21 =	simm.s32 $0x6000;
	s0 =	sld [smem:$0x7EE]  }
0xec: {  	[tilespmem:s21], [sflag:$0x4] =	stream.indirect.gather [hbm4b:s20+s2], $0x1, s26, s2, $0xb8;
	[tilespmem:$0x8780] =	vst v63  }
0xed: {  	s9 =	simm.s32 $0x6200;
	s20 =	sld [smem:$0x7EF]  }
0xee: {  	[tilespmem:s9], [sflag:$0x4] =	stream.indirect.gather [hbm4b:s0+s2], $0x1, s28, s2, $0xb8;
	[tilespmem:$0x8780] =	vst v63  }
0xef: {  	s21 =	simm.s32 $0x6400;
	s0 =	sld [smem:$0x7F0]  }
0xf0: {  	[tilespmem:s21], [sflag:$0x4] =	stream.indirect.gather [hbm4b:s20+s2], $0x1, s29, s2, $0xb8;
	[tilespmem:$0x8780] =	vst v63  }
0xf1: {  	s9 =	simm.s32 $0x6600  }
0xf2: {  	[tilespmem:s9], [sflag:$0x4] =	stream.indirect.gather [hbm4b:s0+s2], $0x1, s30, s2, $0xb8;
	[tilespmem:$0x8780] =	vst v63  }
0xf3: {  	_ =	swait.ge [sflag:s5], $0x200  }
0xf4: {  	[sflag:s5] =	ssyncset.done $0x0  }
0xf5: {  	[sflag:s5] =	ssyncadd.s32 $0xFFFFFE00  }
0xf6: {  	_ =	swait.ge [sflag:s5], $0x200  }
0xf7: {  	[sflag:s5] =	ssyncset.done $0x0  }
0xf8: {  	[sflag:s5] =	ssyncadd.s32 $0xFFFFFE00  }
0xf9: {  	_ =	swait.ge [sflag:s5], $0x200  }
0xfa: {  	[sflag:s5] =	ssyncset.done $0x0  }
0xfb: {  	[sflag:s5] =	ssyncadd.s32 $0xFFFFFE00  }
0xfc: {  	_ =	swait.ge [sflag:s5], $0x200  }
0xfd: {  	[sflag:s5] =	ssyncset.done $0x0  }
0xfe: {  	[sflag:s5] =	ssyncadd.s32 $0xFFFFFE00  }
0xff: {  	_ =	swait.ge [sflag:s5], $0x200  }
0x100: {  	[sflag:s5] =	ssyncset.done $0x0  }
0x101: {  	[sflag:s5] =	ssyncadd.s32 $0xFFFFFE00  }
0x102: {  	_ =	swait.ge [sflag:s5], $0x200  }
0x103: {  	[sflag:s5] =	ssyncset.done $0x0  }
0x104: {  	[sflag:s5] =	ssyncadd.s32 $0xFFFFFE00  }
0x105: {  	_ =	swait.ge [sflag:s5], $0x200  }
0x106: {  	[sflag:s5] =	ssyncset.done $0x0  }
0x107: {  	[sflag:s5] =	ssyncadd.s32 $0xFFFFFE00  }
0x108: {  	_ =	swait.ge [sflag:s5], $0x200  }
0x109: {  	[sflag:s5] =	ssyncset.done $0x0  }
0x10a: {  	[sflag:s5] =	ssyncadd.s32 $0xFFFFFE00  }
0x10b: {  	_ =	swait.ge [sflag:s5], $0x200  }
0x10c: {  	[sflag:s5] =	ssyncset.done $0x0  }
0x10d: {  	[sflag:s5] =	ssyncadd.s32 $0xFFFFFE00  }
0x10e: {  	_ =	swait.ge [sflag:s5], $0x200  }
0x10f: {  	[sflag:s5] =	ssyncset.done $0x0  }
0x110: {  	[sflag:s5] =	ssyncadd.s32 $0xFFFFFE00  }
0x111: {  	_ =	swait.ge [sflag:s5], $0x200  }
0x112: {  	[sflag:s5] =	ssyncset.done $0x0  }
0x113: {  	[sflag:s5] =	ssyncadd.s32 $0xFFFFFE00  }
0x114: {  	_ =	swait.ge [sflag:s5], $0x200  }
0x115: {  	[sflag:s5] =	ssyncset.done $0x0  }
0x116: {  	[sflag:s5] =	ssyncadd.s32 $0xFFFFFE00  }
0x117: {  	_ =	swait.ge [sflag:s5], $0x200  }
0x118: {  	s20 =	sld [smem:$0x7F1]  }
0x119: {  	[sflag:s5] =	ssyncset.done $0x0  }
0x11a: {  	s21 =	simm.s32 $0x6800;
	s0 =	sld [smem:$0x7F2];
	[sflag:s5] =	ssyncadd.s32 $0xFFFFFE00  }
0x11b: {  	[tilespmem:s21], [sflag:$0x5] =	stream.indirect.gather [hbm4b:s20+s2], $0x1, s31, s2, $0xb8;
	[tilespmem:$0x8780] =	vst v63  }
0x11c: {  	s9 =	simm.s32 $0x6A00;
	s20 =	sld [smem:$0x7F3]  }
0x11d: {  	[tilespmem:s9], [sflag:$0x5] =	stream.indirect.gather [hbm4b:s0+s2], $0x1, s24, s2, $0xb8;
	[tilespmem:$0x8780] =	vst v63  }
0x11e: {  	s21 =	simm.s32 $0x6C00;
	s9 =	sld [smem:$0x7F4]  }
0x11f: {  	[tilespmem:s21], [sflag:$0x5] =	stream.indirect.gather [hbm4b:s20+s2], $0x1, s13, s2, $0xb8;
	[tilespmem:$0x8780] =	vst v63  }
0x120: {  	s20 =	simm.s32 $0x6E00;
	s21 =	simm.s32 $0x2000  }
0x121: {  	[tilespmem:s20], [sflag:$0x5] =	stream.indirect.gather [hbm4b:s9+s2], $0x1, s21, s2, $0xb8;
	[tilespmem:$0x8780] =	vst v63  }
0x122: {  	s20 =	sld [smem:$0x7F5];
	_ =	sdelay $0x1  }
0x123: {  	s0 =	sld [smem:$0x7F6];
	s21 =	simm.s32 $0x7000  }
0x124: {  	[tilespmem:s21], [sflag:$0x5] =	stream.indirect.gather [hbm4b:s20+s2], $0x1, s14, s2, $0xb8;
	[tilespmem:$0x8780] =	vst v63  }
0x125: {  	s9 =	simm.s32 $0x7200;
	s20 =	sld [smem:$0x7F7]  }
0x126: {  	[tilespmem:s9], [sflag:$0x5] =	stream.indirect.gather [hbm4b:s0+s2], $0x1, s25, s2, $0xb8;
	[tilespmem:$0x8780] =	vst v63  }
0x127: {  	s21 =	simm.s32 $0x7400;
	s0 =	sld [smem:$0x7F8]  }
0x128: {  	[tilespmem:s21], [sflag:$0x5] =	stream.indirect.gather [hbm4b:s20+s2], $0x1, s15, s2, $0xb8;
	[tilespmem:$0x8780] =	vst v63  }
0x129: {  	s9 =	simm.s32 $0x7600;
	s20 =	sld [smem:$0x7F9]  }
0x12a: {  	[tilespmem:s9], [sflag:$0x5] =	stream.indirect.gather [hbm4b:s0+s2], $0x1, s3, s2, $0xb8;
	[tilespmem:$0x8780] =	vst v63  }
0x12b: {  	s21 =	simm.s32 $0x7800;
	s0 =	sld [smem:$0x7FA]  }
0x12c: {  	[tilespmem:s21], [sflag:$0x5] =	stream.indirect.gather [hbm4b:s20+s2], $0x1, s16, s2, $0xb8;
	[tilespmem:$0x8780] =	vst v63  }
0x12d: {  	s3 =	simm.s32 $0x7A00;
	s9 =	simm.s32 $0x2C00;
	s20 =	sld [smem:$0x7FB]  }
0x12e: {  	[tilespmem:s3], [sflag:$0x5] =	stream.indirect.gather [hbm4b:s0+s2], $0x1, s9, s2, $0xb8;
	[tilespmem:$0x8780] =	vst v63  }
0x12f: {  	s21 =	simm.s32 $0x7C00;
	s0 =	sld [smem:$0x7FC]  }
0x130: {  	[tilespmem:s21], [sflag:$0x5] =	stream.indirect.gather [hbm4b:s20+s2], $0x1, s4, s2, $0xb8;
	[tilespmem:$0x8780] =	vst v63  }
0x131: {  	s3 =	simm.s32 $0x7E00;
	s9 =	sld [smem:$0x7FD]  }
0x132: {  	[tilespmem:s3], [sflag:$0x5] =	stream.indirect.gather [hbm4b:s0+s2], $0x1, s19, s2, $0xb8;
	[tilespmem:$0x8780] =	vst v63  }
0x133: {  	s20 =	simm.s32 $0x8000;
	s21 =	simm.s32 $0x3200  }
0x134: {  	[tilespmem:s20], [sflag:$0x5] =	stream.indirect.gather [hbm4b:s9+s2], $0x1, s21, s2, $0xb8;
	[tilespmem:$0x8780] =	vst v63  }
0x135: {  	_ =	swait.ge [sflag:s6], $0x200  }
0x136: {  	[sflag:s6] =	ssyncset.done $0x0  }
0x137: {  	[sflag:s6] =	ssyncadd.s32 $0xFFFFFE00  }
0x138: {  	_ =	swait.ge [sflag:s6], $0x200  }
0x139: {  	[sflag:s6] =	ssyncset.done $0x0  }
0x13a: {  	[sflag:s6] =	ssyncadd.s32 $0xFFFFFE00  }
0x13b: {  	_ =	swait.ge [sflag:s6], $0x200  }
0x13c: {  	[sflag:s6] =	ssyncset.done $0x0  }
0x13d: {  	[sflag:s6] =	ssyncadd.s32 $0xFFFFFE00  }
0x13e: {  	_ =	swait.ge [sflag:s6], $0x200  }
0x13f: {  	[sflag:s6] =	ssyncset.done $0x0  }
0x140: {  	[sflag:s6] =	ssyncadd.s32 $0xFFFFFE00  }
0x141: {  	_ =	swait.ge [sflag:s6], $0x200  }
0x142: {  	[sflag:s6] =	ssyncset.done $0x0  }
0x143: {  	[sflag:s6] =	ssyncadd.s32 $0xFFFFFE00  }
0x144: {  	_ =	swait.ge [sflag:s6], $0x200  }
0x145: {  	[sflag:s6] =	ssyncset.done $0x0  }
0x146: {  	[sflag:s6] =	ssyncadd.s32 $0xFFFFFE00  }
0x147: {  	_ =	swait.ge [sflag:s6], $0x200  }
0x148: {  	[sflag:s6] =	ssyncset.done $0x0  }
0x149: {  	[sflag:s6] =	ssyncadd.s32 $0xFFFFFE00  }
0x14a: {  	_ =	swait.ge [sflag:s6], $0x200  }
0x14b: {  	[sflag:s6] =	ssyncset.done $0x0  }
0x14c: {  	[sflag:s6] =	ssyncadd.s32 $0xFFFFFE00  }
0x14d: {  	_ =	swait.ge [sflag:s6], $0x200  }
0x14e: {  	[sflag:s6] =	ssyncset.done $0x0  }
0x14f: {  	[sflag:s6] =	ssyncadd.s32 $0xFFFFFE00  }
0x150: {  	_ =	swait.ge [sflag:s6], $0x200  }
0x151: {  	[sflag:s6] =	ssyncset.done $0x0  }
0x152: {  	[sflag:s6] =	ssyncadd.s32 $0xFFFFFE00  }
0x153: {  	_ =	swait.ge [sflag:s6], $0x200  }
0x154: {  	[sflag:s6] =	ssyncset.done $0x0  }
0x155: {  	[sflag:s6] =	ssyncadd.s32 $0xFFFFFE00  }
0x156: {  	_ =	swait.ge [sflag:s6], $0x200  }
0x157: {  	[sflag:s6] =	ssyncset.done $0x0  }
0x158: {  	[sflag:s6] =	ssyncadd.s32 $0xFFFFFE00  }
0x159: {  	_ =	swait.ge [sflag:s6], $0x200  }
0x15a: {  	[sflag:s6] =	ssyncset.done $0x0  }
0x15b: {  	[sflag:s6] =	ssyncadd.s32 $0xFFFFFE00  }
0x15c: {  	_ =	swait.ge [sflag:s18], $0x200  }
0x15d: {  	[sflag:s18] =	ssyncset.done $0x0  }
0x15e: {  	[sflag:s18] =	ssyncadd.s32 $0xFFFFFE00  }
0x15f: {  	_ =	swait.ge [sflag:s18], $0x200  }
0x160: {  	[sflag:s18] =	ssyncset.done $0x0  }
0x161: {  	[sflag:s18] =	ssyncadd.s32 $0xFFFFFE00  }
0x162: {  	_ =	swait.ge [sflag:s18], $0x200  }
0x163: {  	[sflag:s18] =	ssyncset.done $0x0  }
0x164: {  	[sflag:s18] =	ssyncadd.s32 $0xFFFFFE00  }
0x165: {  	_ =	swait.ge [sflag:s18], $0x200  }
0x166: {  	[sflag:s18] =	ssyncset.done $0x0  }
0x167: {  	[sflag:s18] =	ssyncadd.s32 $0xFFFFFE00  }
0x168: {  	_ =	swait.ge [sflag:s18], $0x200  }
0x169: {  	[sflag:s18] =	ssyncset.done $0x0  }
0x16a: {  	[sflag:s18] =	ssyncadd.s32 $0xFFFFFE00  }
0x16b: {  	_ =	swait.ge [sflag:s18], $0x200  }
0x16c: {  	[sflag:s18] =	ssyncset.done $0x0  }
0x16d: {  	[sflag:s18] =	ssyncadd.s32 $0xFFFFFE00  }
0x16e: {  	_ =	swait.ge [sflag:s18], $0x200  }
0x16f: {  	[sflag:s18] =	ssyncset.done $0x0  }
0x170: {  	[sflag:s18] =	ssyncadd.s32 $0xFFFFFE00  }
0x171: {  	_ =	swait.ge [sflag:s18], $0x200  }
0x172: {  	[sflag:s18] =	ssyncset.done $0x0  }
0x173: {  	[sflag:s18] =	ssyncadd.s32 $0xFFFFFE00  }
0x174: {  	_ =	swait.ge [sflag:s18], $0x200  }
0x175: {  	[sflag:s18] =	ssyncset.done $0x0  }
0x176: {  	[sflag:s18] =	ssyncadd.s32 $0xFFFFFE00  }
0x177: {  	_ =	swait.ge [sflag:s18], $0x200  }
0x178: {  	[sflag:s18] =	ssyncset.done $0x0  }
0x179: {  	[sflag:s18] =	ssyncadd.s32 $0xFFFFFE00  }
0x17a: {  	_ =	swait.ge [sflag:s18], $0x200  }
0x17b: {  	[sflag:s18] =	ssyncset.done $0x0  }
0x17c: {  	[sflag:s18] =	ssyncadd.s32 $0xFFFFFE00  }
0x17d: {  	_ =	swait.ge [sflag:s18], $0x200  }
0x17e: {  	[sflag:s18] =	ssyncset.done $0x0  }
0x17f: {  	[sflag:s18] =	ssyncadd.s32 $0xFFFFFE00  }
0x180: {  	_ =	swait.ge [sflag:s18], $0x200  }
0x181: {  	[sflag:s18] =	ssyncset.done $0x0  }
0x182: {  	s8 =	simm.s32 $0x0;
	[sflag:s18] =	ssyncadd.s32 $0xFFFFFE00  }
0x183: {  	s20 =	simm.s32 $0x40;
	v0 =	vld [tilespmem:s8+$0x4E00]  }
.LBB2_2:
0x184: {  	p0 =	sne.s32 s20, $0x7C0;
	v1 =	vld [tilespmem:$0x8300];
	_ =	sdelay $0x1  }
0x185: {  	v2 =	vld [tilespmem:s8+$0x5000];
	_ =	sdelay $0x1  }
0x186: {  	v3 =	vld [tilespmem:s8+$0x5200]  }
0x187: {  	v0 =	vadd.f32 v0, v1  }
0x188: {  	v1 =	vld [tilespmem:s8+$0x5400]  }
0x189: {  	v0 =	vadd.f32 v2, v0  }
0x18a: {  	v2 =	vld [tilespmem:s8+$0x5600]  }
0x18b: {  	v0 =	vadd.f32 v3, v0  }
0x18c: {  	v3 =	vld [tilespmem:s8+$0x5800]  }
0x18d: {  	v0 =	vadd.f32 v1, v0  }
0x18e: {  	v1 =	vld [tilespmem:s8+$0x5A00]  }
0x18f: {  	v0 =	vadd.f32 v2, v0  }
0x190: {  	v2 =	vld [tilespmem:s8+$0x5C00]  }
0x191: {  	v0 =	vadd.f32 v3, v0  }
0x192: {  	v3 =	vld [tilespmem:s8+$0x5E00]  }
0x193: {  	v0 =	vadd.f32 v1, v0  }
0x194: {  	v1 =	vld [tilespmem:s8+$0x6000]  }
0x195: {  	v0 =	vadd.f32 v2, v0  }
0x196: {  	v2 =	vld [tilespmem:s8+$0x6200]  }
0x197: {  	v0 =	vadd.f32 v3, v0;
	v3 =	vld [tilespmem:s8+$0x6600]  }
0x198: {  	v4 =	vld [tilespmem:s8+$0x6400]  }
0x199: {  	v0 =	vadd.f32 v1, v0;
	v1 =	vld [tilespmem:s8+$0x3400]  }
0x19a: {  	v5 =	vld [tilespmem:$0x8200]  }
0x19b: {  	v0 =	vadd.f32 v2, v0;
	v2 =	vld [tilespmem:s8+$0x3600]  }
0x19c: {  	v6 =	vld [tilespmem:$0x8210]  }
0x19d: {  	v0 =	vadd.f32 v4, v0;
	v4 =	vld [tilespmem:s8+$0x3800]  }
0x19e: {  	v7 =	vld [tilespmem:$0x8220]  }
0x19f: {  	v0 =	vadd.f32 v3, v0;
	v1 =	vmul.f32 v5, v1;
	v3 =	vld [tilespmem:s8+$0x3A00]  }
0x1a0: {  	v5 =	vld [tilespmem:$0x8230]  }
0x1a1: {  	v0 =	vadd.f32 v1, v0;
	v1 =	vmul.f32 v6, v2;
	v2 =	vld [tilespmem:s8+$0x3C00]  }
0x1a2: {  	v6 =	vld [tilespmem:$0x8240]  }
0x1a3: {  	v0 =	vadd.f32 v1, v0;
	v1 =	vmul.f32 v7, v4;
	v4 =	vld [tilespmem:s8+$0x3E00]  }
0x1a4: {  	v7 =	vld [tilespmem:$0x8250]  }
0x1a5: {  	v0 =	vadd.f32 v1, v0;
	v1 =	vmul.f32 v5, v3;
	v3 =	vld [tilespmem:s8+$0x4000]  }
0x1a6: {  	v5 =	vld [tilespmem:$0x8260]  }
0x1a7: {  	v0 =	vadd.f32 v1, v0;
	v1 =	vmul.f32 v6, v2;
	v2 =	vld [tilespmem:s8+$0x4200]  }
0x1a8: {  	v6 =	vld [tilespmem:$0x8270]  }
0x1a9: {  	v0 =	vadd.f32 v1, v0;
	v1 =	vmul.f32 v7, v4;
	v4 =	vld [tilespmem:s8+$0x4400]  }
0x1aa: {  	v7 =	vld [tilespmem:$0x8280]  }
0x1ab: {  	v0 =	vadd.f32 v1, v0;
	v1 =	vmul.f32 v5, v3;
	v3 =	vld [tilespmem:s8+$0x4600]  }
0x1ac: {  	v5 =	vld [tilespmem:$0x8290]  }
0x1ad: {  	v0 =	vadd.f32 v1, v0;
	v1 =	vmul.f32 v6, v2;
	v2 =	vld [tilespmem:s8+$0x4800]  }
0x1ae: {  	v6 =	vld [tilespmem:$0x82A0]  }
0x1af: {  	v0 =	vadd.f32 v1, v0;
	v1 =	vmul.f32 v7, v4;
	v4 =	vld [tilespmem:s8+$0x4A00]  }
0x1b0: {  	v7 =	vld [tilespmem:$0x82B0]  }
0x1b1: {  	v0 =	vadd.f32 v1, v0;
	v1 =	vmul.f32 v5, v3;
	v3 =	vld [tilespmem:s8+$0x4C00]  }
0x1b2: {  	v5 =	vld [tilespmem:$0x82C0]  }
0x1b3: {  	v0 =	vadd.f32 v1, v0;
	v1 =	vmul.f32 v6, v2;
	_ =	sdelay $0x1  }
0x1b4: {  	v0 =	vadd.f32 v1, v0;
	v1 =	vmul.f32 v7, v4;
	_ =	sdelay $0x1  }
.Ltmp0:
0x1b5: {  	v0 =	vadd.f32 v1, v0;
	v1 =	vmul.f32 v5, v3;
	(pc) =	sbr.rel @p0 .LBB2_2-.Ltmp0, $4  }
0x1b6: {  	_ = 	snop  }
0x1b7: {  	v1 =	vadd.f32 v1, v0  }
0x1b8: {  	s9 =	sshra.s32 s20, $0x2  }
0x1b9: {  	s20 =	sadd.s32 $0x40, s20;
	v0 =	vld [tilespmem:s9+$0x4E00];
	[tilespmem:s8+$0x8380] =	vst v1;
	s8 =	smov.u32 s9  }
0x1ba: {  	v1 =	vld [tilespmem:$0x8300];
	_ =	sdelay $0x1  }
0x1bb: {  	v2 =	vld [tilespmem:s8+$0x5000];
	_ =	sdelay $0x1  }
0x1bc: {  	v3 =	vld [tilespmem:s8+$0x5200]  }
0x1bd: {  	v0 =	vadd.f32 v0, v1  }
0x1be: {  	v1 =	vld [tilespmem:s8+$0x5400]  }
0x1bf: {  	v0 =	vadd.f32 v2, v0  }
0x1c0: {  	v2 =	vld [tilespmem:s8+$0x5600]  }
0x1c1: {  	v0 =	vadd.f32 v3, v0  }
0x1c2: {  	v3 =	vld [tilespmem:s8+$0x5800]  }
0x1c3: {  	v0 =	vadd.f32 v1, v0  }
0x1c4: {  	v1 =	vld [tilespmem:s8+$0x5A00]  }
0x1c5: {  	v0 =	vadd.f32 v2, v0  }
0x1c6: {  	v2 =	vld [tilespmem:s8+$0x5C00]  }
0x1c7: {  	v0 =	vadd.f32 v3, v0  }
0x1c8: {  	v3 =	vld [tilespmem:s8+$0x5E00]  }
0x1c9: {  	v0 =	vadd.f32 v1, v0  }
0x1ca: {  	v1 =	vld [tilespmem:s8+$0x6000]  }
0x1cb: {  	v0 =	vadd.f32 v2, v0  }
0x1cc: {  	v2 =	vld [tilespmem:s8+$0x6200]  }
0x1cd: {  	v4 =	vld [tilespmem:s8+$0x6400];
	v0 =	vadd.f32 v3, v0  }
0x1ce: {  	v5 =	vld [tilespmem:$0x8200]  }
0x1cf: {  	v3 =	vld [tilespmem:s8+$0x6600];
	v0 =	vadd.f32 v1, v0  }
0x1d0: {  	v1 =	vld [tilespmem:s8+$0x3400]  }
0x1d1: {  	v6 =	vld [tilespmem:$0x8210];
	v0 =	vadd.f32 v2, v0  }
0x1d2: {  	v2 =	vld [tilespmem:s8+$0x3600]  }
0x1d3: {  	v50 =	vld [tilespmem:s8+$0x3800];
	v0 =	vadd.f32 v4, v0  }
0x1d4: {  	v7 =	vld [tilespmem:$0x8220]  }
0x1d5: {  	v51 =	vld [tilespmem:$0x8230];
	v1 =	vmul.f32 v5, v1;
	v0 =	vadd.f32 v3, v0  }
0x1d6: {  	v3 =	vld [tilespmem:s8+$0x3A00]  }
0x1d7: {  	v52 =	vld [tilespmem:$0x8240];
	v0 =	vadd.f32 v1, v0;
	v1 =	vmul.f32 v6, v2  }
0x1d8: {  	v2 =	vld [tilespmem:s8+$0x3C00]  }
0x1d9: {  	v53 =	vld [tilespmem:s8+$0x3E00];
	v0 =	vadd.f32 v1, v0;
	v1 =	vmul.f32 v7, v50  }
0x1da: {  	v54 =	vld [tilespmem:$0x8250]  }
0x1db: {  	v55 =	vld [tilespmem:$0x8260];
	v0 =	vadd.f32 v1, v0;
	v1 =	vmul.f32 v51, v3  }
0x1dc: {  	v3 =	vld [tilespmem:s8+$0x4000]  }
0x1dd: {  	v56 =	vld [tilespmem:$0x8270];
	v0 =	vadd.f32 v1, v0;
	v1 =	vmul.f32 v52, v2  }
0x1de: {  	v2 =	vld [tilespmem:s8+$0x4200]  }
0x1df: {  	v57 =	vld [tilespmem:s8+$0x4400];
	v0 =	vadd.f32 v1, v0;
	v1 =	vmul.f32 v54, v53  }
0x1e0: {  	v58 =	vld [tilespmem:$0x8280]  }
0x1e1: {  	v59 =	vld [tilespmem:$0x8290];
	v0 =	vadd.f32 v1, v0;
	v1 =	vmul.f32 v55, v3  }
0x1e2: {  	v3 =	vld [tilespmem:s8+$0x4600]  }
0x1e3: {  	v60 =	vld [tilespmem:$0x82A0];
	v0 =	vadd.f32 v1, v0;
	v1 =	vmul.f32 v56, v2  }
0x1e4: {  	v2 =	vld [tilespmem:s8+$0x4800]  }
0x1e5: {  	v61 =	vld [tilespmem:s8+$0x4A00];
	v0 =	vadd.f32 v1, v0;
	v1 =	vmul.f32 v58, v57  }
0x1e6: {  	v62 =	vld [tilespmem:$0x82B0]  }
0x1e7: {  	v63 =	vld [tilespmem:$0x82C0];
	v0 =	vadd.f32 v1, v0;
	v1 =	vmul.f32 v59, v3  }
0x1e8: {  	v3 =	vld [tilespmem:s8+$0x4C00]  }
0x1e9: {  	v0 =	vadd.f32 v1, v0;
	v1 =	vmul.f32 v60, v2;
	_ =	sdelay $0x1  }
0x1ea: {  	v0 =	vadd.f32 v1, v0;
	v1 =	vmul.f32 v62, v61;
	_ =	sdelay $0x1  }
0x1eb: {  	v0 =	vadd.f32 v1, v0;
	v1 =	vmul.f32 v63, v3;
	_ =	sdelay $0x1  }
0x1ec: {  	v0 =	vadd.f32 v1, v0;
	_ =	sdelay $0x1  }
0x1ed: {  	[tilespmem:s8+$0x8380] =	vst v0  }
0x1ee: {  	_ =	swait.ge [sflag:s7], $0x200  }
0x1ef: {  	[sflag:s7] =	ssyncset.done $0x0  }
0x1f0: {  	[sflag:s7] =	ssyncadd.s32 $0xFFFFFE00  }
0x1f1: {  	_ =	swait.ge [sflag:s7], $0x200  }
0x1f2: {  	[sflag:s7] =	ssyncset.done $0x0  }
0x1f3: {  	[sflag:s7] =	ssyncadd.s32 $0xFFFFFE00  }
0x1f4: {  	_ =	swait.ge [sflag:s7], $0x200  }
0x1f5: {  	[sflag:s7] =	ssyncset.done $0x0  }
0x1f6: {  	[sflag:s7] =	ssyncadd.s32 $0xFFFFFE00  }
0x1f7: {  	_ =	swait.ge [sflag:s7], $0x200  }
0x1f8: {  	[sflag:s7] =	ssyncset.done $0x0  }
0x1f9: {  	[sflag:s7] =	ssyncadd.s32 $0xFFFFFE00  }
0x1fa: {  	_ =	swait.ge [sflag:s7], $0x200  }
0x1fb: {  	[sflag:s7] =	ssyncset.done $0x0  }
0x1fc: {  	[sflag:s7] =	ssyncadd.s32 $0xFFFFFE00  }
0x1fd: {  	_ =	swait.ge [sflag:s7], $0x200  }
0x1fe: {  	[sflag:s7] =	ssyncset.done $0x0  }
0x1ff: {  	[sflag:s7] =	ssyncadd.s32 $0xFFFFFE00  }
0x200: {  	_ =	swait.ge [sflag:s7], $0x200  }
0x201: {  	[sflag:s7] =	ssyncset.done $0x0  }
0x202: {  	[sflag:s7] =	ssyncadd.s32 $0xFFFFFE00  }
0x203: {  	_ =	swait.ge [sflag:s7], $0x200  }
0x204: {  	[sflag:s7] =	ssyncset.done $0x0  }
0x205: {  	[sflag:s7] =	ssyncadd.s32 $0xFFFFFE00  }
0x206: {  	_ =	swait.ge [sflag:s7], $0x200  }
0x207: {  	[sflag:s7] =	ssyncset.done $0x0  }
0x208: {  	[sflag:s7] =	ssyncadd.s32 $0xFFFFFE00  }
0x209: {  	_ =	swait.ge [sflag:s7], $0x200  }
0x20a: {  	[sflag:s7] =	ssyncset.done $0x0  }
0x20b: {  	[sflag:s7] =	ssyncadd.s32 $0xFFFFFE00  }
0x20c: {  	_ =	swait.ge [sflag:s7], $0x200  }
0x20d: {  	[sflag:s7] =	ssyncset.done $0x0  }
0x20e: {  	[sflag:s7] =	ssyncadd.s32 $0xFFFFFE00  }
0x20f: {  	_ =	swait.ge [sflag:s7], $0x200  }
0x210: {  	[sflag:s7] =	ssyncset.done $0x0  }
0x211: {  	[sflag:s7] =	ssyncadd.s32 $0xFFFFFE00  }
0x212: {  	_ =	swait.ge [sflag:s7], $0x200  }
0x213: {  	s20 =	simm.s32 $0x0;
	[sflag:s7] =	ssyncset.done $0x0  }
0x214: {  	s8 =	sand.u32 $0x1F0, s20;
	[sflag:s7] =	ssyncadd.s32 $0xFFFFFE00  }
0x215: {  	s9 =	simm.s32 $0x8380;
	v0 =	vld [tilespmem:s8+$0x6800]  }
0x216: {  	v1 =	vld [tilespmem:s9+$0x0];
	_ =	sdelay $0x1  }
0x217: {  	v2 =	vld [tilespmem:s8+$0x6A00];
	_ =	sdelay $0x1  }
0x218: {  	v3 =	vld [tilespmem:s8+$0x6C00]  }
0x219: {  	v0 =	vadd.f32 v0, v1  }
0x21a: {  	v1 =	vld [tilespmem:s8+$0x6E00]  }
0x21b: {  	v0 =	vadd.f32 v2, v0  }
0x21c: {  	v2 =	vld [tilespmem:s8+$0x7000]  }
0x21d: {  	v0 =	vadd.f32 v3, v0  }
0x21e: {  	v3 =	vld [tilespmem:s8+$0x7200]  }
0x21f: {  	v0 =	vadd.f32 v1, v0  }
0x220: {  	v1 =	vld [tilespmem:s8+$0x7400]  }
0x221: {  	v0 =	vadd.f32 v2, v0  }
0x222: {  	v2 =	vld [tilespmem:s8+$0x7600]  }
0x223: {  	v0 =	vadd.f32 v3, v0  }
0x224: {  	v3 =	vld [tilespmem:s8+$0x7800]  }
0x225: {  	v0 =	vadd.f32 v1, v0  }
0x226: {  	v1 =	vld [tilespmem:s8+$0x7A00]  }
0x227: {  	v0 =	vadd.f32 v2, v0  }
0x228: {  	v2 =	vld [tilespmem:s8+$0x7C00]  }
0x229: {  	v0 =	vadd.f32 v3, v0  }
0x22a: {  	v3 =	vld [tilespmem:s8+$0x7E00]  }
0x22b: {  	v0 =	vadd.f32 v1, v0  }
0x22c: {  	v1 =	vld [tilespmem:s8+$0x8000]  }
0x22d: {  	v0 =	vadd.f32 v2, v0;
	_ =	sdelay $0x1  }
0x22e: {  	v0 =	vadd.f32 v3, v0;
	_ =	sdelay $0x1  }
0x22f: {  	v0 =	vadd.f32 v1, v0;
	_ =	sdelay $0x1  }
0x230: {  	v0 =	vsub.f32 $0.0e+00, v0;
	_ =	sdelay $0x1  }
0x231: {  	v0 =	vmul.f32 $1.442695020e+00, v0;
	_ =	sdelay $0x1  }
0x232: {  	(erf) = vpow2.f32 v0;
	_ =	sdelay $0x8  }
0x233: {  	v0 =	vpop (erf)  }
0x234: {  	v0 =	vadd.f32 $1.000000000e+00, v0;
	_ =	sdelay $0x1  }
0x235: {  	(erf) = vrcp.f32 v0;
	_ =	sdelay $0x8  }
0x236: {  	s21 =	simm.s32 $0x10;
	s8 =	simm.s32 $0x8580;
	v0 =	vpop (erf)  }
0x237: {  	s21 =	sand.u32 $0x1F0, s21;
	[tilespmem:s8+$0x0] =	vst v0  }
0x238: {  	s20 =	simm.s32 $0x8390;
	s9 =	simm.s32 $0x20;
	v0 =	vld [tilespmem:s21+$0x6800]  }
.LBB2_4:
0x239: {  	p0 =	sne.s32 s9, $0x1F0;
	v1 =	vld [tilespmem:s20+$0x0];
	_ =	sdelay $0x1  }
0x23a: {  	v2 =	vld [tilespmem:s21+$0x6A00];
	_ =	sdelay $0x1  }
0x23b: {  	v3 =	vld [tilespmem:s21+$0x6C00]  }
0x23c: {  	v0 =	vadd.f32 v0, v1  }
0x23d: {  	v1 =	vld [tilespmem:s21+$0x6E00]  }
0x23e: {  	v0 =	vadd.f32 v2, v0  }
0x23f: {  	v2 =	vld [tilespmem:s21+$0x7000]  }
0x240: {  	v0 =	vadd.f32 v3, v0  }
0x241: {  	v3 =	vld [tilespmem:s21+$0x7200]  }
0x242: {  	v0 =	vadd.f32 v1, v0  }
0x243: {  	v1 =	vld [tilespmem:s21+$0x7400]  }
0x244: {  	v0 =	vadd.f32 v2, v0  }
0x245: {  	v2 =	vld [tilespmem:s21+$0x7600]  }
0x246: {  	v0 =	vadd.f32 v3, v0  }
0x247: {  	v3 =	vld [tilespmem:s21+$0x7800]  }
0x248: {  	v0 =	vadd.f32 v1, v0  }
0x249: {  	v1 =	vld [tilespmem:s21+$0x7A00]  }
0x24a: {  	v0 =	vadd.f32 v2, v0  }
0x24b: {  	v2 =	vld [tilespmem:s21+$0x7C00]  }
0x24c: {  	v0 =	vadd.f32 v3, v0  }
0x24d: {  	v3 =	vld [tilespmem:s21+$0x7E00]  }
0x24e: {  	v0 =	vadd.f32 v1, v0  }
0x24f: {  	v1 =	vld [tilespmem:s21+$0x8000]  }
0x250: {  	v0 =	vadd.f32 v2, v0;
	_ =	sdelay $0x1  }
0x251: {  	v0 =	vadd.f32 v3, v0;
	_ =	sdelay $0x1  }
0x252: {  	v0 =	vadd.f32 v1, v0;
	_ =	sdelay $0x1  }
0x253: {  	v0 =	vsub.f32 $0.0e+00, v0;
	_ =	sdelay $0x1  }
0x254: {  	v0 =	vmul.f32 $1.442695020e+00, v0;
	_ =	sdelay $0x1  }
0x255: {  	(erf) = vpow2.f32 v0;
	_ =	sdelay $0x8  }
0x256: {  	v0 =	vpop (erf)  }
0x257: {  	v0 =	vadd.f32 $1.000000000e+00, v0;
	_ =	sdelay $0x1  }
0x258: {  	(erf) = vrcp.f32 v0;
	_ =	sdelay $0x6  }
.Ltmp1:
0x259: {  	(pc) =	sbr.rel @p0 .LBB2_4-.Ltmp1, $4  }
0x25a: {  	_ = 	snop  }
0x25b: {  	s8 =	sadd.s32 $0x10, s8;
	v0 =	vpop (erf)  }
0x25c: {  	s21 =	sand.u32 $0x1F0, s9;
	[tilespmem:s8+$0x0] =	vst v0  }
0x25d: {  	s20 =	sadd.s32 $0x10, s20;
	s9 =	sadd.s32 $0x10, s9;
	v0 =	vld [tilespmem:s21+$0x6800]  }
0x25e: {  	v1 =	vld [tilespmem:s20+$0x0];
	_ =	sdelay $0x1  }
0x25f: {  	v2 =	vld [tilespmem:s21+$0x6A00];
	_ =	sdelay $0x1  }
0x260: {  	v3 =	vld [tilespmem:s21+$0x6C00]  }
0x261: {  	v0 =	vadd.f32 v0, v1  }
0x262: {  	v54 =	vld [tilespmem:s21+$0x6E00]  }
0x263: {  	v0 =	vadd.f32 v2, v0  }
0x264: {  	v55 =	vld [tilespmem:s21+$0x7000]  }
0x265: {  	v0 =	vadd.f32 v3, v0  }
0x266: {  	v56 =	vld [tilespmem:s21+$0x7200]  }
0x267: {  	v0 =	vadd.f32 v54, v0  }
0x268: {  	v57 =	vld [tilespmem:s21+$0x7400]  }
0x269: {  	v0 =	vadd.f32 v55, v0  }
0x26a: {  	v58 =	vld [tilespmem:s21+$0x7600]  }
0x26b: {  	v0 =	vadd.f32 v56, v0  }
0x26c: {  	v59 =	vld [tilespmem:s21+$0x7800]  }
0x26d: {  	v0 =	vadd.f32 v57, v0  }
0x26e: {  	v60 =	vld [tilespmem:s21+$0x7A00]  }
0x26f: {  	v0 =	vadd.f32 v58, v0  }
0x270: {  	v61 =	vld [tilespmem:s21+$0x7C00]  }
0x271: {  	v0 =	vadd.f32 v59, v0  }
0x272: {  	v62 =	vld [tilespmem:s21+$0x7E00]  }
0x273: {  	v0 =	vadd.f32 v60, v0  }
0x274: {  	v63 =	vld [tilespmem:s21+$0x8000]  }
0x275: {  	v0 =	vadd.f32 v61, v0;
	_ =	sdelay $0x1  }
0x276: {  	v0 =	vadd.f32 v62, v0;
	_ =	sdelay $0x1  }
0x277: {  	v0 =	vadd.f32 v63, v0;
	_ =	sdelay $0x1  }
0x278: {  	v0 =	vsub.f32 $0.0e+00, v0;
	_ =	sdelay $0x1  }
0x279: {  	v0 =	vmul.f32 $1.442695020e+00, v0;
	_ =	sdelay $0x1  }
0x27a: {  	(erf) = vpow2.f32 v0;
	_ =	sdelay $0x8  }
0x27b: {  	v0 =	vpop (erf)  }
0x27c: {  	v0 =	vadd.f32 $1.000000000e+00, v0;
	_ =	sdelay $0x1  }
0x27d: {  	(erf) = vrcp.f32 v0;
	_ =	sdelay $0x8  }
0x27e: {  	s8 =	sadd.s32 $0x10, s8;
	v0 =	vpop (erf)  }
0x27f: {  	s9 =	rddreg [dreg:$0x1d];
	s0 =	simm.s32 $0x8580;
	s3 =	simm.s32 $0x6;
	[tilespmem:s8+$0x0] =	vst v0  }
0x280: {  	[hbm4b:s9+s1] =	stream.linear.scatter [tilespmem:s0], [sflag:$0x6], $0x200, $0x38;
	[tilespmem:$0x8780] =	vst v63  }
0x281: {  	_ =	swait.ge [sflag:s3], $0x200  }
0x282: {  	s20 =	sld [smem:$0x7D5]  }
0x283: {  	s21 =	sld [smem:$0x7D6];
	_ =	sdelay $0x1  }
0x284: {  	s0 =	sadd.s32 $0x1, s20  }
0x285: {  	p0 =	sne.s32 s0, s21  }
.Ltmp2:
0x286: {  	_ = 	snop;
	(pc) =	sbr.rel @p0 .LBB2_1-.Ltmp2, $3  }
0x287: {  	_ =	sdelay $0x1  }
0x288: {  	[sflag:s3] =	ssyncset.done $0x0  }
0x289: {  	[sflag:s3] =	ssyncadd.s32 $0xFFFFFE00  }
0x28a: {  	_ =	sfence.sel $0x180000  }
0x28b: {  	[bflag:$0x0] =	sbarrier.arrive $0xFFFF  }
0x28c: {  	_ =	strace $0x90000047  }
0x28d: {  	s0 =	stileid.u32;
	[bflag:$0x2] =	sbarrier.arrive $0xFFFF  }
0x28e: {  	p0 =	sne.s32 s0, $0x0;
	s0 =	rddreg [dreg:$0x3]  }
0x28f: {  	s0 =	sadd.s32 @!p0 $0x100000, s0  }
0x290: {  	[sflag:s0] =	ssyncadd.tile.s32 @!p0 $0x1;
	_ =	shalt  }
.Lfunc_end2:
_tile_overlayer_lowered:
.L_overlay_start_2:
0x291: {  	(tag) =	ssettag $0x2  }
0x292: {  	s0 =	rddreg [dreg:$0x0];
	s2 =	stileid.u32  }
0x293: {  	s1 =	rddreg [dreg:$0x1];
	p0 =	sne.s32 s2, $0x0  }
0x294: {  	s3 =	rddreg [dreg:$0x2];
	[bflag:$0x3] =	sbarrier.arrive $0xFFFF;
	s2 =	simm.s32 @!p0 $0x1C06  }
0x295: {  	[timem:s3], [sflag:s2] =	dma.local @!p0 [hbm:s0], s1  }
0x296: {  	s0 =	simm.s32 @!p0 $0x6  }
0x297: {  	_ =	swait.ge @!p0 [sflag:s0], s1  }
0x298: {  	s1 =	ssub.s32 @!p0 $0x0, s1;
	[sflag:s0] =	ssyncset.done @!p0 $0x0  }
0x299: {  	[sflag:s0] =	ssyncadd.s32 @!p0 s1  }
0x29a: {  	[bflag:$0x3] =	sbarrier.arrive $0xFFFF  }
0x29b: {  	_ =	shalt  }

</sc_bundles>
